<compile_context>
chip_gen: v7x
topology: tpu7x:2x2x1
jax: 0.10.2.dev20260603
libtpu: 0.0.44.dev20260713+nightly
codegen_flags: <defaults>
</compile_context>

<pallas_src>
import functools

import jax
import jax.numpy as jnp
from jax import lax
from jax.experimental import pallas as pl
from jax.experimental.pallas import tpu as pltpu
from jax.experimental.pallas import tpu_sc as plsc

N = 10000
NP = 10240
E = 320000
NW = 32
EPT = E // NW
C = 40
NCHUNK = EPT // C
C2 = 80
NCHUNK2 = EPT // C2
RPT = NP // 16
BLK = 1024
GRID = NP // BLK

@functools.cache
def _mesh():
    return plsc.VectorSubcoreMesh(core_axis_name="c", subcore_axis_name="s")



def _deg_body(src_hbm, dst_hbm, out_hbm, hs_v, hd_v, idx_v):
    c = lax.axis_index("c")
    s = lax.axis_index("s")
    wid = s * 2 + c
    zero16 = jnp.zeros((16,), jnp.float32)

    def zinit(i, _):
        hs_v[pl.ds(i * 16, 16)] = zero16
        hd_v[pl.ds(i * 16, 16)] = zero16
        return 0

    lax.fori_loop(0, NP // 16, zinit, 0)

    ones16 = jnp.ones((16,), jnp.float32)
    base = wid * EPT
    CH = 2000

    def run_hist(hist_ref, e_hbm):
        def chunk(j, _):
            pltpu.sync_copy(e_hbm.at[pl.ds(base + j * CH, CH)], idx_v)

            def upd(t, __):
                idxs = idx_v[pl.ds(t * 16, 16)]
                plsc.addupdate_scatter(hist_ref, [idxs], ones16)
                return 0

            lax.fori_loop(0, CH // 16, upd, 0)
            return 0

        lax.fori_loop(0, EPT // CH, chunk, 0)

    run_hist(hs_v, src_hbm)
    run_hist(hd_v, dst_hbm)
    pltpu.sync_copy(hs_v, out_hbm.at[wid, 0])
    pltpu.sync_copy(hd_v, out_hbm.at[wid, 1])


@functools.cache
def _deg_call():
    return pl.kernel(
        _deg_body,
        mesh=_mesh(),
        out_type=jax.ShapeDtypeStruct((NW, 2, NP), jnp.float32),
        scratch_types=[
            pltpu.VMEM((NP,), jnp.float32),
            pltpu.VMEM((NP,), jnp.float32),
            pltpu.VMEM((2000,), jnp.int32),
        ],
        compiler_params=pltpu.CompilerParams(needs_layout_passes=False),
    )



NB = 4


def _make_scatter(D, Cc, nchunk, nb):
    KD = D // 16
    ngrp_end = (nchunk - 2) // nb

    def body(h_hbm, src_hbm, dst_hbm, out_hbm, acc_s, si_v, di_v, *rest):
        R = rest[:nb]
        G = rest[nb:2 * nb]
        S = rest[2 * nb:3 * nb]
        is0, is1 = rest[3 * nb], rest[3 * nb + 1]
        c = lax.axis_index("c")
        s = lax.axis_index("s")
        wid = s * 2 + c
        zero16 = jnp.zeros((16,), jnp.float32)

        def ga(i, b):
            pltpu.async_copy(h_hbm.at[si_v.at[i]], R[b], G[b])

        def ga_w(i, b):
            pltpu.make_async_copy(h_hbm.at[si_v.at[i]], R[b], G[b]).wait()

        def sc(i, b):
            pltpu.async_copy(R[b], acc_s.at[di_v.at[i]], S[b], add=True)

        def sc_w(b):
            pltpu.make_async_copy(R[b], acc_s.at[di_v.at[0]], S[b]).wait()

        icp_s = pltpu.async_copy(src_hbm.at[wid], si_v, is0)
        icp_d = pltpu.async_copy(dst_hbm.at[wid], di_v, is1)

        def zrow(i, _):
            def zcol(k, __):
                R[0][i, pl.ds(k * 16, 16)] = zero16
                return 0

            lax.fori_loop(0, KD, zcol, 0)
            return 0

        lax.fori_loop(0, Cc, zrow, 0)

        def zcopy(j, _):
            pltpu.sync_copy(R[0], acc_s.at[pl.ds(s * RPT + j * Cc, Cc)])
            return 0

        lax.fori_loop(0, RPT // Cc, zcopy, 0)
        icp_s.wait()
        icp_d.wait()
        ga(0, 0)
        ga(1, 1)
        plsc.subcore_barrier()

        def slot(i, si):
            b = si % nb
            ga_w(i, b)
            sc(i, b)
            if si >= nb - 2:
                sc_w((b + 2) % nb)
            if si + 2 <= nchunk - 1:
                ga(i + 2, (b + 2) % nb)

        for si in range(nb):
            slot(si, si)

        def grp(g, _):
            i0 = g * nb
            for b in range(nb):
                slot(i0 + b, nb + b)
            return 0

        lax.fori_loop(1, ngrp_end, grp, 0)
        for si in range(ngrp_end * nb, nchunk):
            slot(si, si)
        for j in range(nchunk + 2 - nb, nchunk):
            sc_w(j % nb)
        plsc.subcore_barrier()
        pltpu.sync_copy(acc_s.at[pl.ds(s * RPT, RPT)],
                        out_hbm.at[c, pl.ds(s * RPT, RPT)])

    return pl.kernel(
        body,
        mesh=_mesh(),
        out_type=jax.ShapeDtypeStruct((2, NP, D), jnp.float32),
        scratch_types=(
            [
                pltpu.VMEM_SHARED((NP, D), jnp.float32),
                pltpu.VMEM((nchunk, Cc), jnp.int32),
                pltpu.VMEM((nchunk, Cc), jnp.int32),
            ]
            + [pltpu.VMEM((Cc, D), jnp.float32)] * nb
            + [pltpu.SemaphoreType.DMA] * (2 * nb + 2)
        ),
        compiler_params=pltpu.CompilerParams(use_tc_tiling_on_sc=False),
    )


_scatter128 = functools.cache(lambda: _make_scatter(128, C, NCHUNK, 5))
_scatter64 = functools.cache(lambda: _make_scatter(64, C2, NCHUNK2, 5))



def _norms(deg_ref):
    deg = jnp.sum(deg_ref[...], axis=0)
    ns = lax.rsqrt(jnp.maximum(deg[0], 1.0))
    nd = lax.rsqrt(jnp.maximum(deg[1], 1.0))
    return ns, nd


def _tc_a_body(deg_ref, x_ref, w_ref, o_ref):
    ns, _ = _norms(deg_ref)
    xw = jnp.dot(x_ref[...], w_ref[...], preferred_element_type=jnp.float32)
    o_ref[...] = xw * ns[:, None]


def _tc_b_body(deg_ref, p_ref, b1_ref, w2_ref, o_ref):
    ns, nd = _norms(deg_ref)
    agg = p_ref[0] + p_ref[1]
    h1 = jnp.maximum(agg * nd[:, None] + b1_ref[...], 0.0)
    o_ref[...] = jnp.dot(h1 * ns[:, None], w2_ref[...],
                         preferred_element_type=jnp.float32)


def _tc_c_body(deg_ref, q_ref, b2_ref, wf1_ref, bf1_ref, wf2_ref, bf2_ref,
               out0_ref, hl_ref):
    _, nd = _norms(deg_ref)
    agg = q_ref[0] + q_ref[1]
    h_last = jnp.maximum(agg * nd[:, None] + b2_ref[...], 0.0)
    m = jnp.maximum(jnp.dot(h_last, wf1_ref[...],
                            preferred_element_type=jnp.float32) + bf1_ref[...], 0.0)
    out0_ref[...] = jnp.dot(m, wf2_ref[...],
                            preferred_element_type=jnp.float32) + bf2_ref[...]
    hl_ref[...] = h_last


_DEG_SPEC = pl.BlockSpec((NW, 2, BLK), lambda i: (0, 0, i))


def _tc_a(deg_parts, x, W1):
    return pl.pallas_call(
        _tc_a_body,
        grid=(GRID,),
        in_specs=[
            _DEG_SPEC,
            pl.BlockSpec((BLK, 128), lambda i: (i, 0)),
            pl.BlockSpec((128, 128), lambda i: (0, 0)),
        ],
        out_specs=pl.BlockSpec((BLK, 128), lambda i: (i, 0)),
        out_shape=jax.ShapeDtypeStruct((NP, 128), jnp.float32),
    )(deg_parts, x, W1)


def _tc_b(deg_parts, p, b1, W2):
    return pl.pallas_call(
        _tc_b_body,
        grid=(GRID,),
        in_specs=[
            _DEG_SPEC,
            pl.BlockSpec((2, BLK, 128), lambda i: (0, i, 0)),
            pl.BlockSpec((1, 128), lambda i: (0, 0)),
            pl.BlockSpec((128, 64), lambda i: (0, 0)),
        ],
        out_specs=pl.BlockSpec((BLK, 64), lambda i: (i, 0)),
        out_shape=jax.ShapeDtypeStruct((NP, 64), jnp.float32),
    )(deg_parts, p, b1, W2)


def _tc_c(deg_parts, q, b2, Wf1, bf1, Wf2, bf2):
    return pl.pallas_call(
        _tc_c_body,
        grid=(GRID,),
        in_specs=[
            _DEG_SPEC,
            pl.BlockSpec((2, BLK, 64), lambda i: (0, i, 0)),
            pl.BlockSpec((1, 64), lambda i: (0, 0)),
            pl.BlockSpec((64, 32), lambda i: (0, 0)),
            pl.BlockSpec((1, 32), lambda i: (0, 0)),
            pl.BlockSpec((32, 64), lambda i: (0, 0)),
            pl.BlockSpec((1, 64), lambda i: (0, 0)),
        ],
        out_specs=[
            pl.BlockSpec((BLK, 64), lambda i: (i, 0)),
            pl.BlockSpec((BLK, 64), lambda i: (i, 0)),
        ],
        out_shape=[
            jax.ShapeDtypeStruct((N, 64), jnp.float32),
            jax.ShapeDtypeStruct((N, 64), jnp.float32),
        ],
    )(deg_parts, q, b2, Wf1, bf1, Wf2, bf2)


def kernel(x, edge_index, W1, b1, W2, b2, Wf1, bf1, Wf2, bf2):
    src = edge_index[0]
    dst = edge_index[1]
    src3 = src.reshape(NW, NCHUNK, C)
    dst3 = dst.reshape(NW, NCHUNK, C)
    srcp = src.reshape(NW, NCHUNK2, C2)
    dstp = dst.reshape(NW, NCHUNK2, C2)
    deg_parts = _deg_call()(src, dst)
    h0 = _tc_a(deg_parts, x, W1)
    p = _scatter128()(h0, src3, dst3)
    h1w = _tc_b(deg_parts, p, b1.reshape(1, 128), W2)
    q = _scatter64()(h1w, srcp, dstp)
    out0, h_last = _tc_c(deg_parts, q, b2.reshape(1, 64),
                         Wf1, bf1.reshape(1, 32), Wf2, bf2.reshape(1, 64))
    return (out0, h_last)

# --- scband reference (transcript-rebuilt; emitter-appended) ---
"""Pipeline reference for scband-gcn-76012331205028 (READ-ONLY COPY).

The authoritative reference and input builder live on the scoring server;
editing this copy changes nothing except your own understanding.
"""

import jax, jax.numpy as jnp
import numpy as np

N_NODES = 10000
N_EDGES = 320000
D_IN = 128
D_HID2 = 128  # hidden_channels * 2
D_HID = 64    # hidden_channels
D_MLP = 32    # hidden_channels // 2
D_OUT = 64    # out_channels


def setup_inputs(seed: int = 0) -> dict:
    key = jax.random.key(seed)
    ks = jax.random.split(key, 12)
    x = jax.random.normal(ks[0], (N_NODES, D_IN), dtype=jnp.float32)
    edge_index = jax.random.randint(ks[1], (2, N_EDGES), 0, N_NODES, dtype=jnp.int64 if jax.config.jax_enable_x64 else jnp.int32).astype(jnp.int32)
    # GCN layer 1: in -> hidden*2
    W1 = jax.random.normal(ks[2], (D_IN, D_HID2), dtype=jnp.float32) * (1.0 / np.sqrt(D_IN))
    b1 = jnp.zeros((D_HID2,), dtype=jnp.float32)
    # GCN layer 2: hidden*2 -> hidden
    W2 = jax.random.normal(ks[3], (D_HID2, D_HID), dtype=jnp.float32) * (1.0 / np.sqrt(D_HID2))
    b2 = jnp.zeros((D_HID,), dtype=jnp.float32)
    # MLP head: hidden -> hidden//2 -> out
    Wf1 = jax.random.normal(ks[4], (D_HID, D_MLP), dtype=jnp.float32) * (1.0 / np.sqrt(D_HID))
    bf1 = jnp.zeros((D_MLP,), dtype=jnp.float32)
    Wf2 = jax.random.normal(ks[5], (D_MLP, D_OUT), dtype=jnp.float32) * (1.0 / np.sqrt(D_MLP))
    bf2 = jnp.zeros((D_OUT,), dtype=jnp.float32)
    return {"x": x, "edge_index": edge_index, "W1": W1, "b1": b1, "W2": W2, "b2": b2,
            "Wf1": Wf1, "bf1": bf1, "Wf2": Wf2, "bf2": bf2}


def _gcn_conv(x, edge_index, W, b):
    # DGL GraphConv with norm='both': out = D_in^{-1/2} A (D_out^{-1/2} x W) + b
    src = edge_index[0]
    dst = edge_index[1]
    ones = jnp.ones((edge_index.shape[1],), dtype=jnp.float32)
    deg_out = jax.ops.segment_sum(ones, src, num_segments=N_NODES)
    deg_in = jax.ops.segment_sum(ones, dst, num_segments=N_NODES)
    norm_src = jax.lax.rsqrt(jnp.maximum(deg_out, 1.0))
    norm_dst = jax.lax.rsqrt(jnp.maximum(deg_in, 1.0))
    h = x * norm_src[:, None]
    h = h @ W
    msgs = jnp.take(h, src, axis=0)                 # gather over edges
    agg = jax.ops.segment_sum(msgs, dst, num_segments=N_NODES)  # scatter-add
    out = agg * norm_dst[:, None] + b
    return out


def reference(x, edge_index, W1, b1, W2, b2, Wf1, bf1, Wf2, bf2):
    # dropout p=0.0 / eval mode -> identity
    h = _gcn_conv(x, edge_index, W1, b1)
    h = jax.nn.relu(h)
    h = _gcn_conv(h, edge_index, W2, b2)
    h = jax.nn.relu(h)
    h_last = h
    # SimpleMLP head (num_lbls=1)
    m = jax.nn.relu(h_last @ Wf1 + bf1)
    out0 = m @ Wf2 + bf2
    return (out0, h_last)

if __name__ == "__main__":
    import jax
    _d = setup_inputs()
    print(jax.jit(kernel)(*tuple(_d.values())))

</pallas_src>

<mosaic_0001>
#map = affine_map<(d0, d1) -> (0)>
#map1 = affine_map<(d0, d1) -> (0, 0, 0)>
module attributes {stable_mosaic.version = 14 : i64} {
  func.func @_deg_body(%arg0: i32, %arg1: i32, %arg2: memref<320000xi32, #tpu.memory_space<hbm>>, %arg3: memref<320000xi32, #tpu.memory_space<hbm>>, %arg4: memref<32x2x10240xf32, #tpu.memory_space<hbm>>, %arg5: memref<10240xf32, #tpu.memory_space<vmem>>, %arg6: memref<10240xf32, #tpu.memory_space<vmem>>, %arg7: memref<2000xi32, #tpu.memory_space<vmem>>) attributes {dimension_semantics = [#tpu.dimension_semantics<core_parallel>, #tpu.dimension_semantics<subcore_parallel>], iteration_bounds = array<i64: 2, 16>, scalar_prefetch = 0 : i64, scratch_operands = 3 : i64, tpu.core_type = #tpu.core_type<sc_vector_subcore>, window_params = [{transform_indices = #map}, {transform_indices = #map}, {transform_indices = #map1}]} {
    %mul3A = arith.constant 2 : i32
    %mul3A_0 = arith.muli %arg1, %mul3A : i32
    %add3A = arith.addi %mul3A_0, %arg0 : i32
    %broadcast_in_dim3A = arith.constant 0.000000e+00 : f32
    %broadcast_in_dim3A_1 = vector.broadcast %broadcast_in_dim3A : f32 to vector<16xf32>
    %scan3A = arith.constant 0 : i32
    %scan3A_2 = arith.constant 0 : i32
    %scan3A_3 = arith.constant 640 : i32
    %scan3A_4 = arith.addi %scan3A_2, %scan3A_3 : i32
    %scan3A_5 = arith.constant 1 : i32
    %scan3A_6 = scf.for %scan3A_27 = %scan3A_2 to %scan3A_4 step %scan3A_5 iter_args(%scan3A_28 = %scan3A) -> (i32)  : i32 {
      %mul3A_29 = arith.constant 16 : i32
      %mul3A_30 = arith.muli %scan3A_27, %mul3A_29 : i32
      %swap3A = arith.index_cast %mul3A_30 : i32 to index
      %swap3A_31 = tpu.vector_load %arg5[%swap3A] {strides = array<i32>} : memref<10240xf32, #tpu.memory_space<vmem>>, vector<16xf32>,
      tpu.vector_store %arg5[%swap3A], %broadcast_in_dim3A_1 {strides = array<i32>} : memref<10240xf32, #tpu.memory_space<vmem>>, vector<16xf32>,
      %mul3A_32 = arith.constant 16 : i32
      %mul3A_33 = arith.muli %scan3A_27, %mul3A_32 : i32
      %swap3A_34 = arith.index_cast %mul3A_33 : i32 to index
      %swap3A_35 = tpu.vector_load %arg6[%swap3A_34] {strides = array<i32>} : memref<10240xf32, #tpu.memory_space<vmem>>, vector<16xf32>,
      tpu.vector_store %arg6[%swap3A_34], %broadcast_in_dim3A_1 {strides = array<i32>} : memref<10240xf32, #tpu.memory_space<vmem>>, vector<16xf32>,
      %scan3A_36 = arith.constant 0 : i32
      scf.yield %scan3A_36 : i32
    }
    %scan3A_7 = arith.constant 640 : i32
    %broadcast_in_dim3A_8 = arith.constant 1.000000e+00 : f32
    %broadcast_in_dim3A_9 = vector.broadcast %broadcast_in_dim3A_8 : f32 to vector<16xf32>
    %mul3A_10 = arith.constant 10000 : i32
    %mul3A_11 = arith.muli %add3A, %mul3A_10 : i32
    %scan3A_12 = arith.constant 0 : i32
    %scan3A_13 = arith.constant 0 : i32
    %scan3A_14 = arith.constant 5 : i32
    %scan3A_15 = arith.addi %scan3A_13, %scan3A_14 : i32
    %scan3A_16 = arith.constant 1 : i32
    %scan3A_17 = scf.for %scan3A_27 = %scan3A_13 to %scan3A_15 step %scan3A_16 iter_args(%scan3A_28 = %scan3A_12) -> (i32)  : i32 {
      %mul3A_29 = arith.constant 2000 : i32
      %mul3A_30 = arith.muli %scan3A_27, %mul3A_29 : i32
      %add3A_31 = arith.addi %mul3A_11, %mul3A_30 : i32
      "tpu.region"() ({
        %run_scoped3A_40 = tpu.sem_alloc : memref<!tpu.dma_semaphore, #tpu.memory_space<semaphore_mem>>
        %dma_start3A = tpu.memref_slice %arg2[%add3A_31] : memref<320000xi32, #tpu.memory_space<hbm>> -> memref<2000xi32, #tpu.memory_space<hbm>>
        %dma_start3A_41 = tpu.memref_slice %arg2[%add3A_31] : memref<320000xi32, #tpu.memory_space<hbm>> -> memref<2000xi32, #tpu.memory_space<hbm>>
        tpu.enqueue_dma source(%dma_start3A_41 : memref<2000xi32, #tpu.memory_space<hbm>>) target(%arg7 : memref<2000xi32, #tpu.memory_space<vmem>>) target_semaphore(%run_scoped3A_40 : memref<!tpu.dma_semaphore, #tpu.memory_space<semaphore_mem>>)
        %dma_wait3A = tpu.memref_slice %arg2[%add3A_31] : memref<320000xi32, #tpu.memory_space<hbm>> -> memref<2000xi32, #tpu.memory_space<hbm>>
        %dma_wait3A_42 = tpu.memref_slice %arg2[%add3A_31] : memref<320000xi32, #tpu.memory_space<hbm>> -> memref<2000xi32, #tpu.memory_space<hbm>>
        tpu.wait_dma2 semaphore(%run_scoped3A_40 : memref<!tpu.dma_semaphore, #tpu.memory_space<semaphore_mem>>) src(%dma_wait3A_42 : memref<2000xi32, #tpu.memory_space<hbm>>) dst(%arg7 : memref<2000xi32, #tpu.memory_space<vmem>>)
        tpu.yield
      }) : () -> ()
      %scan3A_32 = arith.constant 0 : i32
      %scan3A_33 = arith.constant 0 : i32
      %scan3A_34 = arith.constant 125 : i32
      %scan3A_35 = arith.addi %scan3A_33, %scan3A_34 : i32
      %scan3A_36 = arith.constant 1 : i32
      %scan3A_37 = scf.for %scan3A_40 = %scan3A_33 to %scan3A_35 step %scan3A_36 iter_args(%scan3A_41 = %scan3A_32) -> (i32)  : i32 {
        %mul3A_42 = arith.constant 16 : i32
        %mul3A_43 = arith.muli %scan3A_40, %mul3A_42 : i32
        %get3A = arith.index_cast %mul3A_43 : i32 to index
        %get3A_44 = tpu.vector_load %arg7[%get3A] {strides = array<i32>} : memref<2000xi32, #tpu.memory_space<vmem>>, vector<16xi32>,
        tpu.vector_store_idx %arg5[%get3A_44], %broadcast_in_dim3A_9 {add = true} : memref<10240xf32, #tpu.memory_space<vmem>>[vector<16xi32>], vector<16xf32>,
        %scan3A_45 = arith.constant 0 : i32
        scf.yield %scan3A_45 : i32
      }
      %scan3A_38 = arith.constant 125 : i32
      %scan3A_39 = arith.constant 0 : i32
      scf.yield %scan3A_39 : i32
    }
    %scan3A_18 = arith.constant 5 : i32
    %scan3A_19 = arith.constant 0 : i32
    %scan3A_20 = arith.constant 0 : i32
    %scan3A_21 = arith.constant 5 : i32
    %scan3A_22 = arith.addi %scan3A_20, %scan3A_21 : i32
    %scan3A_23 = arith.constant 1 : i32
    %scan3A_24 = scf.for %scan3A_27 = %scan3A_20 to %scan3A_22 step %scan3A_23 iter_args(%scan3A_28 = %scan3A_19) -> (i32)  : i32 {
      %mul3A_29 = arith.constant 2000 : i32
      %mul3A_30 = arith.muli %scan3A_27, %mul3A_29 : i32
      %add3A_31 = arith.addi %mul3A_11, %mul3A_30 : i32
      "tpu.region"() ({
        %run_scoped3A_40 = tpu.sem_alloc : memref<!tpu.dma_semaphore, #tpu.memory_space<semaphore_mem>>
        %dma_start3A = tpu.memref_slice %arg3[%add3A_31] : memref<320000xi32, #tpu.memory_space<hbm>> -> memref<2000xi32, #tpu.memory_space<hbm>>
        %dma_start3A_41 = tpu.memref_slice %arg3[%add3A_31] : memref<320000xi32, #tpu.memory_space<hbm>> -> memref<2000xi32, #tpu.memory_space<hbm>>
        tpu.enqueue_dma source(%dma_start3A_41 : memref<2000xi32, #tpu.memory_space<hbm>>) target(%arg7 : memref<2000xi32, #tpu.memory_space<vmem>>) target_semaphore(%run_scoped3A_40 : memref<!tpu.dma_semaphore, #tpu.memory_space<semaphore_mem>>)
        %dma_wait3A = tpu.memref_slice %arg3[%add3A_31] : memref<320000xi32, #tpu.memory_space<hbm>> -> memref<2000xi32, #tpu.memory_space<hbm>>
        %dma_wait3A_42 = tpu.memref_slice %arg3[%add3A_31] : memref<320000xi32, #tpu.memory_space<hbm>> -> memref<2000xi32, #tpu.memory_space<hbm>>
        tpu.wait_dma2 semaphore(%run_scoped3A_40 : memref<!tpu.dma_semaphore, #tpu.memory_space<semaphore_mem>>) src(%dma_wait3A_42 : memref<2000xi32, #tpu.memory_space<hbm>>) dst(%arg7 : memref<2000xi32, #tpu.memory_space<vmem>>)
        tpu.yield
      }) : () -> ()
      %scan3A_32 = arith.constant 0 : i32
      %scan3A_33 = arith.constant 0 : i32
      %scan3A_34 = arith.constant 125 : i32
      %scan3A_35 = arith.addi %scan3A_33, %scan3A_34 : i32
      %scan3A_36 = arith.constant 1 : i32
      %scan3A_37 = scf.for %scan3A_40 = %scan3A_33 to %scan3A_35 step %scan3A_36 iter_args(%scan3A_41 = %scan3A_32) -> (i32)  : i32 {
        %mul3A_42 = arith.constant 16 : i32
        %mul3A_43 = arith.muli %scan3A_40, %mul3A_42 : i32
        %get3A = arith.index_cast %mul3A_43 : i32 to index
        %get3A_44 = tpu.vector_load %arg7[%get3A] {strides = array<i32>} : memref<2000xi32, #tpu.memory_space<vmem>>, vector<16xi32>,
        tpu.vector_store_idx %arg6[%get3A_44], %broadcast_in_dim3A_9 {add = true} : memref<10240xf32, #tpu.memory_space<vmem>>[vector<16xi32>], vector<16xf32>,
        %scan3A_45 = arith.constant 0 : i32
        scf.yield %scan3A_45 : i32
      }
      %scan3A_38 = arith.constant 125 : i32
      %scan3A_39 = arith.constant 0 : i32
      scf.yield %scan3A_39 : i32
    }
    %scan3A_25 = arith.constant 5 : i32
    %run_scoped3A = arith.constant 0 : i32
    "tpu.region"() ({
      %run_scoped3A_27 = tpu.sem_alloc : memref<!tpu.dma_semaphore, #tpu.memory_space<semaphore_mem>>
      %dma_start3A = arith.constant 0 : i32
      %dma_start3A_28 = tpu.memref_slice %arg4[%add3A, %run_scoped3A, %dma_start3A] : memref<32x2x10240xf32, #tpu.memory_space<hbm>> -> memref<1x1x10240xf32, #tpu.memory_space<hbm>>
      %dma_start3A_29 = tpu.memref_squeeze %dma_start3A_28 : memref<1x1x10240xf32, #tpu.memory_space<hbm>> -> memref<10240xf32, #tpu.memory_space<hbm>>
      %dma_start3A_30 = arith.constant 0 : i32
      %dma_start3A_31 = tpu.memref_slice %arg4[%add3A, %run_scoped3A, %dma_start3A_30] : memref<32x2x10240xf32, #tpu.memory_space<hbm>> -> memref<1x1x10240xf32, #tpu.memory_space<hbm>>
      %dma_start3A_32 = tpu.memref_squeeze %dma_start3A_31 : memref<1x1x10240xf32, #tpu.memory_space<hbm>> -> memref<10240xf32, #tpu.memory_space<hbm>>
      tpu.enqueue_dma source(%arg5 : memref<10240xf32, #tpu.memory_space<vmem>>) target(%dma_start3A_32 : memref<10240xf32, #tpu.memory_space<hbm>>) target_semaphore(%run_scoped3A_27 : memref<!tpu.dma_semaphore, #tpu.memory_space<semaphore_mem>>)
      %dma_wait3A = arith.constant 0 : i32
      %dma_wait3A_33 = tpu.memref_slice %arg4[%add3A, %run_scoped3A, %dma_wait3A] : memref<32x2x10240xf32, #tpu.memory_space<hbm>> -> memref<1x1x10240xf32, #tpu.memory_space<hbm>>
      %dma_wait3A_34 = tpu.memref_squeeze %dma_wait3A_33 : memref<1x1x10240xf32, #tpu.memory_space<hbm>> -> memref<10240xf32, #tpu.memory_space<hbm>>
      %dma_wait3A_35 = arith.constant 0 : i32
      %dma_wait3A_36 = tpu.memref_slice %arg4[%add3A, %run_scoped3A, %dma_wait3A_35] : memref<32x2x10240xf32, #tpu.memory_space<hbm>> -> memref<1x1x10240xf32, #tpu.memory_space<hbm>>
      %dma_wait3A_37 = tpu.memref_squeeze %dma_wait3A_36 : memref<1x1x10240xf32, #tpu.memory_space<hbm>> -> memref<10240xf32, #tpu.memory_space<hbm>>
      tpu.wait_dma2 semaphore(%run_scoped3A_27 : memref<!tpu.dma_semaphore, #tpu.memory_space<semaphore_mem>>) src(%arg5 : memref<10240xf32, #tpu.memory_space<vmem>>) dst(%dma_wait3A_37 : memref<10240xf32, #tpu.memory_space<hbm>>)
      tpu.yield
    }) : () -> ()
    %run_scoped3A_26 = arith.constant 1 : i32
    "tpu.region"() ({
      %run_scoped3A_27 = tpu.sem_alloc : memref<!tpu.dma_semaphore, #tpu.memory_space<semaphore_mem>>
      %dma_start3A = arith.constant 0 : i32
      %dma_start3A_28 = tpu.memref_slice %arg4[%add3A, %run_scoped3A_26, %dma_start3A] : memref<32x2x10240xf32, #tpu.memory_space<hbm>> -> memref<1x1x10240xf32, #tpu.memory_space<hbm>>
      %dma_start3A_29 = tpu.memref_squeeze %dma_start3A_28 : memref<1x1x10240xf32, #tpu.memory_space<hbm>> -> memref<10240xf32, #tpu.memory_space<hbm>>
      %dma_start3A_30 = arith.constant 0 : i32
      %dma_start3A_31 = tpu.memref_slice %arg4[%add3A, %run_scoped3A_26, %dma_start3A_30] : memref<32x2x10240xf32, #tpu.memory_space<hbm>> -> memref<1x1x10240xf32, #tpu.memory_space<hbm>>
      %dma_start3A_32 = tpu.memref_squeeze %dma_start3A_31 : memref<1x1x10240xf32, #tpu.memory_space<hbm>> -> memref<10240xf32, #tpu.memory_space<hbm>>
      tpu.enqueue_dma source(%arg6 : memref<10240xf32, #tpu.memory_space<vmem>>) target(%dma_start3A_32 : memref<10240xf32, #tpu.memory_space<hbm>>) target_semaphore(%run_scoped3A_27 : memref<!tpu.dma_semaphore, #tpu.memory_space<semaphore_mem>>)
      %dma_wait3A = arith.constant 0 : i32
      %dma_wait3A_33 = tpu.memref_slice %arg4[%add3A, %run_scoped3A_26, %dma_wait3A] : memref<32x2x10240xf32, #tpu.memory_space<hbm>> -> memref<1x1x10240xf32, #tpu.memory_space<hbm>>
      %dma_wait3A_34 = tpu.memref_squeeze %dma_wait3A_33 : memref<1x1x10240xf32, #tpu.memory_space<hbm>> -> memref<10240xf32, #tpu.memory_space<hbm>>
      %dma_wait3A_35 = arith.constant 0 : i32
      %dma_wait3A_36 = tpu.memref_slice %arg4[%add3A, %run_scoped3A_26, %dma_wait3A_35] : memref<32x2x10240xf32, #tpu.memory_space<hbm>> -> memref<1x1x10240xf32, #tpu.memory_space<hbm>>
      %dma_wait3A_37 = tpu.memref_squeeze %dma_wait3A_36 : memref<1x1x10240xf32, #tpu.memory_space<hbm>> -> memref<10240xf32, #tpu.memory_space<hbm>>
      tpu.wait_dma2 semaphore(%run_scoped3A_27 : memref<!tpu.dma_semaphore, #tpu.memory_space<semaphore_mem>>) src(%arg6 : memref<10240xf32, #tpu.memory_space<vmem>>) dst(%dma_wait3A_37 : memref<10240xf32, #tpu.memory_space<hbm>>)
      tpu.yield
    }) : () -> ()
    return
  }
}

#map = affine_map<(d0, d1) -> (0, 0)>
#map1 = affine_map<(d0, d1) -> (0, 0, 0)>
module attributes {stable_mosaic.version = 14 : i64} {
  func.func @body(%arg0: i32, %arg1: i32, %arg2: memref<10240x64xf32, #tpu.memory_space<hbm>>, %arg3: memref<32x125x80xi32, #tpu.memory_space<hbm>>, %arg4: memref<32x125x80xi32, #tpu.memory_space<hbm>>, %arg5: memref<2x10240x64xf32, #tpu.memory_space<hbm>>, %arg6: memref<10240x64xf32, #tpu.memory_space<vmem_shared>>, %arg7: memref<125x80xi32, #tpu.memory_space<vmem>>, %arg8: memref<125x80xi32, #tpu.memory_space<vmem>>, %arg9: memref<80x64xf32, #tpu.memory_space<vmem>>, %arg10: memref<80x64xf32, #tpu.memory_space<vmem>>, %arg11: memref<80x64xf32, #tpu.memory_space<vmem>>, %arg12: memref<80x64xf32, #tpu.memory_space<vmem>>, %arg13: memref<80x64xf32, #tpu.memory_space<vmem>>, %arg14: memref<!tpu.dma_semaphore, #tpu.memory_space<semaphore_mem>>, %arg15: memref<!tpu.dma_semaphore, #tpu.memory_space<semaphore_mem>>, %arg16: memref<!tpu.dma_semaphore, #tpu.memory_space<semaphore_mem>>, %arg17: memref<!tpu.dma_semaphore, #tpu.memory_space<semaphore_mem>>, %arg18: memref<!tpu.dma_semaphore, #tpu.memory_space<semaphore_mem>>, %arg19: memref<!tpu.dma_semaphore, #tpu.memory_space<semaphore_mem>>, %arg20: memref<!tpu.dma_semaphore, #tpu.memory_space<semaphore_mem>>, %arg21: memref<!tpu.dma_semaphore, #tpu.memory_space<semaphore_mem>>, %arg22: memref<!tpu.dma_semaphore, #tpu.memory_space<semaphore_mem>>, %arg23: memref<!tpu.dma_semaphore, #tpu.memory_space<semaphore_mem>>, %arg24: memref<!tpu.dma_semaphore, #tpu.memory_space<semaphore_mem>>, %arg25: memref<!tpu.dma_semaphore, #tpu.memory_space<semaphore_mem>>) attributes {dimension_semantics = [#tpu.dimension_semantics<core_parallel>, #tpu.dimension_semantics<subcore_parallel>], iteration_bounds = array<i64: 2, 16>, scalar_prefetch = 0 : i64, scratch_operands = 20 : i64, tpu.core_type = #tpu.core_type<sc_vector_subcore>, window_params = [{transform_indices = #map}, {transform_indices = #map1}, {transform_indices = #map1}, {transform_indices = #map1}]} {
    %mul3A = arith.constant 2 : i32
    %mul3A_0 = arith.muli %arg1, %mul3A : i32
    %add3A = arith.addi %mul3A_0, %arg0 : i32
    %broadcast_in_dim3A = arith.constant 0.000000e+00 : f32
    %broadcast_in_dim3A_1 = vector.broadcast %broadcast_in_dim3A : f32 to vector<16xf32>
    %dma_start3A = arith.constant 0 : i32
    %dma_start3A_2 = arith.constant 0 : i32
    %dma_start3A_3 = tpu.memref_slice %arg3[%add3A, %dma_start3A, %dma_start3A_2] : memref<32x125x80xi32, #tpu.memory_space<hbm>> -> memref<1x125x80xi32, #tpu.memory_space<hbm>>
    %dma_start3A_4 = tpu.memref_squeeze %dma_start3A_3 : memref<1x125x80xi32, #tpu.memory_space<hbm>> -> memref<125x80xi32, #tpu.memory_space<hbm>>
    %dma_start3A_5 = arith.constant 0 : i32
    %dma_start3A_6 = arith.constant 0 : i32
    %dma_start3A_7 = tpu.memref_slice %arg3[%add3A, %dma_start3A_5, %dma_start3A_6] : memref<32x125x80xi32, #tpu.memory_space<hbm>> -> memref<1x125x80xi32, #tpu.memory_space<hbm>>
    %dma_start3A_8 = tpu.memref_squeeze %dma_start3A_7 : memref<1x125x80xi32, #tpu.memory_space<hbm>> -> memref<125x80xi32, #tpu.memory_space<hbm>>
    tpu.enqueue_dma source(%dma_start3A_8 : memref<125x80xi32, #tpu.memory_space<hbm>>) target(%arg7 : memref<125x80xi32, #tpu.memory_space<vmem>>) target_semaphore(%arg24 : memref<!tpu.dma_semaphore, #tpu.memory_space<semaphore_mem>>)
    %dma_start3A_9 = arith.constant 0 : i32
    %dma_start3A_10 = arith.constant 0 : i32
    %dma_start3A_11 = tpu.memref_slice %arg4[%add3A, %dma_start3A_9, %dma_start3A_10] : memref<32x125x80xi32, #tpu.memory_space<hbm>> -> memref<1x125x80xi32, #tpu.memory_space<hbm>>
    %dma_start3A_12 = tpu.memref_squeeze %dma_start3A_11 : memref<1x125x80xi32, #tpu.memory_space<hbm>> -> memref<125x80xi32, #tpu.memory_space<hbm>>
    %dma_start3A_13 = arith.constant 0 : i32
    %dma_start3A_14 = arith.constant 0 : i32
    %dma_start3A_15 = tpu.memref_slice %arg4[%add3A, %dma_start3A_13, %dma_start3A_14] : memref<32x125x80xi32, #tpu.memory_space<hbm>> -> memref<1x125x80xi32, #tpu.memory_space<hbm>>
    %dma_start3A_16 = tpu.memref_squeeze %dma_start3A_15 : memref<1x125x80xi32, #tpu.memory_space<hbm>> -> memref<125x80xi32, #tpu.memory_space<hbm>>
    tpu.enqueue_dma source(%dma_start3A_16 : memref<125x80xi32, #tpu.memory_space<hbm>>) target(%arg8 : memref<125x80xi32, #tpu.memory_space<vmem>>) target_semaphore(%arg25 : memref<!tpu.dma_semaphore, #tpu.memory_space<semaphore_mem>>)
    %scan3A = arith.constant 0 : i32
    %scan3A_17 = arith.constant 0 : i32
    %scan3A_18 = arith.constant 80 : i32
    %scan3A_19 = arith.addi %scan3A_17, %scan3A_18 : i32
    %scan3A_20 = arith.constant 1 : i32
    %scan3A_21 = scf.for %scan3A_337 = %scan3A_17 to %scan3A_19 step %scan3A_20 iter_args(%scan3A_338 = %scan3A) -> (i32)  : i32 {
      %scan3A_339 = arith.constant 0 : i32
      %scan3A_340 = arith.constant 0 : i32
      %scan3A_341 = arith.constant 4 : i32
      %scan3A_342 = arith.addi %scan3A_340, %scan3A_341 : i32
      %scan3A_343 = arith.constant 1 : i32
      %scan3A_344 = scf.for %scan3A_347 = %scan3A_340 to %scan3A_342 step %scan3A_343 iter_args(%scan3A_348 = %scan3A_339) -> (i32)  : i32 {
        %mul3A_349 = arith.constant 16 : i32
        %mul3A_350 = arith.muli %scan3A_347, %mul3A_349 : i32
        %swap3A = arith.index_cast %scan3A_337 : i32 to index
        %swap3A_351 = arith.index_cast %mul3A_350 : i32 to index
        %swap3A_352 = tpu.vector_load %arg9[%swap3A, %swap3A_351] {strides = array<i32>} : memref<80x64xf32, #tpu.memory_space<vmem>>, vector<1x16xf32>,
        %swap3A_353 = vector.shape_cast %swap3A_352 : vector<1x16xf32> to vector<16xf32>
        %swap3A_354 = vector.shape_cast %broadcast_in_dim3A_1 : vector<16xf32> to vector<1x16xf32>
        tpu.vector_store %arg9[%swap3A, %swap3A_351], %swap3A_354 {strides = array<i32>} : memref<80x64xf32, #tpu.memory_space<vmem>>, vector<1x16xf32>,
        %scan3A_355 = arith.constant 0 : i32
        scf.yield %scan3A_355 : i32
      }
      %scan3A_345 = arith.constant 4 : i32
      %scan3A_346 = arith.constant 0 : i32
      scf.yield %scan3A_346 : i32
    }
    %scan3A_22 = arith.constant 80 : i32
    %scan3A_23 = arith.constant 0 : i32
    %scan3A_24 = arith.constant 0 : i32
    %scan3A_25 = arith.constant 8 : i32
    %scan3A_26 = arith.addi %scan3A_24, %scan3A_25 : i32
    %scan3A_27 = arith.constant 1 : i32
    %scan3A_28 = scf.for %scan3A_337 = %scan3A_24 to %scan3A_26 step %scan3A_27 iter_args(%scan3A_338 = %scan3A_23) -> (i32)  : i32 {
      %mul3A_339 = arith.constant 640 : i32
      %mul3A_340 = arith.muli %arg1, %mul3A_339 : i32
      %mul3A_341 = arith.constant 80 : i32
      %mul3A_342 = arith.muli %scan3A_337, %mul3A_341 : i32
      %add3A_343 = arith.addi %mul3A_340, %mul3A_342 : i32
      "tpu.region"() ({
        %run_scoped3A = tpu.sem_alloc : memref<!tpu.dma_semaphore, #tpu.memory_space<semaphore_mem>>
        %dma_start3A_345 = arith.constant 0 : i32
        %dma_start3A_346 = tpu.memref_slice %arg6[%add3A_343, %dma_start3A_345] : memref<10240x64xf32, #tpu.memory_space<vmem_shared>> -> memref<80x64xf32, #tpu.memory_space<vmem_shared>>
        %dma_start3A_347 = arith.constant 0 : i32
        %dma_start3A_348 = tpu.memref_slice %arg6[%add3A_343, %dma_start3A_347] : memref<10240x64xf32, #tpu.memory_space<vmem_shared>> -> memref<80x64xf32, #tpu.memory_space<vmem_shared>>
        tpu.enqueue_dma source(%arg9 : memref<80x64xf32, #tpu.memory_space<vmem>>) target(%dma_start3A_348 : memref<80x64xf32, #tpu.memory_space<vmem_shared>>) target_semaphore(%run_scoped3A : memref<!tpu.dma_semaphore, #tpu.memory_space<semaphore_mem>>)
        %dma_wait3A_349 = arith.constant 0 : i32
        %dma_wait3A_350 = tpu.memref_slice %arg6[%add3A_343, %dma_wait3A_349] : memref<10240x64xf32, #tpu.memory_space<vmem_shared>> -> memref<80x64xf32, #tpu.memory_space<vmem_shared>>
        %dma_wait3A_351 = arith.constant 0 : i32
        %dma_wait3A_352 = tpu.memref_slice %arg6[%add3A_343, %dma_wait3A_351] : memref<10240x64xf32, #tpu.memory_space<vmem_shared>> -> memref<80x64xf32, #tpu.memory_space<vmem_shared>>
        tpu.wait_dma2 semaphore(%run_scoped3A : memref<!tpu.dma_semaphore, #tpu.memory_space<semaphore_mem>>) src(%arg9 : memref<80x64xf32, #tpu.memory_space<vmem>>) dst(%dma_wait3A_352 : memref<80x64xf32, #tpu.memory_space<vmem_shared>>)
        tpu.yield
      }) : () -> ()
      %scan3A_344 = arith.constant 0 : i32
      scf.yield %scan3A_344 : i32
    }
    %scan3A_29 = arith.constant 8 : i32
    %dma_wait3A = arith.constant 0 : i32
    %dma_wait3A_30 = arith.constant 0 : i32
    %dma_wait3A_31 = tpu.memref_slice %arg3[%add3A, %dma_wait3A, %dma_wait3A_30] : memref<32x125x80xi32, #tpu.memory_space<hbm>> -> memref<1x125x80xi32, #tpu.memory_space<hbm>>
    %dma_wait3A_32 = tpu.memref_squeeze %dma_wait3A_31 : memref<1x125x80xi32, #tpu.memory_space<hbm>> -> memref<125x80xi32, #tpu.memory_space<hbm>>
    %dma_wait3A_33 = arith.constant 0 : i32
    %dma_wait3A_34 = arith.constant 0 : i32
    %dma_wait3A_35 = tpu.memref_slice %arg3[%add3A, %dma_wait3A_33, %dma_wait3A_34] : memref<32x125x80xi32, #tpu.memory_space<hbm>> -> memref<1x125x80xi32, #tpu.memory_space<hbm>>
    %dma_wait3A_36 = tpu.memref_squeeze %dma_wait3A_35 : memref<1x125x80xi32, #tpu.memory_space<hbm>> -> memref<125x80xi32, #tpu.memory_space<hbm>>
    tpu.wait_dma2 semaphore(%arg24 : memref<!tpu.dma_semaphore, #tpu.memory_space<semaphore_mem>>) src(%dma_wait3A_36 : memref<125x80xi32, #tpu.memory_space<hbm>>) dst(%arg7 : memref<125x80xi32, #tpu.memory_space<vmem>>)
    %dma_wait3A_37 = arith.constant 0 : i32
    %dma_wait3A_38 = arith.constant 0 : i32
    %dma_wait3A_39 = tpu.memref_slice %arg4[%add3A, %dma_wait3A_37, %dma_wait3A_38] : memref<32x125x80xi32, #tpu.memory_space<hbm>> -> memref<1x125x80xi32, #tpu.memory_space<hbm>>
    %dma_wait3A_40 = tpu.memref_squeeze %dma_wait3A_39 : memref<1x125x80xi32, #tpu.memory_space<hbm>> -> memref<125x80xi32, #tpu.memory_space<hbm>>
    %dma_wait3A_41 = arith.constant 0 : i32
    %dma_wait3A_42 = arith.constant 0 : i32
    %dma_wait3A_43 = tpu.memref_slice %arg4[%add3A, %dma_wait3A_41, %dma_wait3A_42] : memref<32x125x80xi32, #tpu.memory_space<hbm>> -> memref<1x125x80xi32, #tpu.memory_space<hbm>>
    %dma_wait3A_44 = tpu.memref_squeeze %dma_wait3A_43 : memref<1x125x80xi32, #tpu.memory_space<hbm>> -> memref<125x80xi32, #tpu.memory_space<hbm>>
    tpu.wait_dma2 semaphore(%arg25 : memref<!tpu.dma_semaphore, #tpu.memory_space<semaphore_mem>>) src(%dma_wait3A_44 : memref<125x80xi32, #tpu.memory_space<hbm>>) dst(%arg8 : memref<125x80xi32, #tpu.memory_space<vmem>>)
    %dma_start3A_45 = arith.constant 0 : i32
    %dma_start3A_46 = arith.constant 0 : i32
    %dma_start3A_47 = tpu.memref_slice %arg7[%dma_start3A_45, %dma_start3A_46] : memref<125x80xi32, #tpu.memory_space<vmem>> -> memref<1x80xi32, #tpu.memory_space<vmem>>
    %dma_start3A_48 = tpu.memref_squeeze %dma_start3A_47 : memref<1x80xi32, #tpu.memory_space<vmem>> -> memref<80xi32, #tpu.memory_space<vmem>>
    %dma_start3A_49 = arith.constant 0 : i32
    %dma_start3A_50 = arith.constant 0 : i32
    %dma_start3A_51 = tpu.memref_slice %arg2[%dma_start3A_49, %dma_start3A_50] : memref<10240x64xf32, #tpu.memory_space<hbm>> -> memref<10240x64xf32, #tpu.memory_space<hbm>>
    tpu.enqueue_indirect_dma source(%dma_start3A_51 : memref<10240x64xf32, #tpu.memory_space<hbm>>) target(%arg9 : memref<80x64xf32, #tpu.memory_space<vmem>>) offsets(%dma_start3A_48 : memref<80xi32, #tpu.memory_space<vmem>>) semaphore(%arg14 : memref<!tpu.dma_semaphore, #tpu.memory_space<semaphore_mem>>)
    %dma_start3A_52 = arith.constant 1 : i32
    %dma_start3A_53 = arith.constant 0 : i32
    %dma_start3A_54 = tpu.memref_slice %arg7[%dma_start3A_52, %dma_start3A_53] : memref<125x80xi32, #tpu.memory_space<vmem>> -> memref<1x80xi32, #tpu.memory_space<vmem>>
    %dma_start3A_55 = tpu.memref_squeeze %dma_start3A_54 : memref<1x80xi32, #tpu.memory_space<vmem>> -> memref<80xi32, #tpu.memory_space<vmem>>
    %dma_start3A_56 = arith.constant 0 : i32
    %dma_start3A_57 = arith.constant 0 : i32
    %dma_start3A_58 = tpu.memref_slice %arg2[%dma_start3A_56, %dma_start3A_57] : memref<10240x64xf32, #tpu.memory_space<hbm>> -> memref<10240x64xf32, #tpu.memory_space<hbm>>
    tpu.enqueue_indirect_dma source(%dma_start3A_58 : memref<10240x64xf32, #tpu.memory_space<hbm>>) target(%arg10 : memref<80x64xf32, #tpu.memory_space<vmem>>) offsets(%dma_start3A_55 : memref<80xi32, #tpu.memory_space<vmem>>) semaphore(%arg15 : memref<!tpu.dma_semaphore, #tpu.memory_space<semaphore_mem>>)
    %barrier3A = arith.constant 0 : index
    tpu.barrier barrier_id(%barrier3A)
    %dma_wait3A_59 = arith.constant 0 : i32
    %dma_wait3A_60 = arith.constant 0 : i32
    %dma_wait3A_61 = tpu.memref_slice %arg7[%dma_wait3A_59, %dma_wait3A_60] : memref<125x80xi32, #tpu.memory_space<vmem>> -> memref<1x80xi32, #tpu.memory_space<vmem>>
    %dma_wait3A_62 = tpu.memref_squeeze %dma_wait3A_61 : memref<1x80xi32, #tpu.memory_space<vmem>> -> memref<80xi32, #tpu.memory_space<vmem>>
    %dma_wait3A_63 = arith.constant 0 : i32
    %dma_wait3A_64 = arith.constant 0 : i32
    %dma_wait3A_65 = tpu.memref_slice %arg2[%dma_wait3A_63, %dma_wait3A_64] : memref<10240x64xf32, #tpu.memory_space<hbm>> -> memref<10240x64xf32, #tpu.memory_space<hbm>>
    tpu.wait_indirect_dma semaphore(%arg14 : memref<!tpu.dma_semaphore, #tpu.memory_space<semaphore_mem>>) src(%dma_wait3A_65 : memref<10240x64xf32, #tpu.memory_space<hbm>>) dst(%arg9 : memref<80x64xf32, #tpu.memory_space<vmem>>)
    %dma_start3A_66 = arith.constant 0 : i32
    %dma_start3A_67 = arith.constant 0 : i32
    %dma_start3A_68 = tpu.memref_slice %arg8[%dma_start3A_66, %dma_start3A_67] : memref<125x80xi32, #tpu.memory_space<vmem>> -> memref<1x80xi32, #tpu.memory_space<vmem>>
    %dma_start3A_69 = tpu.memref_squeeze %dma_start3A_68 : memref<1x80xi32, #tpu.memory_space<vmem>> -> memref<80xi32, #tpu.memory_space<vmem>>
    %dma_start3A_70 = arith.constant 0 : i32
    %dma_start3A_71 = arith.constant 0 : i32
    %dma_start3A_72 = tpu.memref_slice %arg6[%dma_start3A_70, %dma_start3A_71] : memref<10240x64xf32, #tpu.memory_space<vmem_shared>> -> memref<10240x64xf32, #tpu.memory_space<vmem_shared>>
    tpu.enqueue_indirect_dma source(%arg9 : memref<80x64xf32, #tpu.memory_space<vmem>>) target(%dma_start3A_72 : memref<10240x64xf32, #tpu.memory_space<vmem_shared>>) offsets(%dma_start3A_69 : memref<80xi32, #tpu.memory_space<vmem>>) semaphore(%arg19 : memref<!tpu.dma_semaphore, #tpu.memory_space<semaphore_mem>>) {add = true}
    %dma_start3A_73 = arith.constant 2 : i32
    %dma_start3A_74 = arith.constant 0 : i32
    %dma_start3A_75 = tpu.memref_slice %arg7[%dma_start3A_73, %dma_start3A_74] : memref<125x80xi32, #tpu.memory_space<vmem>> -> memref<1x80xi32, #tpu.memory_space<vmem>>
    %dma_start3A_76 = tpu.memref_squeeze %dma_start3A_75 : memref<1x80xi32, #tpu.memory_space<vmem>> -> memref<80xi32, #tpu.memory_space<vmem>>
    %dma_start3A_77 = arith.constant 0 : i32
    %dma_start3A_78 = arith.constant 0 : i32
    %dma_start3A_79 = tpu.memref_slice %arg2[%dma_start3A_77, %dma_start3A_78] : memref<10240x64xf32, #tpu.memory_space<hbm>> -> memref<10240x64xf32, #tpu.memory_space<hbm>>
    tpu.enqueue_indirect_dma source(%dma_start3A_79 : memref<10240x64xf32, #tpu.memory_space<hbm>>) target(%arg11 : memref<80x64xf32, #tpu.memory_space<vmem>>) offsets(%dma_start3A_76 : memref<80xi32, #tpu.memory_space<vmem>>) semaphore(%arg16 : memref<!tpu.dma_semaphore, #tpu.memory_space<semaphore_mem>>)
    %dma_wait3A_80 = arith.constant 1 : i32
    %dma_wait3A_81 = arith.constant 0 : i32
    %dma_wait3A_82 = tpu.memref_slice %arg7[%dma_wait3A_80, %dma_wait3A_81] : memref<125x80xi32, #tpu.memory_space<vmem>> -> memref<1x80xi32, #tpu.memory_space<vmem>>
    %dma_wait3A_83 = tpu.memref_squeeze %dma_wait3A_82 : memref<1x80xi32, #tpu.memory_space<vmem>> -> memref<80xi32, #tpu.memory_space<vmem>>
    %dma_wait3A_84 = arith.constant 0 : i32
    %dma_wait3A_85 = arith.constant 0 : i32
    %dma_wait3A_86 = tpu.memref_slice %arg2[%dma_wait3A_84, %dma_wait3A_85] : memref<10240x64xf32, #tpu.memory_space<hbm>> -> memref<10240x64xf32, #tpu.memory_space<hbm>>
    tpu.wait_indirect_dma semaphore(%arg15 : memref<!tpu.dma_semaphore, #tpu.memory_space<semaphore_mem>>) src(%dma_wait3A_86 : memref<10240x64xf32, #tpu.memory_space<hbm>>) dst(%arg10 : memref<80x64xf32, #tpu.memory_space<vmem>>)
    %dma_start3A_87 = arith.constant 1 : i32
    %dma_start3A_88 = arith.constant 0 : i32
    %dma_start3A_89 = tpu.memref_slice %arg8[%dma_start3A_87, %dma_start3A_88] : memref<125x80xi32, #tpu.memory_space<vmem>> -> memref<1x80xi32, #tpu.memory_space<vmem>>
    %dma_start3A_90 = tpu.memref_squeeze %dma_start3A_89 : memref<1x80xi32, #tpu.memory_space<vmem>> -> memref<80xi32, #tpu.memory_space<vmem>>
    %dma_start3A_91 = arith.constant 0 : i32
    %dma_start3A_92 = arith.constant 0 : i32
    %dma_start3A_93 = tpu.memref_slice %arg6[%dma_start3A_91, %dma_start3A_92] : memref<10240x64xf32, #tpu.memory_space<vmem_shared>> -> memref<10240x64xf32, #tpu.memory_space<vmem_shared>>
    tpu.enqueue_indirect_dma source(%arg10 : memref<80x64xf32, #tpu.memory_space<vmem>>) target(%dma_start3A_93 : memref<10240x64xf32, #tpu.memory_space<vmem_shared>>) offsets(%dma_start3A_90 : memref<80xi32, #tpu.memory_space<vmem>>) semaphore(%arg20 : memref<!tpu.dma_semaphore, #tpu.memory_space<semaphore_mem>>) {add = true}
    %dma_start3A_94 = arith.constant 3 : i32
    %dma_start3A_95 = arith.constant 0 : i32
    %dma_start3A_96 = tpu.memref_slice %arg7[%dma_start3A_94, %dma_start3A_95] : memref<125x80xi32, #tpu.memory_space<vmem>> -> memref<1x80xi32, #tpu.memory_space<vmem>>
    %dma_start3A_97 = tpu.memref_squeeze %dma_start3A_96 : memref<1x80xi32, #tpu.memory_space<vmem>> -> memref<80xi32, #tpu.memory_space<vmem>>
    %dma_start3A_98 = arith.constant 0 : i32
    %dma_start3A_99 = arith.constant 0 : i32
    %dma_start3A_100 = tpu.memref_slice %arg2[%dma_start3A_98, %dma_start3A_99] : memref<10240x64xf32, #tpu.memory_space<hbm>> -> memref<10240x64xf32, #tpu.memory_space<hbm>>
    tpu.enqueue_indirect_dma source(%dma_start3A_100 : memref<10240x64xf32, #tpu.memory_space<hbm>>) target(%arg12 : memref<80x64xf32, #tpu.memory_space<vmem>>) offsets(%dma_start3A_97 : memref<80xi32, #tpu.memory_space<vmem>>) semaphore(%arg17 : memref<!tpu.dma_semaphore, #tpu.memory_space<semaphore_mem>>)
    %dma_wait3A_101 = arith.constant 2 : i32
    %dma_wait3A_102 = arith.constant 0 : i32
    %dma_wait3A_103 = tpu.memref_slice %arg7[%dma_wait3A_101, %dma_wait3A_102] : memref<125x80xi32, #tpu.memory_space<vmem>> -> memref<1x80xi32, #tpu.memory_space<vmem>>
    %dma_wait3A_104 = tpu.memref_squeeze %dma_wait3A_103 : memref<1x80xi32, #tpu.memory_space<vmem>> -> memref<80xi32, #tpu.memory_space<vmem>>
    %dma_wait3A_105 = arith.constant 0 : i32
    %dma_wait3A_106 = arith.constant 0 : i32
    %dma_wait3A_107 = tpu.memref_slice %arg2[%dma_wait3A_105, %dma_wait3A_106] : memref<10240x64xf32, #tpu.memory_space<hbm>> -> memref<10240x64xf32, #tpu.memory_space<hbm>>
    tpu.wait_indirect_dma semaphore(%arg16 : memref<!tpu.dma_semaphore, #tpu.memory_space<semaphore_mem>>) src(%dma_wait3A_107 : memref<10240x64xf32, #tpu.memory_space<hbm>>) dst(%arg11 : memref<80x64xf32, #tpu.memory_space<vmem>>)
    %dma_start3A_108 = arith.constant 2 : i32
    %dma_start3A_109 = arith.constant 0 : i32
    %dma_start3A_110 = tpu.memref_slice %arg8[%dma_start3A_108, %dma_start3A_109] : memref<125x80xi32, #tpu.memory_space<vmem>> -> memref<1x80xi32, #tpu.memory_space<vmem>>
    %dma_start3A_111 = tpu.memref_squeeze %dma_start3A_110 : memref<1x80xi32, #tpu.memory_space<vmem>> -> memref<80xi32, #tpu.memory_space<vmem>>
    %dma_start3A_112 = arith.constant 0 : i32
    %dma_start3A_113 = arith.constant 0 : i32
    %dma_start3A_114 = tpu.memref_slice %arg6[%dma_start3A_112, %dma_start3A_113] : memref<10240x64xf32, #tpu.memory_space<vmem_shared>> -> memref<10240x64xf32, #tpu.memory_space<vmem_shared>>
    tpu.enqueue_indirect_dma source(%arg11 : memref<80x64xf32, #tpu.memory_space<vmem>>) target(%dma_start3A_114 : memref<10240x64xf32, #tpu.memory_space<vmem_shared>>) offsets(%dma_start3A_111 : memref<80xi32, #tpu.memory_space<vmem>>) semaphore(%arg21 : memref<!tpu.dma_semaphore, #tpu.memory_space<semaphore_mem>>) {add = true}
    %dma_start3A_115 = arith.constant 4 : i32
    %dma_start3A_116 = arith.constant 0 : i32
    %dma_start3A_117 = tpu.memref_slice %arg7[%dma_start3A_115, %dma_start3A_116] : memref<125x80xi32, #tpu.memory_space<vmem>> -> memref<1x80xi32, #tpu.memory_space<vmem>>
    %dma_start3A_118 = tpu.memref_squeeze %dma_start3A_117 : memref<1x80xi32, #tpu.memory_space<vmem>> -> memref<80xi32, #tpu.memory_space<vmem>>
    %dma_start3A_119 = arith.constant 0 : i32
    %dma_start3A_120 = arith.constant 0 : i32
    %dma_start3A_121 = tpu.memref_slice %arg2[%dma_start3A_119, %dma_start3A_120] : memref<10240x64xf32, #tpu.memory_space<hbm>> -> memref<10240x64xf32, #tpu.memory_space<hbm>>
    tpu.enqueue_indirect_dma source(%dma_start3A_121 : memref<10240x64xf32, #tpu.memory_space<hbm>>) target(%arg13 : memref<80x64xf32, #tpu.memory_space<vmem>>) offsets(%dma_start3A_118 : memref<80xi32, #tpu.memory_space<vmem>>) semaphore(%arg18 : memref<!tpu.dma_semaphore, #tpu.memory_space<semaphore_mem>>)
    %dma_wait3A_122 = arith.constant 3 : i32
    %dma_wait3A_123 = arith.constant 0 : i32
    %dma_wait3A_124 = tpu.memref_slice %arg7[%dma_wait3A_122, %dma_wait3A_123] : memref<125x80xi32, #tpu.memory_space<vmem>> -> memref<1x80xi32, #tpu.memory_space<vmem>>
    %dma_wait3A_125 = tpu.memref_squeeze %dma_wait3A_124 : memref<1x80xi32, #tpu.memory_space<vmem>> -> memref<80xi32, #tpu.memory_space<vmem>>
    %dma_wait3A_126 = arith.constant 0 : i32
    %dma_wait3A_127 = arith.constant 0 : i32
    %dma_wait3A_128 = tpu.memref_slice %arg2[%dma_wait3A_126, %dma_wait3A_127] : memref<10240x64xf32, #tpu.memory_space<hbm>> -> memref<10240x64xf32, #tpu.memory_space<hbm>>
    tpu.wait_indirect_dma semaphore(%arg17 : memref<!tpu.dma_semaphore, #tpu.memory_space<semaphore_mem>>) src(%dma_wait3A_128 : memref<10240x64xf32, #tpu.memory_space<hbm>>) dst(%arg12 : memref<80x64xf32, #tpu.memory_space<vmem>>)
    %dma_start3A_129 = arith.constant 3 : i32
    %dma_start3A_130 = arith.constant 0 : i32
    %dma_start3A_131 = tpu.memref_slice %arg8[%dma_start3A_129, %dma_start3A_130] : memref<125x80xi32, #tpu.memory_space<vmem>> -> memref<1x80xi32, #tpu.memory_space<vmem>>
    %dma_start3A_132 = tpu.memref_squeeze %dma_start3A_131 : memref<1x80xi32, #tpu.memory_space<vmem>> -> memref<80xi32, #tpu.memory_space<vmem>>
    %dma_start3A_133 = arith.constant 0 : i32
    %dma_start3A_134 = arith.constant 0 : i32
    %dma_start3A_135 = tpu.memref_slice %arg6[%dma_start3A_133, %dma_start3A_134] : memref<10240x64xf32, #tpu.memory_space<vmem_shared>> -> memref<10240x64xf32, #tpu.memory_space<vmem_shared>>
    tpu.enqueue_indirect_dma source(%arg12 : memref<80x64xf32, #tpu.memory_space<vmem>>) target(%dma_start3A_135 : memref<10240x64xf32, #tpu.memory_space<vmem_shared>>) offsets(%dma_start3A_132 : memref<80xi32, #tpu.memory_space<vmem>>) semaphore(%arg22 : memref<!tpu.dma_semaphore, #tpu.memory_space<semaphore_mem>>) {add = true}
    %dma_wait3A_136 = arith.constant 0 : i32
    %dma_wait3A_137 = arith.constant 0 : i32
    %dma_wait3A_138 = tpu.memref_slice %arg8[%dma_wait3A_136, %dma_wait3A_137] : memref<125x80xi32, #tpu.memory_space<vmem>> -> memref<1x80xi32, #tpu.memory_space<vmem>>
    %dma_wait3A_139 = tpu.memref_squeeze %dma_wait3A_138 : memref<1x80xi32, #tpu.memory_space<vmem>> -> memref<80xi32, #tpu.memory_space<vmem>>
    %dma_wait3A_140 = arith.constant 0 : i32
    %dma_wait3A_141 = arith.constant 0 : i32
    %dma_wait3A_142 = tpu.memref_slice %arg6[%dma_wait3A_140, %dma_wait3A_141] : memref<10240x64xf32, #tpu.memory_space<vmem_shared>> -> memref<10240x64xf32, #tpu.memory_space<vmem_shared>>
    tpu.wait_indirect_dma semaphore(%arg19 : memref<!tpu.dma_semaphore, #tpu.memory_space<semaphore_mem>>) src(%arg9 : memref<80x64xf32, #tpu.memory_space<vmem>>) dst(%dma_wait3A_142 : memref<10240x64xf32, #tpu.memory_space<vmem_shared>>)
    %dma_start3A_143 = arith.constant 5 : i32
    %dma_start3A_144 = arith.constant 0 : i32
    %dma_start3A_145 = tpu.memref_slice %arg7[%dma_start3A_143, %dma_start3A_144] : memref<125x80xi32, #tpu.memory_space<vmem>> -> memref<1x80xi32, #tpu.memory_space<vmem>>
    %dma_start3A_146 = tpu.memref_squeeze %dma_start3A_145 : memref<1x80xi32, #tpu.memory_space<vmem>> -> memref<80xi32, #tpu.memory_space<vmem>>
    %dma_start3A_147 = arith.constant 0 : i32
    %dma_start3A_148 = arith.constant 0 : i32
    %dma_start3A_149 = tpu.memref_slice %arg2[%dma_start3A_147, %dma_start3A_148] : memref<10240x64xf32, #tpu.memory_space<hbm>> -> memref<10240x64xf32, #tpu.memory_space<hbm>>
    tpu.enqueue_indirect_dma source(%dma_start3A_149 : memref<10240x64xf32, #tpu.memory_space<hbm>>) target(%arg9 : memref<80x64xf32, #tpu.memory_space<vmem>>) offsets(%dma_start3A_146 : memref<80xi32, #tpu.memory_space<vmem>>) semaphore(%arg14 : memref<!tpu.dma_semaphore, #tpu.memory_space<semaphore_mem>>)
    %dma_wait3A_150 = arith.constant 4 : i32
    %dma_wait3A_151 = arith.constant 0 : i32
    %dma_wait3A_152 = tpu.memref_slice %arg7[%dma_wait3A_150, %dma_wait3A_151] : memref<125x80xi32, #tpu.memory_space<vmem>> -> memref<1x80xi32, #tpu.memory_space<vmem>>
    %dma_wait3A_153 = tpu.memref_squeeze %dma_wait3A_152 : memref<1x80xi32, #tpu.memory_space<vmem>> -> memref<80xi32, #tpu.memory_space<vmem>>
    %dma_wait3A_154 = arith.constant 0 : i32
    %dma_wait3A_155 = arith.constant 0 : i32
    %dma_wait3A_156 = tpu.memref_slice %arg2[%dma_wait3A_154, %dma_wait3A_155] : memref<10240x64xf32, #tpu.memory_space<hbm>> -> memref<10240x64xf32, #tpu.memory_space<hbm>>
    tpu.wait_indirect_dma semaphore(%arg18 : memref<!tpu.dma_semaphore, #tpu.memory_space<semaphore_mem>>) src(%dma_wait3A_156 : memref<10240x64xf32, #tpu.memory_space<hbm>>) dst(%arg13 : memref<80x64xf32, #tpu.memory_space<vmem>>)
    %dma_start3A_157 = arith.constant 4 : i32
    %dma_start3A_158 = arith.constant 0 : i32
    %dma_start3A_159 = tpu.memref_slice %arg8[%dma_start3A_157, %dma_start3A_158] : memref<125x80xi32, #tpu.memory_space<vmem>> -> memref<1x80xi32, #tpu.memory_space<vmem>>
    %dma_start3A_160 = tpu.memref_squeeze %dma_start3A_159 : memref<1x80xi32, #tpu.memory_space<vmem>> -> memref<80xi32, #tpu.memory_space<vmem>>
    %dma_start3A_161 = arith.constant 0 : i32
    %dma_start3A_162 = arith.constant 0 : i32
    %dma_start3A_163 = tpu.memref_slice %arg6[%dma_start3A_161, %dma_start3A_162] : memref<10240x64xf32, #tpu.memory_space<vmem_shared>> -> memref<10240x64xf32, #tpu.memory_space<vmem_shared>>
    tpu.enqueue_indirect_dma source(%arg13 : memref<80x64xf32, #tpu.memory_space<vmem>>) target(%dma_start3A_163 : memref<10240x64xf32, #tpu.memory_space<vmem_shared>>) offsets(%dma_start3A_160 : memref<80xi32, #tpu.memory_space<vmem>>) semaphore(%arg23 : memref<!tpu.dma_semaphore, #tpu.memory_space<semaphore_mem>>) {add = true}
    %dma_wait3A_164 = arith.constant 0 : i32
    %dma_wait3A_165 = arith.constant 0 : i32
    %dma_wait3A_166 = tpu.memref_slice %arg8[%dma_wait3A_164, %dma_wait3A_165] : memref<125x80xi32, #tpu.memory_space<vmem>> -> memref<1x80xi32, #tpu.memory_space<vmem>>
    %dma_wait3A_167 = tpu.memref_squeeze %dma_wait3A_166 : memref<1x80xi32, #tpu.memory_space<vmem>> -> memref<80xi32, #tpu.memory_space<vmem>>
    %dma_wait3A_168 = arith.constant 0 : i32
    %dma_wait3A_169 = arith.constant 0 : i32
    %dma_wait3A_170 = tpu.memref_slice %arg6[%dma_wait3A_168, %dma_wait3A_169] : memref<10240x64xf32, #tpu.memory_space<vmem_shared>> -> memref<10240x64xf32, #tpu.memory_space<vmem_shared>>
    tpu.wait_indirect_dma semaphore(%arg20 : memref<!tpu.dma_semaphore, #tpu.memory_space<semaphore_mem>>) src(%arg10 : memref<80x64xf32, #tpu.memory_space<vmem>>) dst(%dma_wait3A_170 : memref<10240x64xf32, #tpu.memory_space<vmem_shared>>)
    %dma_start3A_171 = arith.constant 6 : i32
    %dma_start3A_172 = arith.constant 0 : i32
    %dma_start3A_173 = tpu.memref_slice %arg7[%dma_start3A_171, %dma_start3A_172] : memref<125x80xi32, #tpu.memory_space<vmem>> -> memref<1x80xi32, #tpu.memory_space<vmem>>
    %dma_start3A_174 = tpu.memref_squeeze %dma_start3A_173 : memref<1x80xi32, #tpu.memory_space<vmem>> -> memref<80xi32, #tpu.memory_space<vmem>>
    %dma_start3A_175 = arith.constant 0 : i32
    %dma_start3A_176 = arith.constant 0 : i32
    %dma_start3A_177 = tpu.memref_slice %arg2[%dma_start3A_175, %dma_start3A_176] : memref<10240x64xf32, #tpu.memory_space<hbm>> -> memref<10240x64xf32, #tpu.memory_space<hbm>>
    tpu.enqueue_indirect_dma source(%dma_start3A_177 : memref<10240x64xf32, #tpu.memory_space<hbm>>) target(%arg10 : memref<80x64xf32, #tpu.memory_space<vmem>>) offsets(%dma_start3A_174 : memref<80xi32, #tpu.memory_space<vmem>>) semaphore(%arg15 : memref<!tpu.dma_semaphore, #tpu.memory_space<semaphore_mem>>)
    %scan3A_178 = arith.constant 0 : i32
    %scan3A_179 = arith.constant 1 : i32
    %scan3A_180 = arith.constant 23 : i32
    %scan3A_181 = arith.addi %scan3A_179, %scan3A_180 : i32
    %scan3A_182 = arith.constant 1 : i32
    %scan3A_183 = scf.for %scan3A_337 = %scan3A_179 to %scan3A_181 step %scan3A_182 iter_args(%scan3A_338 = %scan3A_178) -> (i32)  : i32 {
      %mul3A_339 = arith.constant 5 : i32
      %mul3A_340 = arith.muli %scan3A_337, %mul3A_339 : i32
      %add3A_341 = arith.constant 0 : i32
      %add3A_342 = arith.addi %mul3A_340, %add3A_341 : i32
      %dma_wait3A_343 = arith.constant 0 : i32
      %dma_wait3A_344 = tpu.memref_slice %arg7[%add3A_342, %dma_wait3A_343] : memref<125x80xi32, #tpu.memory_space<vmem>> -> memref<1x80xi32, #tpu.memory_space<vmem>>
      %dma_wait3A_345 = tpu.memref_squeeze %dma_wait3A_344 : memref<1x80xi32, #tpu.memory_space<vmem>> -> memref<80xi32, #tpu.memory_space<vmem>>
      %dma_wait3A_346 = arith.constant 0 : i32
      %dma_wait3A_347 = arith.constant 0 : i32
      %dma_wait3A_348 = tpu.memref_slice %arg2[%dma_wait3A_346, %dma_wait3A_347] : memref<10240x64xf32, #tpu.memory_space<hbm>> -> memref<10240x64xf32, #tpu.memory_space<hbm>>
      tpu.wait_indirect_dma semaphore(%arg14 : memref<!tpu.dma_semaphore, #tpu.memory_space<semaphore_mem>>) src(%dma_wait3A_348 : memref<10240x64xf32, #tpu.memory_space<hbm>>) dst(%arg9 : memref<80x64xf32, #tpu.memory_space<vmem>>)
      %dma_start3A_349 = arith.constant 0 : i32
      %dma_start3A_350 = tpu.memref_slice %arg8[%add3A_342, %dma_start3A_349] : memref<125x80xi32, #tpu.memory_space<vmem>> -> memref<1x80xi32, #tpu.memory_space<vmem>>
      %dma_start3A_351 = tpu.memref_squeeze %dma_start3A_350 : memref<1x80xi32, #tpu.memory_space<vmem>> -> memref<80xi32, #tpu.memory_space<vmem>>
      %dma_start3A_352 = arith.constant 0 : i32
      %dma_start3A_353 = arith.constant 0 : i32
      %dma_start3A_354 = tpu.memref_slice %arg6[%dma_start3A_352, %dma_start3A_353] : memref<10240x64xf32, #tpu.memory_space<vmem_shared>> -> memref<10240x64xf32, #tpu.memory_space<vmem_shared>>
      tpu.enqueue_indirect_dma source(%arg9 : memref<80x64xf32, #tpu.memory_space<vmem>>) target(%dma_start3A_354 : memref<10240x64xf32, #tpu.memory_space<vmem_shared>>) offsets(%dma_start3A_351 : memref<80xi32, #tpu.memory_space<vmem>>) semaphore(%arg19 : memref<!tpu.dma_semaphore, #tpu.memory_space<semaphore_mem>>) {add = true}
      %dma_wait3A_355 = arith.constant 0 : i32
      %dma_wait3A_356 = arith.constant 0 : i32
      %dma_wait3A_357 = tpu.memref_slice %arg8[%dma_wait3A_355, %dma_wait3A_356] : memref<125x80xi32, #tpu.memory_space<vmem>> -> memref<1x80xi32, #tpu.memory_space<vmem>>
      %dma_wait3A_358 = tpu.memref_squeeze %dma_wait3A_357 : memref<1x80xi32, #tpu.memory_space<vmem>> -> memref<80xi32, #tpu.memory_space<vmem>>
      %dma_wait3A_359 = arith.constant 0 : i32
      %dma_wait3A_360 = arith.constant 0 : i32
      %dma_wait3A_361 = tpu.memref_slice %arg6[%dma_wait3A_359, %dma_wait3A_360] : memref<10240x64xf32, #tpu.memory_space<vmem_shared>> -> memref<10240x64xf32, #tpu.memory_space<vmem_shared>>
      tpu.wait_indirect_dma semaphore(%arg21 : memref<!tpu.dma_semaphore, #tpu.memory_space<semaphore_mem>>) src(%arg11 : memref<80x64xf32, #tpu.memory_space<vmem>>) dst(%dma_wait3A_361 : memref<10240x64xf32, #tpu.memory_space<vmem_shared>>)
      %add3A_362 = arith.constant 2 : i32
      %add3A_363 = arith.addi %add3A_342, %add3A_362 : i32
      %dma_start3A_364 = arith.constant 0 : i32
      %dma_start3A_365 = tpu.memref_slice %arg7[%add3A_363, %dma_start3A_364] : memref<125x80xi32, #tpu.memory_space<vmem>> -> memref<1x80xi32, #tpu.memory_space<vmem>>
      %dma_start3A_366 = tpu.memref_squeeze %dma_start3A_365 : memref<1x80xi32, #tpu.memory_space<vmem>> -> memref<80xi32, #tpu.memory_space<vmem>>
      %dma_start3A_367 = arith.constant 0 : i32
      %dma_start3A_368 = arith.constant 0 : i32
      %dma_start3A_369 = tpu.memref_slice %arg2[%dma_start3A_367, %dma_start3A_368] : memref<10240x64xf32, #tpu.memory_space<hbm>> -> memref<10240x64xf32, #tpu.memory_space<hbm>>
      tpu.enqueue_indirect_dma source(%dma_start3A_369 : memref<10240x64xf32, #tpu.memory_space<hbm>>) target(%arg11 : memref<80x64xf32, #tpu.memory_space<vmem>>) offsets(%dma_start3A_366 : memref<80xi32, #tpu.memory_space<vmem>>) semaphore(%arg16 : memref<!tpu.dma_semaphore, #tpu.memory_space<semaphore_mem>>)
      %add3A_370 = arith.constant 1 : i32
      %add3A_371 = arith.addi %mul3A_340, %add3A_370 : i32
      %dma_wait3A_372 = arith.constant 0 : i32
      %dma_wait3A_373 = tpu.memref_slice %arg7[%add3A_371, %dma_wait3A_372] : memref<125x80xi32, #tpu.memory_space<vmem>> -> memref<1x80xi32, #tpu.memory_space<vmem>>
      %dma_wait3A_374 = tpu.memref_squeeze %dma_wait3A_373 : memref<1x80xi32, #tpu.memory_space<vmem>> -> memref<80xi32, #tpu.memory_space<vmem>>
      %dma_wait3A_375 = arith.constant 0 : i32
      %dma_wait3A_376 = arith.constant 0 : i32
      %dma_wait3A_377 = tpu.memref_slice %arg2[%dma_wait3A_375, %dma_wait3A_376] : memref<10240x64xf32, #tpu.memory_space<hbm>> -> memref<10240x64xf32, #tpu.memory_space<hbm>>
      tpu.wait_indirect_dma semaphore(%arg15 : memref<!tpu.dma_semaphore, #tpu.memory_space<semaphore_mem>>) src(%dma_wait3A_377 : memref<10240x64xf32, #tpu.memory_space<hbm>>) dst(%arg10 : memref<80x64xf32, #tpu.memory_space<vmem>>)
      %dma_start3A_378 = arith.constant 0 : i32
      %dma_start3A_379 = tpu.memref_slice %arg8[%add3A_371, %dma_start3A_378] : memref<125x80xi32, #tpu.memory_space<vmem>> -> memref<1x80xi32, #tpu.memory_space<vmem>>
      %dma_start3A_380 = tpu.memref_squeeze %dma_start3A_379 : memref<1x80xi32, #tpu.memory_space<vmem>> -> memref<80xi32, #tpu.memory_space<vmem>>
      %dma_start3A_381 = arith.constant 0 : i32
      %dma_start3A_382 = arith.constant 0 : i32
      %dma_start3A_383 = tpu.memref_slice %arg6[%dma_start3A_381, %dma_start3A_382] : memref<10240x64xf32, #tpu.memory_space<vmem_shared>> -> memref<10240x64xf32, #tpu.memory_space<vmem_shared>>
      tpu.enqueue_indirect_dma source(%arg10 : memref<80x64xf32, #tpu.memory_space<vmem>>) target(%dma_start3A_383 : memref<10240x64xf32, #tpu.memory_space<vmem_shared>>) offsets(%dma_start3A_380 : memref<80xi32, #tpu.memory_space<vmem>>) semaphore(%arg20 : memref<!tpu.dma_semaphore, #tpu.memory_space<semaphore_mem>>) {add = true}
      %dma_wait3A_384 = arith.constant 0 : i32
      %dma_wait3A_385 = arith.constant 0 : i32
      %dma_wait3A_386 = tpu.memref_slice %arg8[%dma_wait3A_384, %dma_wait3A_385] : memref<125x80xi32, #tpu.memory_space<vmem>> -> memref<1x80xi32, #tpu.memory_space<vmem>>
      %dma_wait3A_387 = tpu.memref_squeeze %dma_wait3A_386 : memref<1x80xi32, #tpu.memory_space<vmem>> -> memref<80xi32, #tpu.memory_space<vmem>>
      %dma_wait3A_388 = arith.constant 0 : i32
      %dma_wait3A_389 = arith.constant 0 : i32
      %dma_wait3A_390 = tpu.memref_slice %arg6[%dma_wait3A_388, %dma_wait3A_389] : memref<10240x64xf32, #tpu.memory_space<vmem_shared>> -> memref<10240x64xf32, #tpu.memory_space<vmem_shared>>
      tpu.wait_indirect_dma semaphore(%arg22 : memref<!tpu.dma_semaphore, #tpu.memory_space<semaphore_mem>>) src(%arg12 : memref<80x64xf32, #tpu.memory_space<vmem>>) dst(%dma_wait3A_390 : memref<10240x64xf32, #tpu.memory_space<vmem_shared>>)
      %add3A_391 = arith.constant 2 : i32
      %add3A_392 = arith.addi %add3A_371, %add3A_391 : i32
      %dma_start3A_393 = arith.constant 0 : i32
      %dma_start3A_394 = tpu.memref_slice %arg7[%add3A_392, %dma_start3A_393] : memref<125x80xi32, #tpu.memory_space<vmem>> -> memref<1x80xi32, #tpu.memory_space<vmem>>
      %dma_start3A_395 = tpu.memref_squeeze %dma_start3A_394 : memref<1x80xi32, #tpu.memory_space<vmem>> -> memref<80xi32, #tpu.memory_space<vmem>>
      %dma_start3A_396 = arith.constant 0 : i32
      %dma_start3A_397 = arith.constant 0 : i32
      %dma_start3A_398 = tpu.memref_slice %arg2[%dma_start3A_396, %dma_start3A_397] : memref<10240x64xf32, #tpu.memory_space<hbm>> -> memref<10240x64xf32, #tpu.memory_space<hbm>>
      tpu.enqueue_indirect_dma source(%dma_start3A_398 : memref<10240x64xf32, #tpu.memory_space<hbm>>) target(%arg12 : memref<80x64xf32, #tpu.memory_space<vmem>>) offsets(%dma_start3A_395 : memref<80xi32, #tpu.memory_space<vmem>>) semaphore(%arg17 : memref<!tpu.dma_semaphore, #tpu.memory_space<semaphore_mem>>)
      %add3A_399 = arith.constant 2 : i32
      %add3A_400 = arith.addi %mul3A_340, %add3A_399 : i32
      %dma_wait3A_401 = arith.constant 0 : i32
      %dma_wait3A_402 = tpu.memref_slice %arg7[%add3A_400, %dma_wait3A_401] : memref<125x80xi32, #tpu.memory_space<vmem>> -> memref<1x80xi32, #tpu.memory_space<vmem>>
      %dma_wait3A_403 = tpu.memref_squeeze %dma_wait3A_402 : memref<1x80xi32, #tpu.memory_space<vmem>> -> memref<80xi32, #tpu.memory_space<vmem>>
      %dma_wait3A_404 = arith.constant 0 : i32
      %dma_wait3A_405 = arith.constant 0 : i32
      %dma_wait3A_406 = tpu.memref_slice %arg2[%dma_wait3A_404, %dma_wait3A_405] : memref<10240x64xf32, #tpu.memory_space<hbm>> -> memref<10240x64xf32, #tpu.memory_space<hbm>>
      tpu.wait_indirect_dma semaphore(%arg16 : memref<!tpu.dma_semaphore, #tpu.memory_space<semaphore_mem>>) src(%dma_wait3A_406 : memref<10240x64xf32, #tpu.memory_space<hbm>>) dst(%arg11 : memref<80x64xf32, #tpu.memory_space<vmem>>)
      %dma_start3A_407 = arith.constant 0 : i32
      %dma_start3A_408 = tpu.memref_slice %arg8[%add3A_400, %dma_start3A_407] : memref<125x80xi32, #tpu.memory_space<vmem>> -> memref<1x80xi32, #tpu.memory_space<vmem>>
      %dma_start3A_409 = tpu.memref_squeeze %dma_start3A_408 : memref<1x80xi32, #tpu.memory_space<vmem>> -> memref<80xi32, #tpu.memory_space<vmem>>
      %dma_start3A_410 = arith.constant 0 : i32
      %dma_start3A_411 = arith.constant 0 : i32
      %dma_start3A_412 = tpu.memref_slice %arg6[%dma_start3A_410, %dma_start3A_411] : memref<10240x64xf32, #tpu.memory_space<vmem_shared>> -> memref<10240x64xf32, #tpu.memory_space<vmem_shared>>
      tpu.enqueue_indirect_dma source(%arg11 : memref<80x64xf32, #tpu.memory_space<vmem>>) target(%dma_start3A_412 : memref<10240x64xf32, #tpu.memory_space<vmem_shared>>) offsets(%dma_start3A_409 : memref<80xi32, #tpu.memory_space<vmem>>) semaphore(%arg21 : memref<!tpu.dma_semaphore, #tpu.memory_space<semaphore_mem>>) {add = true}
      %dma_wait3A_413 = arith.constant 0 : i32
      %dma_wait3A_414 = arith.constant 0 : i32
      %dma_wait3A_415 = tpu.memref_slice %arg8[%dma_wait3A_413, %dma_wait3A_414] : memref<125x80xi32, #tpu.memory_space<vmem>> -> memref<1x80xi32, #tpu.memory_space<vmem>>
      %dma_wait3A_416 = tpu.memref_squeeze %dma_wait3A_415 : memref<1x80xi32, #tpu.memory_space<vmem>> -> memref<80xi32, #tpu.memory_space<vmem>>
      %dma_wait3A_417 = arith.constant 0 : i32
      %dma_wait3A_418 = arith.constant 0 : i32
      %dma_wait3A_419 = tpu.memref_slice %arg6[%dma_wait3A_417, %dma_wait3A_418] : memref<10240x64xf32, #tpu.memory_space<vmem_shared>> -> memref<10240x64xf32, #tpu.memory_space<vmem_shared>>
      tpu.wait_indirect_dma semaphore(%arg23 : memref<!tpu.dma_semaphore, #tpu.memory_space<semaphore_mem>>) src(%arg13 : memref<80x64xf32, #tpu.memory_space<vmem>>) dst(%dma_wait3A_419 : memref<10240x64xf32, #tpu.memory_space<vmem_shared>>)
      %add3A_420 = arith.constant 2 : i32
      %add3A_421 = arith.addi %add3A_400, %add3A_420 : i32
      %dma_start3A_422 = arith.constant 0 : i32
      %dma_start3A_423 = tpu.memref_slice %arg7[%add3A_421, %dma_start3A_422] : memref<125x80xi32, #tpu.memory_space<vmem>> -> memref<1x80xi32, #tpu.memory_space<vmem>>
      %dma_start3A_424 = tpu.memref_squeeze %dma_start3A_423 : memref<1x80xi32, #tpu.memory_space<vmem>> -> memref<80xi32, #tpu.memory_space<vmem>>
      %dma_start3A_425 = arith.constant 0 : i32
      %dma_start3A_426 = arith.constant 0 : i32
      %dma_start3A_427 = tpu.memref_slice %arg2[%dma_start3A_425, %dma_start3A_426] : memref<10240x64xf32, #tpu.memory_space<hbm>> -> memref<10240x64xf32, #tpu.memory_space<hbm>>
      tpu.enqueue_indirect_dma source(%dma_start3A_427 : memref<10240x64xf32, #tpu.memory_space<hbm>>) target(%arg13 : memref<80x64xf32, #tpu.memory_space<vmem>>) offsets(%dma_start3A_424 : memref<80xi32, #tpu.memory_space<vmem>>) semaphore(%arg18 : memref<!tpu.dma_semaphore, #tpu.memory_space<semaphore_mem>>)
      %add3A_428 = arith.constant 3 : i32
      %add3A_429 = arith.addi %mul3A_340, %add3A_428 : i32
      %dma_wait3A_430 = arith.constant 0 : i32
      %dma_wait3A_431 = tpu.memref_slice %arg7[%add3A_429, %dma_wait3A_430] : memref<125x80xi32, #tpu.memory_space<vmem>> -> memref<1x80xi32, #tpu.memory_space<vmem>>
      %dma_wait3A_432 = tpu.memref_squeeze %dma_wait3A_431 : memref<1x80xi32, #tpu.memory_space<vmem>> -> memref<80xi32, #tpu.memory_space<vmem>>
      %dma_wait3A_433 = arith.constant 0 : i32
      %dma_wait3A_434 = arith.constant 0 : i32
      %dma_wait3A_435 = tpu.memref_slice %arg2[%dma_wait3A_433, %dma_wait3A_434] : memref<10240x64xf32, #tpu.memory_space<hbm>> -> memref<10240x64xf32, #tpu.memory_space<hbm>>
      tpu.wait_indirect_dma semaphore(%arg17 : memref<!tpu.dma_semaphore, #tpu.memory_space<semaphore_mem>>) src(%dma_wait3A_435 : memref<10240x64xf32, #tpu.memory_space<hbm>>) dst(%arg12 : memref<80x64xf32, #tpu.memory_space<vmem>>)
      %dma_start3A_436 = arith.constant 0 : i32
      %dma_start3A_437 = tpu.memref_slice %arg8[%add3A_429, %dma_start3A_436] : memref<125x80xi32, #tpu.memory_space<vmem>> -> memref<1x80xi32, #tpu.memory_space<vmem>>
      %dma_start3A_438 = tpu.memref_squeeze %dma_start3A_437 : memref<1x80xi32, #tpu.memory_space<vmem>> -> memref<80xi32, #tpu.memory_space<vmem>>
      %dma_start3A_439 = arith.constant 0 : i32
      %dma_start3A_440 = arith.constant 0 : i32
      %dma_start3A_441 = tpu.memref_slice %arg6[%dma_start3A_439, %dma_start3A_440] : memref<10240x64xf32, #tpu.memory_space<vmem_shared>> -> memref<10240x64xf32, #tpu.memory_space<vmem_shared>>
      tpu.enqueue_indirect_dma source(%arg12 : memref<80x64xf32, #tpu.memory_space<vmem>>) target(%dma_start3A_441 : memref<10240x64xf32, #tpu.memory_space<vmem_shared>>) offsets(%dma_start3A_438 : memref<80xi32, #tpu.memory_space<vmem>>) semaphore(%arg22 : memref<!tpu.dma_semaphore, #tpu.memory_space<semaphore_mem>>) {add = true}
      %dma_wait3A_442 = arith.constant 0 : i32
      %dma_wait3A_443 = arith.constant 0 : i32
      %dma_wait3A_444 = tpu.memref_slice %arg8[%dma_wait3A_442, %dma_wait3A_443] : memref<125x80xi32, #tpu.memory_space<vmem>> -> memref<1x80xi32, #tpu.memory_space<vmem>>
      %dma_wait3A_445 = tpu.memref_squeeze %dma_wait3A_444 : memref<1x80xi32, #tpu.memory_space<vmem>> -> memref<80xi32, #tpu.memory_space<vmem>>
      %dma_wait3A_446 = arith.constant 0 : i32
      %dma_wait3A_447 = arith.constant 0 : i32
      %dma_wait3A_448 = tpu.memref_slice %arg6[%dma_wait3A_446, %dma_wait3A_447] : memref<10240x64xf32, #tpu.memory_space<vmem_shared>> -> memref<10240x64xf32, #tpu.memory_space<vmem_shared>>
      tpu.wait_indirect_dma semaphore(%arg19 : memref<!tpu.dma_semaphore, #tpu.memory_space<semaphore_mem>>) src(%arg9 : memref<80x64xf32, #tpu.memory_space<vmem>>) dst(%dma_wait3A_448 : memref<10240x64xf32, #tpu.memory_space<vmem_shared>>)
      %add3A_449 = arith.constant 2 : i32
      %add3A_450 = arith.addi %add3A_429, %add3A_449 : i32
      %dma_start3A_451 = arith.constant 0 : i32
      %dma_start3A_452 = tpu.memref_slice %arg7[%add3A_450, %dma_start3A_451] : memref<125x80xi32, #tpu.memory_space<vmem>> -> memref<1x80xi32, #tpu.memory_space<vmem>>
      %dma_start3A_453 = tpu.memref_squeeze %dma_start3A_452 : memref<1x80xi32, #tpu.memory_space<vmem>> -> memref<80xi32, #tpu.memory_space<vmem>>
      %dma_start3A_454 = arith.constant 0 : i32
      %dma_start3A_455 = arith.constant 0 : i32
      %dma_start3A_456 = tpu.memref_slice %arg2[%dma_start3A_454, %dma_start3A_455] : memref<10240x64xf32, #tpu.memory_space<hbm>> -> memref<10240x64xf32, #tpu.memory_space<hbm>>
      tpu.enqueue_indirect_dma source(%dma_start3A_456 : memref<10240x64xf32, #tpu.memory_space<hbm>>) target(%arg9 : memref<80x64xf32, #tpu.memory_space<vmem>>) offsets(%dma_start3A_453 : memref<80xi32, #tpu.memory_space<vmem>>) semaphore(%arg14 : memref<!tpu.dma_semaphore, #tpu.memory_space<semaphore_mem>>)
      %add3A_457 = arith.constant 4 : i32
      %add3A_458 = arith.addi %mul3A_340, %add3A_457 : i32
      %dma_wait3A_459 = arith.constant 0 : i32
      %dma_wait3A_460 = tpu.memref_slice %arg7[%add3A_458, %dma_wait3A_459] : memref<125x80xi32, #tpu.memory_space<vmem>> -> memref<1x80xi32, #tpu.memory_space<vmem>>
      %dma_wait3A_461 = tpu.memref_squeeze %dma_wait3A_460 : memref<1x80xi32, #tpu.memory_space<vmem>> -> memref<80xi32, #tpu.memory_space<vmem>>
      %dma_wait3A_462 = arith.constant 0 : i32
      %dma_wait3A_463 = arith.constant 0 : i32
      %dma_wait3A_464 = tpu.memref_slice %arg2[%dma_wait3A_462, %dma_wait3A_463] : memref<10240x64xf32, #tpu.memory_space<hbm>> -> memref<10240x64xf32, #tpu.memory_space<hbm>>
      tpu.wait_indirect_dma semaphore(%arg18 : memref<!tpu.dma_semaphore, #tpu.memory_space<semaphore_mem>>) src(%dma_wait3A_464 : memref<10240x64xf32, #tpu.memory_space<hbm>>) dst(%arg13 : memref<80x64xf32, #tpu.memory_space<vmem>>)
      %dma_start3A_465 = arith.constant 0 : i32
      %dma_start3A_466 = tpu.memref_slice %arg8[%add3A_458, %dma_start3A_465] : memref<125x80xi32, #tpu.memory_space<vmem>> -> memref<1x80xi32, #tpu.memory_space<vmem>>
      %dma_start3A_467 = tpu.memref_squeeze %dma_start3A_466 : memref<1x80xi32, #tpu.memory_space<vmem>> -> memref<80xi32, #tpu.memory_space<vmem>>
      %dma_start3A_468 = arith.constant 0 : i32
      %dma_start3A_469 = arith.constant 0 : i32
      %dma_start3A_470 = tpu.memref_slice %arg6[%dma_start3A_468, %dma_start3A_469] : memref<10240x64xf32, #tpu.memory_space<vmem_shared>> -> memref<10240x64xf32, #tpu.memory_space<vmem_shared>>
      tpu.enqueue_indirect_dma source(%arg13 : memref<80x64xf32, #tpu.memory_space<vmem>>) target(%dma_start3A_470 : memref<10240x64xf32, #tpu.memory_space<vmem_shared>>) offsets(%dma_start3A_467 : memref<80xi32, #tpu.memory_space<vmem>>) semaphore(%arg23 : memref<!tpu.dma_semaphore, #tpu.memory_space<semaphore_mem>>) {add = true}
      %dma_wait3A_471 = arith.constant 0 : i32
      %dma_wait3A_472 = arith.constant 0 : i32
      %dma_wait3A_473 = tpu.memref_slice %arg8[%dma_wait3A_471, %dma_wait3A_472] : memref<125x80xi32, #tpu.memory_space<vmem>> -> memref<1x80xi32, #tpu.memory_space<vmem>>
      %dma_wait3A_474 = tpu.memref_squeeze %dma_wait3A_473 : memref<1x80xi32, #tpu.memory_space<vmem>> -> memref<80xi32, #tpu.memory_space<vmem>>
      %dma_wait3A_475 = arith.constant 0 : i32
      %dma_wait3A_476 = arith.constant 0 : i32
      %dma_wait3A_477 = tpu.memref_slice %arg6[%dma_wait3A_475, %dma_wait3A_476] : memref<10240x64xf32, #tpu.memory_space<vmem_shared>> -> memref<10240x64xf32, #tpu.memory_space<vmem_shared>>
      tpu.wait_indirect_dma semaphore(%arg20 : memref<!tpu.dma_semaphore, #tpu.memory_space<semaphore_mem>>) src(%arg10 : memref<80x64xf32, #tpu.memory_space<vmem>>) dst(%dma_wait3A_477 : memref<10240x64xf32, #tpu.memory_space<vmem_shared>>)
      %add3A_478 = arith.constant 2 : i32
      %add3A_479 = arith.addi %add3A_458, %add3A_478 : i32
      %dma_start3A_480 = arith.constant 0 : i32
      %dma_start3A_481 = tpu.memref_slice %arg7[%add3A_479, %dma_start3A_480] : memref<125x80xi32, #tpu.memory_space<vmem>> -> memref<1x80xi32, #tpu.memory_space<vmem>>
      %dma_start3A_482 = tpu.memref_squeeze %dma_start3A_481 : memref<1x80xi32, #tpu.memory_space<vmem>> -> memref<80xi32, #tpu.memory_space<vmem>>
      %dma_start3A_483 = arith.constant 0 : i32
      %dma_start3A_484 = arith.constant 0 : i32
      %dma_start3A_485 = tpu.memref_slice %arg2[%dma_start3A_483, %dma_start3A_484] : memref<10240x64xf32, #tpu.memory_space<hbm>> -> memref<10240x64xf32, #tpu.memory_space<hbm>>
      tpu.enqueue_indirect_dma source(%dma_start3A_485 : memref<10240x64xf32, #tpu.memory_space<hbm>>) target(%arg10 : memref<80x64xf32, #tpu.memory_space<vmem>>) offsets(%dma_start3A_482 : memref<80xi32, #tpu.memory_space<vmem>>) semaphore(%arg15 : memref<!tpu.dma_semaphore, #tpu.memory_space<semaphore_mem>>)
      %scan3A_486 = arith.constant 0 : i32
      scf.yield %scan3A_486 : i32
    }
    %scan3A_184 = arith.constant 23 : i32
    %dma_wait3A_185 = arith.constant 120 : i32
    %dma_wait3A_186 = arith.constant 0 : i32
    %dma_wait3A_187 = tpu.memref_slice %arg7[%dma_wait3A_185, %dma_wait3A_186] : memref<125x80xi32, #tpu.memory_space<vmem>> -> memref<1x80xi32, #tpu.memory_space<vmem>>
    %dma_wait3A_188 = tpu.memref_squeeze %dma_wait3A_187 : memref<1x80xi32, #tpu.memory_space<vmem>> -> memref<80xi32, #tpu.memory_space<vmem>>
    %dma_wait3A_189 = arith.constant 0 : i32
    %dma_wait3A_190 = arith.constant 0 : i32
    %dma_wait3A_191 = tpu.memref_slice %arg2[%dma_wait3A_189, %dma_wait3A_190] : memref<10240x64xf32, #tpu.memory_space<hbm>> -> memref<10240x64xf32, #tpu.memory_space<hbm>>
    tpu.wait_indirect_dma semaphore(%arg14 : memref<!tpu.dma_semaphore, #tpu.memory_space<semaphore_mem>>) src(%dma_wait3A_191 : memref<10240x64xf32, #tpu.memory_space<hbm>>) dst(%arg9 : memref<80x64xf32, #tpu.memory_space<vmem>>)
    %dma_start3A_192 = arith.constant 120 : i32
    %dma_start3A_193 = arith.constant 0 : i32
    %dma_start3A_194 = tpu.memref_slice %arg8[%dma_start3A_192, %dma_start3A_193] : memref<125x80xi32, #tpu.memory_space<vmem>> -> memref<1x80xi32, #tpu.memory_space<vmem>>
    %dma_start3A_195 = tpu.memref_squeeze %dma_start3A_194 : memref<1x80xi32, #tpu.memory_space<vmem>> -> memref<80xi32, #tpu.memory_space<vmem>>
    %dma_start3A_196 = arith.constant 0 : i32
    %dma_start3A_197 = arith.constant 0 : i32
    %dma_start3A_198 = tpu.memref_slice %arg6[%dma_start3A_196, %dma_start3A_197] : memref<10240x64xf32, #tpu.memory_space<vmem_shared>> -> memref<10240x64xf32, #tpu.memory_space<vmem_shared>>
    tpu.enqueue_indirect_dma source(%arg9 : memref<80x64xf32, #tpu.memory_space<vmem>>) target(%dma_start3A_198 : memref<10240x64xf32, #tpu.memory_space<vmem_shared>>) offsets(%dma_start3A_195 : memref<80xi32, #tpu.memory_space<vmem>>) semaphore(%arg19 : memref<!tpu.dma_semaphore, #tpu.memory_space<semaphore_mem>>) {add = true}
    %dma_wait3A_199 = arith.constant 0 : i32
    %dma_wait3A_200 = arith.constant 0 : i32
    %dma_wait3A_201 = tpu.memref_slice %arg8[%dma_wait3A_199, %dma_wait3A_200] : memref<125x80xi32, #tpu.memory_space<vmem>> -> memref<1x80xi32, #tpu.memory_space<vmem>>
    %dma_wait3A_202 = tpu.memref_squeeze %dma_wait3A_201 : memref<1x80xi32, #tpu.memory_space<vmem>> -> memref<80xi32, #tpu.memory_space<vmem>>
    %dma_wait3A_203 = arith.constant 0 : i32
    %dma_wait3A_204 = arith.constant 0 : i32
    %dma_wait3A_205 = tpu.memref_slice %arg6[%dma_wait3A_203, %dma_wait3A_204] : memref<10240x64xf32, #tpu.memory_space<vmem_shared>> -> memref<10240x64xf32, #tpu.memory_space<vmem_shared>>
    tpu.wait_indirect_dma semaphore(%arg21 : memref<!tpu.dma_semaphore, #tpu.memory_space<semaphore_mem>>) src(%arg11 : memref<80x64xf32, #tpu.memory_space<vmem>>) dst(%dma_wait3A_205 : memref<10240x64xf32, #tpu.memory_space<vmem_shared>>)
    %dma_start3A_206 = arith.constant 122 : i32
    %dma_start3A_207 = arith.constant 0 : i32
    %dma_start3A_208 = tpu.memref_slice %arg7[%dma_start3A_206, %dma_start3A_207] : memref<125x80xi32, #tpu.memory_space<vmem>> -> memref<1x80xi32, #tpu.memory_space<vmem>>
    %dma_start3A_209 = tpu.memref_squeeze %dma_start3A_208 : memref<1x80xi32, #tpu.memory_space<vmem>> -> memref<80xi32, #tpu.memory_space<vmem>>
    %dma_start3A_210 = arith.constant 0 : i32
    %dma_start3A_211 = arith.constant 0 : i32
    %dma_start3A_212 = tpu.memref_slice %arg2[%dma_start3A_210, %dma_start3A_211] : memref<10240x64xf32, #tpu.memory_space<hbm>> -> memref<10240x64xf32, #tpu.memory_space<hbm>>
    tpu.enqueue_indirect_dma source(%dma_start3A_212 : memref<10240x64xf32, #tpu.memory_space<hbm>>) target(%arg11 : memref<80x64xf32, #tpu.memory_space<vmem>>) offsets(%dma_start3A_209 : memref<80xi32, #tpu.memory_space<vmem>>) semaphore(%arg16 : memref<!tpu.dma_semaphore, #tpu.memory_space<semaphore_mem>>)
    %dma_wait3A_213 = arith.constant 121 : i32
    %dma_wait3A_214 = arith.constant 0 : i32
    %dma_wait3A_215 = tpu.memref_slice %arg7[%dma_wait3A_213, %dma_wait3A_214] : memref<125x80xi32, #tpu.memory_space<vmem>> -> memref<1x80xi32, #tpu.memory_space<vmem>>
    %dma_wait3A_216 = tpu.memref_squeeze %dma_wait3A_215 : memref<1x80xi32, #tpu.memory_space<vmem>> -> memref<80xi32, #tpu.memory_space<vmem>>
    %dma_wait3A_217 = arith.constant 0 : i32
    %dma_wait3A_218 = arith.constant 0 : i32
    %dma_wait3A_219 = tpu.memref_slice %arg2[%dma_wait3A_217, %dma_wait3A_218] : memref<10240x64xf32, #tpu.memory_space<hbm>> -> memref<10240x64xf32, #tpu.memory_space<hbm>>
    tpu.wait_indirect_dma semaphore(%arg15 : memref<!tpu.dma_semaphore, #tpu.memory_space<semaphore_mem>>) src(%dma_wait3A_219 : memref<10240x64xf32, #tpu.memory_space<hbm>>) dst(%arg10 : memref<80x64xf32, #tpu.memory_space<vmem>>)
    %dma_start3A_220 = arith.constant 121 : i32
    %dma_start3A_221 = arith.constant 0 : i32
    %dma_start3A_222 = tpu.memref_slice %arg8[%dma_start3A_220, %dma_start3A_221] : memref<125x80xi32, #tpu.memory_space<vmem>> -> memref<1x80xi32, #tpu.memory_space<vmem>>
    %dma_start3A_223 = tpu.memref_squeeze %dma_start3A_222 : memref<1x80xi32, #tpu.memory_space<vmem>> -> memref<80xi32, #tpu.memory_space<vmem>>
    %dma_start3A_224 = arith.constant 0 : i32
    %dma_start3A_225 = arith.constant 0 : i32
    %dma_start3A_226 = tpu.memref_slice %arg6[%dma_start3A_224, %dma_start3A_225] : memref<10240x64xf32, #tpu.memory_space<vmem_shared>> -> memref<10240x64xf32, #tpu.memory_space<vmem_shared>>
    tpu.enqueue_indirect_dma source(%arg10 : memref<80x64xf32, #tpu.memory_space<vmem>>) target(%dma_start3A_226 : memref<10240x64xf32, #tpu.memory_space<vmem_shared>>) offsets(%dma_start3A_223 : memref<80xi32, #tpu.memory_space<vmem>>) semaphore(%arg20 : memref<!tpu.dma_semaphore, #tpu.memory_space<semaphore_mem>>) {add = true}
    %dma_wait3A_227 = arith.constant 0 : i32
    %dma_wait3A_228 = arith.constant 0 : i32
    %dma_wait3A_229 = tpu.memref_slice %arg8[%dma_wait3A_227, %dma_wait3A_228] : memref<125x80xi32, #tpu.memory_space<vmem>> -> memref<1x80xi32, #tpu.memory_space<vmem>>
    %dma_wait3A_230 = tpu.memref_squeeze %dma_wait3A_229 : memref<1x80xi32, #tpu.memory_space<vmem>> -> memref<80xi32, #tpu.memory_space<vmem>>
    %dma_wait3A_231 = arith.constant 0 : i32
    %dma_wait3A_232 = arith.constant 0 : i32
    %dma_wait3A_233 = tpu.memref_slice %arg6[%dma_wait3A_231, %dma_wait3A_232] : memref<10240x64xf32, #tpu.memory_space<vmem_shared>> -> memref<10240x64xf32, #tpu.memory_space<vmem_shared>>
    tpu.wait_indirect_dma semaphore(%arg22 : memref<!tpu.dma_semaphore, #tpu.memory_space<semaphore_mem>>) src(%arg12 : memref<80x64xf32, #tpu.memory_space<vmem>>) dst(%dma_wait3A_233 : memref<10240x64xf32, #tpu.memory_space<vmem_shared>>)
    %dma_start3A_234 = arith.constant 123 : i32
    %dma_start3A_235 = arith.constant 0 : i32
    %dma_start3A_236 = tpu.memref_slice %arg7[%dma_start3A_234, %dma_start3A_235] : memref<125x80xi32, #tpu.memory_space<vmem>> -> memref<1x80xi32, #tpu.memory_space<vmem>>
    %dma_start3A_237 = tpu.memref_squeeze %dma_start3A_236 : memref<1x80xi32, #tpu.memory_space<vmem>> -> memref<80xi32, #tpu.memory_space<vmem>>
    %dma_start3A_238 = arith.constant 0 : i32
    %dma_start3A_239 = arith.constant 0 : i32
    %dma_start3A_240 = tpu.memref_slice %arg2[%dma_start3A_238, %dma_start3A_239] : memref<10240x64xf32, #tpu.memory_space<hbm>> -> memref<10240x64xf32, #tpu.memory_space<hbm>>
    tpu.enqueue_indirect_dma source(%dma_start3A_240 : memref<10240x64xf32, #tpu.memory_space<hbm>>) target(%arg12 : memref<80x64xf32, #tpu.memory_space<vmem>>) offsets(%dma_start3A_237 : memref<80xi32, #tpu.memory_space<vmem>>) semaphore(%arg17 : memref<!tpu.dma_semaphore, #tpu.memory_space<semaphore_mem>>)
    %dma_wait3A_241 = arith.constant 122 : i32
    %dma_wait3A_242 = arith.constant 0 : i32
    %dma_wait3A_243 = tpu.memref_slice %arg7[%dma_wait3A_241, %dma_wait3A_242] : memref<125x80xi32, #tpu.memory_space<vmem>> -> memref<1x80xi32, #tpu.memory_space<vmem>>
    %dma_wait3A_244 = tpu.memref_squeeze %dma_wait3A_243 : memref<1x80xi32, #tpu.memory_space<vmem>> -> memref<80xi32, #tpu.memory_space<vmem>>
    %dma_wait3A_245 = arith.constant 0 : i32
    %dma_wait3A_246 = arith.constant 0 : i32
    %dma_wait3A_247 = tpu.memref_slice %arg2[%dma_wait3A_245, %dma_wait3A_246] : memref<10240x64xf32, #tpu.memory_space<hbm>> -> memref<10240x64xf32, #tpu.memory_space<hbm>>
    tpu.wait_indirect_dma semaphore(%arg16 : memref<!tpu.dma_semaphore, #tpu.memory_space<semaphore_mem>>) src(%dma_wait3A_247 : memref<10240x64xf32, #tpu.memory_space<hbm>>) dst(%arg11 : memref<80x64xf32, #tpu.memory_space<vmem>>)
    %dma_start3A_248 = arith.constant 122 : i32
    %dma_start3A_249 = arith.constant 0 : i32
    %dma_start3A_250 = tpu.memref_slice %arg8[%dma_start3A_248, %dma_start3A_249] : memref<125x80xi32, #tpu.memory_space<vmem>> -> memref<1x80xi32, #tpu.memory_space<vmem>>
    %dma_start3A_251 = tpu.memref_squeeze %dma_start3A_250 : memref<1x80xi32, #tpu.memory_space<vmem>> -> memref<80xi32, #tpu.memory_space<vmem>>
    %dma_start3A_252 = arith.constant 0 : i32
    %dma_start3A_253 = arith.constant 0 : i32
    %dma_start3A_254 = tpu.memref_slice %arg6[%dma_start3A_252, %dma_start3A_253] : memref<10240x64xf32, #tpu.memory_space<vmem_shared>> -> memref<10240x64xf32, #tpu.memory_space<vmem_shared>>
    tpu.enqueue_indirect_dma source(%arg11 : memref<80x64xf32, #tpu.memory_space<vmem>>) target(%dma_start3A_254 : memref<10240x64xf32, #tpu.memory_space<vmem_shared>>) offsets(%dma_start3A_251 : memref<80xi32, #tpu.memory_space<vmem>>) semaphore(%arg21 : memref<!tpu.dma_semaphore, #tpu.memory_space<semaphore_mem>>) {add = true}
    %dma_wait3A_255 = arith.constant 0 : i32
    %dma_wait3A_256 = arith.constant 0 : i32
    %dma_wait3A_257 = tpu.memref_slice %arg8[%dma_wait3A_255, %dma_wait3A_256] : memref<125x80xi32, #tpu.memory_space<vmem>> -> memref<1x80xi32, #tpu.memory_space<vmem>>
    %dma_wait3A_258 = tpu.memref_squeeze %dma_wait3A_257 : memref<1x80xi32, #tpu.memory_space<vmem>> -> memref<80xi32, #tpu.memory_space<vmem>>
    %dma_wait3A_259 = arith.constant 0 : i32
    %dma_wait3A_260 = arith.constant 0 : i32
    %dma_wait3A_261 = tpu.memref_slice %arg6[%dma_wait3A_259, %dma_wait3A_260] : memref<10240x64xf32, #tpu.memory_space<vmem_shared>> -> memref<10240x64xf32, #tpu.memory_space<vmem_shared>>
    tpu.wait_indirect_dma semaphore(%arg23 : memref<!tpu.dma_semaphore, #tpu.memory_space<semaphore_mem>>) src(%arg13 : memref<80x64xf32, #tpu.memory_space<vmem>>) dst(%dma_wait3A_261 : memref<10240x64xf32, #tpu.memory_space<vmem_shared>>)
    %dma_start3A_262 = arith.constant 124 : i32
    %dma_start3A_263 = arith.constant 0 : i32
    %dma_start3A_264 = tpu.memref_slice %arg7[%dma_start3A_262, %dma_start3A_263] : memref<125x80xi32, #tpu.memory_space<vmem>> -> memref<1x80xi32, #tpu.memory_space<vmem>>
    %dma_start3A_265 = tpu.memref_squeeze %dma_start3A_264 : memref<1x80xi32, #tpu.memory_space<vmem>> -> memref<80xi32, #tpu.memory_space<vmem>>
    %dma_start3A_266 = arith.constant 0 : i32
    %dma_start3A_267 = arith.constant 0 : i32
    %dma_start3A_268 = tpu.memref_slice %arg2[%dma_start3A_266, %dma_start3A_267] : memref<10240x64xf32, #tpu.memory_space<hbm>> -> memref<10240x64xf32, #tpu.memory_space<hbm>>
    tpu.enqueue_indirect_dma source(%dma_start3A_268 : memref<10240x64xf32, #tpu.memory_space<hbm>>) target(%arg13 : memref<80x64xf32, #tpu.memory_space<vmem>>) offsets(%dma_start3A_265 : memref<80xi32, #tpu.memory_space<vmem>>) semaphore(%arg18 : memref<!tpu.dma_semaphore, #tpu.memory_space<semaphore_mem>>)
    %dma_wait3A_269 = arith.constant 123 : i32
    %dma_wait3A_270 = arith.constant 0 : i32
    %dma_wait3A_271 = tpu.memref_slice %arg7[%dma_wait3A_269, %dma_wait3A_270] : memref<125x80xi32, #tpu.memory_space<vmem>> -> memref<1x80xi32, #tpu.memory_space<vmem>>
    %dma_wait3A_272 = tpu.memref_squeeze %dma_wait3A_271 : memref<1x80xi32, #tpu.memory_space<vmem>> -> memref<80xi32, #tpu.memory_space<vmem>>
    %dma_wait3A_273 = arith.constant 0 : i32
    %dma_wait3A_274 = arith.constant 0 : i32
    %dma_wait3A_275 = tpu.memref_slice %arg2[%dma_wait3A_273, %dma_wait3A_274] : memref<10240x64xf32, #tpu.memory_space<hbm>> -> memref<10240x64xf32, #tpu.memory_space<hbm>>
    tpu.wait_indirect_dma semaphore(%arg17 : memref<!tpu.dma_semaphore, #tpu.memory_space<semaphore_mem>>) src(%dma_wait3A_275 : memref<10240x64xf32, #tpu.memory_space<hbm>>) dst(%arg12 : memref<80x64xf32, #tpu.memory_space<vmem>>)
    %dma_start3A_276 = arith.constant 123 : i32
    %dma_start3A_277 = arith.constant 0 : i32
    %dma_start3A_278 = tpu.memref_slice %arg8[%dma_start3A_276, %dma_start3A_277] : memref<125x80xi32, #tpu.memory_space<vmem>> -> memref<1x80xi32, #tpu.memory_space<vmem>>
    %dma_start3A_279 = tpu.memref_squeeze %dma_start3A_278 : memref<1x80xi32, #tpu.memory_space<vmem>> -> memref<80xi32, #tpu.memory_space<vmem>>
    %dma_start3A_280 = arith.constant 0 : i32
    %dma_start3A_281 = arith.constant 0 : i32
    %dma_start3A_282 = tpu.memref_slice %arg6[%dma_start3A_280, %dma_start3A_281] : memref<10240x64xf32, #tpu.memory_space<vmem_shared>> -> memref<10240x64xf32, #tpu.memory_space<vmem_shared>>
    tpu.enqueue_indirect_dma source(%arg12 : memref<80x64xf32, #tpu.memory_space<vmem>>) target(%dma_start3A_282 : memref<10240x64xf32, #tpu.memory_space<vmem_shared>>) offsets(%dma_start3A_279 : memref<80xi32, #tpu.memory_space<vmem>>) semaphore(%arg22 : memref<!tpu.dma_semaphore, #tpu.memory_space<semaphore_mem>>) {add = true}
    %dma_wait3A_283 = arith.constant 0 : i32
    %dma_wait3A_284 = arith.constant 0 : i32
    %dma_wait3A_285 = tpu.memref_slice %arg8[%dma_wait3A_283, %dma_wait3A_284] : memref<125x80xi32, #tpu.memory_space<vmem>> -> memref<1x80xi32, #tpu.memory_space<vmem>>
    %dma_wait3A_286 = tpu.memref_squeeze %dma_wait3A_285 : memref<1x80xi32, #tpu.memory_space<vmem>> -> memref<80xi32, #tpu.memory_space<vmem>>
    %dma_wait3A_287 = arith.constant 0 : i32
    %dma_wait3A_288 = arith.constant 0 : i32
    %dma_wait3A_289 = tpu.memref_slice %arg6[%dma_wait3A_287, %dma_wait3A_288] : memref<10240x64xf32, #tpu.memory_space<vmem_shared>> -> memref<10240x64xf32, #tpu.memory_space<vmem_shared>>
    tpu.wait_indirect_dma semaphore(%arg19 : memref<!tpu.dma_semaphore, #tpu.memory_space<semaphore_mem>>) src(%arg9 : memref<80x64xf32, #tpu.memory_space<vmem>>) dst(%dma_wait3A_289 : memref<10240x64xf32, #tpu.memory_space<vmem_shared>>)
    %dma_wait3A_290 = arith.constant 124 : i32
    %dma_wait3A_291 = arith.constant 0 : i32
    %dma_wait3A_292 = tpu.memref_slice %arg7[%dma_wait3A_290, %dma_wait3A_291] : memref<125x80xi32, #tpu.memory_space<vmem>> -> memref<1x80xi32, #tpu.memory_space<vmem>>
    %dma_wait3A_293 = tpu.memref_squeeze %dma_wait3A_292 : memref<1x80xi32, #tpu.memory_space<vmem>> -> memref<80xi32, #tpu.memory_space<vmem>>
    %dma_wait3A_294 = arith.constant 0 : i32
    %dma_wait3A_295 = arith.constant 0 : i32
    %dma_wait3A_296 = tpu.memref_slice %arg2[%dma_wait3A_294, %dma_wait3A_295] : memref<10240x64xf32, #tpu.memory_space<hbm>> -> memref<10240x64xf32, #tpu.memory_space<hbm>>
    tpu.wait_indirect_dma semaphore(%arg18 : memref<!tpu.dma_semaphore, #tpu.memory_space<semaphore_mem>>) src(%dma_wait3A_296 : memref<10240x64xf32, #tpu.memory_space<hbm>>) dst(%arg13 : memref<80x64xf32, #tpu.memory_space<vmem>>)
    %dma_start3A_297 = arith.constant 124 : i32
    %dma_start3A_298 = arith.constant 0 : i32
    %dma_start3A_299 = tpu.memref_slice %arg8[%dma_start3A_297, %dma_start3A_298] : memref<125x80xi32, #tpu.memory_space<vmem>> -> memref<1x80xi32, #tpu.memory_space<vmem>>
    %dma_start3A_300 = tpu.memref_squeeze %dma_start3A_299 : memref<1x80xi32, #tpu.memory_space<vmem>> -> memref<80xi32, #tpu.memory_space<vmem>>
    %dma_start3A_301 = arith.constant 0 : i32
    %dma_start3A_302 = arith.constant 0 : i32
    %dma_start3A_303 = tpu.memref_slice %arg6[%dma_start3A_301, %dma_start3A_302] : memref<10240x64xf32, #tpu.memory_space<vmem_shared>> -> memref<10240x64xf32, #tpu.memory_space<vmem_shared>>
    tpu.enqueue_indirect_dma source(%arg13 : memref<80x64xf32, #tpu.memory_space<vmem>>) target(%dma_start3A_303 : memref<10240x64xf32, #tpu.memory_space<vmem_shared>>) offsets(%dma_start3A_300 : memref<80xi32, #tpu.memory_space<vmem>>) semaphore(%arg23 : memref<!tpu.dma_semaphore, #tpu.memory_space<semaphore_mem>>) {add = true}
    %dma_wait3A_304 = arith.constant 0 : i32
    %dma_wait3A_305 = arith.constant 0 : i32
    %dma_wait3A_306 = tpu.memref_slice %arg8[%dma_wait3A_304, %dma_wait3A_305] : memref<125x80xi32, #tpu.memory_space<vmem>> -> memref<1x80xi32, #tpu.memory_space<vmem>>
    %dma_wait3A_307 = tpu.memref_squeeze %dma_wait3A_306 : memref<1x80xi32, #tpu.memory_space<vmem>> -> memref<80xi32, #tpu.memory_space<vmem>>
    %dma_wait3A_308 = arith.constant 0 : i32
    %dma_wait3A_309 = arith.constant 0 : i32
    %dma_wait3A_310 = tpu.memref_slice %arg6[%dma_wait3A_308, %dma_wait3A_309] : memref<10240x64xf32, #tpu.memory_space<vmem_shared>> -> memref<10240x64xf32, #tpu.memory_space<vmem_shared>>
    tpu.wait_indirect_dma semaphore(%arg20 : memref<!tpu.dma_semaphore, #tpu.memory_space<semaphore_mem>>) src(%arg10 : memref<80x64xf32, #tpu.memory_space<vmem>>) dst(%dma_wait3A_310 : memref<10240x64xf32, #tpu.memory_space<vmem_shared>>)
    %dma_wait3A_311 = arith.constant 0 : i32
    %dma_wait3A_312 = arith.constant 0 : i32
    %dma_wait3A_313 = tpu.memref_slice %arg8[%dma_wait3A_311, %dma_wait3A_312] : memref<125x80xi32, #tpu.memory_space<vmem>> -> memref<1x80xi32, #tpu.memory_space<vmem>>
    %dma_wait3A_314 = tpu.memref_squeeze %dma_wait3A_313 : memref<1x80xi32, #tpu.memory_space<vmem>> -> memref<80xi32, #tpu.memory_space<vmem>>
    %dma_wait3A_315 = arith.constant 0 : i32
    %dma_wait3A_316 = arith.constant 0 : i32
    %dma_wait3A_317 = tpu.memref_slice %arg6[%dma_wait3A_315, %dma_wait3A_316] : memref<10240x64xf32, #tpu.memory_space<vmem_shared>> -> memref<10240x64xf32, #tpu.memory_space<vmem_shared>>
    tpu.wait_indirect_dma semaphore(%arg21 : memref<!tpu.dma_semaphore, #tpu.memory_space<semaphore_mem>>) src(%arg11 : memref<80x64xf32, #tpu.memory_space<vmem>>) dst(%dma_wait3A_317 : memref<10240x64xf32, #tpu.memory_space<vmem_shared>>)
    %dma_wait3A_318 = arith.constant 0 : i32
    %dma_wait3A_319 = arith.constant 0 : i32
    %dma_wait3A_320 = tpu.memref_slice %arg8[%dma_wait3A_318, %dma_wait3A_319] : memref<125x80xi32, #tpu.memory_space<vmem>> -> memref<1x80xi32, #tpu.memory_space<vmem>>
    %dma_wait3A_321 = tpu.memref_squeeze %dma_wait3A_320 : memref<1x80xi32, #tpu.memory_space<vmem>> -> memref<80xi32, #tpu.memory_space<vmem>>
    %dma_wait3A_322 = arith.constant 0 : i32
    %dma_wait3A_323 = arith.constant 0 : i32
    %dma_wait3A_324 = tpu.memref_slice %arg6[%dma_wait3A_322, %dma_wait3A_323] : memref<10240x64xf32, #tpu.memory_space<vmem_shared>> -> memref<10240x64xf32, #tpu.memory_space<vmem_shared>>
    tpu.wait_indirect_dma semaphore(%arg22 : memref<!tpu.dma_semaphore, #tpu.memory_space<semaphore_mem>>) src(%arg12 : memref<80x64xf32, #tpu.memory_space<vmem>>) dst(%dma_wait3A_324 : memref<10240x64xf32, #tpu.memory_space<vmem_shared>>)
    %dma_wait3A_325 = arith.constant 0 : i32
    %dma_wait3A_326 = arith.constant 0 : i32
    %dma_wait3A_327 = tpu.memref_slice %arg8[%dma_wait3A_325, %dma_wait3A_326] : memref<125x80xi32, #tpu.memory_space<vmem>> -> memref<1x80xi32, #tpu.memory_space<vmem>>
    %dma_wait3A_328 = tpu.memref_squeeze %dma_wait3A_327 : memref<1x80xi32, #tpu.memory_space<vmem>> -> memref<80xi32, #tpu.memory_space<vmem>>
    %dma_wait3A_329 = arith.constant 0 : i32
    %dma_wait3A_330 = arith.constant 0 : i32
    %dma_wait3A_331 = tpu.memref_slice %arg6[%dma_wait3A_329, %dma_wait3A_330] : memref<10240x64xf32, #tpu.memory_space<vmem_shared>> -> memref<10240x64xf32, #tpu.memory_space<vmem_shared>>
    tpu.wait_indirect_dma semaphore(%arg23 : memref<!tpu.dma_semaphore, #tpu.memory_space<semaphore_mem>>) src(%arg13 : memref<80x64xf32, #tpu.memory_space<vmem>>) dst(%dma_wait3A_331 : memref<10240x64xf32, #tpu.memory_space<vmem_shared>>)
    %barrier3A_332 = arith.constant 0 : index
    tpu.barrier barrier_id(%barrier3A_332)
    %mul3A_333 = arith.constant 640 : i32
    %mul3A_334 = arith.muli %arg1, %mul3A_333 : i32
    %mul3A_335 = arith.constant 640 : i32
    %mul3A_336 = arith.muli %arg1, %mul3A_335 : i32
    "tpu.region"() ({
      %run_scoped3A = tpu.sem_alloc : memref<!tpu.dma_semaphore, #tpu.memory_space<semaphore_mem>>
      %dma_start3A_337 = arith.constant 0 : i32
      %dma_start3A_338 = tpu.memref_slice %arg5[%arg0, %mul3A_336, %dma_start3A_337] : memref<2x10240x64xf32, #tpu.memory_space<hbm>> -> memref<1x640x64xf32, #tpu.memory_space<hbm>>
      %dma_start3A_339 = tpu.memref_squeeze %dma_start3A_338 : memref<1x640x64xf32, #tpu.memory_space<hbm>> -> memref<640x64xf32, #tpu.memory_space<hbm>>
      %dma_start3A_340 = arith.constant 0 : i32
      %dma_start3A_341 = tpu.memref_slice %arg6[%mul3A_334, %dma_start3A_340] : memref<10240x64xf32, #tpu.memory_space<vmem_shared>> -> memref<640x64xf32, #tpu.memory_space<vmem_shared>>
      tpu.enqueue_dma source(%dma_start3A_341 : memref<640x64xf32, #tpu.memory_space<vmem_shared>>) target(%dma_start3A_339 : memref<640x64xf32, #tpu.memory_space<hbm>>) target_semaphore(%run_scoped3A : memref<!tpu.dma_semaphore, #tpu.memory_space<semaphore_mem>>)
      %dma_wait3A_342 = arith.constant 0 : i32
      %dma_wait3A_343 = tpu.memref_slice %arg5[%arg0, %mul3A_336, %dma_wait3A_342] : memref<2x10240x64xf32, #tpu.memory_space<hbm>> -> memref<1x640x64xf32, #tpu.memory_space<hbm>>
      %dma_wait3A_344 = tpu.memref_squeeze %dma_wait3A_343 : memref<1x640x64xf32, #tpu.memory_space<hbm>> -> memref<640x64xf32, #tpu.memory_space<hbm>>
      %dma_wait3A_345 = arith.constant 0 : i32
      %dma_wait3A_346 = tpu.memref_slice %arg6[%mul3A_334, %dma_wait3A_345] : memref<10240x64xf32, #tpu.memory_space<vmem_shared>> -> memref<640x64xf32, #tpu.memory_space<vmem_shared>>
      tpu.wait_dma2 semaphore(%run_scoped3A : memref<!tpu.dma_semaphore, #tpu.memory_space<semaphore_mem>>) src(%dma_wait3A_346 : memref<640x64xf32, #tpu.memory_space<vmem_shared>>) dst(%dma_wait3A_344 : memref<640x64xf32, #tpu.memory_space<hbm>>)
      tpu.yield
    }) : () -> ()
    return
  }
}

#map = affine_map<(d0, d1) -> (0, 0)>
#map1 = affine_map<(d0, d1) -> (0, 0, 0)>
module attributes {stable_mosaic.version = 14 : i64} {
  func.func @body(%arg0: i32, %arg1: i32, %arg2: memref<10240x128xf32, #tpu.memory_space<hbm>>, %arg3: memref<32x250x40xi32, #tpu.memory_space<hbm>>, %arg4: memref<32x250x40xi32, #tpu.memory_space<hbm>>, %arg5: memref<2x10240x128xf32, #tpu.memory_space<hbm>>, %arg6: memref<10240x128xf32, #tpu.memory_space<vmem_shared>>, %arg7: memref<250x40xi32, #tpu.memory_space<vmem>>, %arg8: memref<250x40xi32, #tpu.memory_space<vmem>>, %arg9: memref<40x128xf32, #tpu.memory_space<vmem>>, %arg10: memref<40x128xf32, #tpu.memory_space<vmem>>, %arg11: memref<40x128xf32, #tpu.memory_space<vmem>>, %arg12: memref<40x128xf32, #tpu.memory_space<vmem>>, %arg13: memref<40x128xf32, #tpu.memory_space<vmem>>, %arg14: memref<!tpu.dma_semaphore, #tpu.memory_space<semaphore_mem>>, %arg15: memref<!tpu.dma_semaphore, #tpu.memory_space<semaphore_mem>>, %arg16: memref<!tpu.dma_semaphore, #tpu.memory_space<semaphore_mem>>, %arg17: memref<!tpu.dma_semaphore, #tpu.memory_space<semaphore_mem>>, %arg18: memref<!tpu.dma_semaphore, #tpu.memory_space<semaphore_mem>>, %arg19: memref<!tpu.dma_semaphore, #tpu.memory_space<semaphore_mem>>, %arg20: memref<!tpu.dma_semaphore, #tpu.memory_space<semaphore_mem>>, %arg21: memref<!tpu.dma_semaphore, #tpu.memory_space<semaphore_mem>>, %arg22: memref<!tpu.dma_semaphore, #tpu.memory_space<semaphore_mem>>, %arg23: memref<!tpu.dma_semaphore, #tpu.memory_space<semaphore_mem>>, %arg24: memref<!tpu.dma_semaphore, #tpu.memory_space<semaphore_mem>>, %arg25: memref<!tpu.dma_semaphore, #tpu.memory_space<semaphore_mem>>) attributes {dimension_semantics = [#tpu.dimension_semantics<core_parallel>, #tpu.dimension_semantics<subcore_parallel>], iteration_bounds = array<i64: 2, 16>, scalar_prefetch = 0 : i64, scratch_operands = 20 : i64, tpu.core_type = #tpu.core_type<sc_vector_subcore>, window_params = [{transform_indices = #map}, {transform_indices = #map1}, {transform_indices = #map1}, {transform_indices = #map1}]} {
    %mul3A = arith.constant 2 : i32
    %mul3A_0 = arith.muli %arg1, %mul3A : i32
    %add3A = arith.addi %mul3A_0, %arg0 : i32
    %broadcast_in_dim3A = arith.constant 0.000000e+00 : f32
    %broadcast_in_dim3A_1 = vector.broadcast %broadcast_in_dim3A : f32 to vector<16xf32>
    %dma_start3A = arith.constant 0 : i32
    %dma_start3A_2 = arith.constant 0 : i32
    %dma_start3A_3 = tpu.memref_slice %arg3[%add3A, %dma_start3A, %dma_start3A_2] : memref<32x250x40xi32, #tpu.memory_space<hbm>> -> memref<1x250x40xi32, #tpu.memory_space<hbm>>
    %dma_start3A_4 = tpu.memref_squeeze %dma_start3A_3 : memref<1x250x40xi32, #tpu.memory_space<hbm>> -> memref<250x40xi32, #tpu.memory_space<hbm>>
    %dma_start3A_5 = arith.constant 0 : i32
    %dma_start3A_6 = arith.constant 0 : i32
    %dma_start3A_7 = tpu.memref_slice %arg3[%add3A, %dma_start3A_5, %dma_start3A_6] : memref<32x250x40xi32, #tpu.memory_space<hbm>> -> memref<1x250x40xi32, #tpu.memory_space<hbm>>
    %dma_start3A_8 = tpu.memref_squeeze %dma_start3A_7 : memref<1x250x40xi32, #tpu.memory_space<hbm>> -> memref<250x40xi32, #tpu.memory_space<hbm>>
    tpu.enqueue_dma source(%dma_start3A_8 : memref<250x40xi32, #tpu.memory_space<hbm>>) target(%arg7 : memref<250x40xi32, #tpu.memory_space<vmem>>) target_semaphore(%arg24 : memref<!tpu.dma_semaphore, #tpu.memory_space<semaphore_mem>>)
    %dma_start3A_9 = arith.constant 0 : i32
    %dma_start3A_10 = arith.constant 0 : i32
    %dma_start3A_11 = tpu.memref_slice %arg4[%add3A, %dma_start3A_9, %dma_start3A_10] : memref<32x250x40xi32, #tpu.memory_space<hbm>> -> memref<1x250x40xi32, #tpu.memory_space<hbm>>
    %dma_start3A_12 = tpu.memref_squeeze %dma_start3A_11 : memref<1x250x40xi32, #tpu.memory_space<hbm>> -> memref<250x40xi32, #tpu.memory_space<hbm>>
    %dma_start3A_13 = arith.constant 0 : i32
    %dma_start3A_14 = arith.constant 0 : i32
    %dma_start3A_15 = tpu.memref_slice %arg4[%add3A, %dma_start3A_13, %dma_start3A_14] : memref<32x250x40xi32, #tpu.memory_space<hbm>> -> memref<1x250x40xi32, #tpu.memory_space<hbm>>
    %dma_start3A_16 = tpu.memref_squeeze %dma_start3A_15 : memref<1x250x40xi32, #tpu.memory_space<hbm>> -> memref<250x40xi32, #tpu.memory_space<hbm>>
    tpu.enqueue_dma source(%dma_start3A_16 : memref<250x40xi32, #tpu.memory_space<hbm>>) target(%arg8 : memref<250x40xi32, #tpu.memory_space<vmem>>) target_semaphore(%arg25 : memref<!tpu.dma_semaphore, #tpu.memory_space<semaphore_mem>>)
    %scan3A = arith.constant 0 : i32
    %scan3A_17 = arith.constant 0 : i32
    %scan3A_18 = arith.constant 40 : i32
    %scan3A_19 = arith.addi %scan3A_17, %scan3A_18 : i32
    %scan3A_20 = arith.constant 1 : i32
    %scan3A_21 = scf.for %scan3A_337 = %scan3A_17 to %scan3A_19 step %scan3A_20 iter_args(%scan3A_338 = %scan3A) -> (i32)  : i32 {
      %scan3A_339 = arith.constant 0 : i32
      %scan3A_340 = arith.constant 0 : i32
      %scan3A_341 = arith.constant 8 : i32
      %scan3A_342 = arith.addi %scan3A_340, %scan3A_341 : i32
      %scan3A_343 = arith.constant 1 : i32
      %scan3A_344 = scf.for %scan3A_347 = %scan3A_340 to %scan3A_342 step %scan3A_343 iter_args(%scan3A_348 = %scan3A_339) -> (i32)  : i32 {
        %mul3A_349 = arith.constant 16 : i32
        %mul3A_350 = arith.muli %scan3A_347, %mul3A_349 : i32
        %swap3A = arith.index_cast %scan3A_337 : i32 to index
        %swap3A_351 = arith.index_cast %mul3A_350 : i32 to index
        %swap3A_352 = tpu.vector_load %arg9[%swap3A, %swap3A_351] {strides = array<i32>} : memref<40x128xf32, #tpu.memory_space<vmem>>, vector<1x16xf32>,
        %swap3A_353 = vector.shape_cast %swap3A_352 : vector<1x16xf32> to vector<16xf32>
        %swap3A_354 = vector.shape_cast %broadcast_in_dim3A_1 : vector<16xf32> to vector<1x16xf32>
        tpu.vector_store %arg9[%swap3A, %swap3A_351], %swap3A_354 {strides = array<i32>} : memref<40x128xf32, #tpu.memory_space<vmem>>, vector<1x16xf32>,
        %scan3A_355 = arith.constant 0 : i32
        scf.yield %scan3A_355 : i32
      }
      %scan3A_345 = arith.constant 8 : i32
      %scan3A_346 = arith.constant 0 : i32
      scf.yield %scan3A_346 : i32
    }
    %scan3A_22 = arith.constant 40 : i32
    %scan3A_23 = arith.constant 0 : i32
    %scan3A_24 = arith.constant 0 : i32
    %scan3A_25 = arith.constant 16 : i32
    %scan3A_26 = arith.addi %scan3A_24, %scan3A_25 : i32
    %scan3A_27 = arith.constant 1 : i32
    %scan3A_28 = scf.for %scan3A_337 = %scan3A_24 to %scan3A_26 step %scan3A_27 iter_args(%scan3A_338 = %scan3A_23) -> (i32)  : i32 {
      %mul3A_339 = arith.constant 640 : i32
      %mul3A_340 = arith.muli %arg1, %mul3A_339 : i32
      %mul3A_341 = arith.constant 40 : i32
      %mul3A_342 = arith.muli %scan3A_337, %mul3A_341 : i32
      %add3A_343 = arith.addi %mul3A_340, %mul3A_342 : i32
      "tpu.region"() ({
        %run_scoped3A = tpu.sem_alloc : memref<!tpu.dma_semaphore, #tpu.memory_space<semaphore_mem>>
        %dma_start3A_345 = arith.constant 0 : i32
        %dma_start3A_346 = tpu.memref_slice %arg6[%add3A_343, %dma_start3A_345] : memref<10240x128xf32, #tpu.memory_space<vmem_shared>> -> memref<40x128xf32, #tpu.memory_space<vmem_shared>>
        %dma_start3A_347 = arith.constant 0 : i32
        %dma_start3A_348 = tpu.memref_slice %arg6[%add3A_343, %dma_start3A_347] : memref<10240x128xf32, #tpu.memory_space<vmem_shared>> -> memref<40x128xf32, #tpu.memory_space<vmem_shared>>
        tpu.enqueue_dma source(%arg9 : memref<40x128xf32, #tpu.memory_space<vmem>>) target(%dma_start3A_348 : memref<40x128xf32, #tpu.memory_space<vmem_shared>>) target_semaphore(%run_scoped3A : memref<!tpu.dma_semaphore, #tpu.memory_space<semaphore_mem>>)
        %dma_wait3A_349 = arith.constant 0 : i32
        %dma_wait3A_350 = tpu.memref_slice %arg6[%add3A_343, %dma_wait3A_349] : memref<10240x128xf32, #tpu.memory_space<vmem_shared>> -> memref<40x128xf32, #tpu.memory_space<vmem_shared>>
        %dma_wait3A_351 = arith.constant 0 : i32
        %dma_wait3A_352 = tpu.memref_slice %arg6[%add3A_343, %dma_wait3A_351] : memref<10240x128xf32, #tpu.memory_space<vmem_shared>> -> memref<40x128xf32, #tpu.memory_space<vmem_shared>>
        tpu.wait_dma2 semaphore(%run_scoped3A : memref<!tpu.dma_semaphore, #tpu.memory_space<semaphore_mem>>) src(%arg9 : memref<40x128xf32, #tpu.memory_space<vmem>>) dst(%dma_wait3A_352 : memref<40x128xf32, #tpu.memory_space<vmem_shared>>)
        tpu.yield
      }) : () -> ()
      %scan3A_344 = arith.constant 0 : i32
      scf.yield %scan3A_344 : i32
    }
    %scan3A_29 = arith.constant 16 : i32
    %dma_wait3A = arith.constant 0 : i32
    %dma_wait3A_30 = arith.constant 0 : i32
    %dma_wait3A_31 = tpu.memref_slice %arg3[%add3A, %dma_wait3A, %dma_wait3A_30] : memref<32x250x40xi32, #tpu.memory_space<hbm>> -> memref<1x250x40xi32, #tpu.memory_space<hbm>>
    %dma_wait3A_32 = tpu.memref_squeeze %dma_wait3A_31 : memref<1x250x40xi32, #tpu.memory_space<hbm>> -> memref<250x40xi32, #tpu.memory_space<hbm>>
    %dma_wait3A_33 = arith.constant 0 : i32
    %dma_wait3A_34 = arith.constant 0 : i32
    %dma_wait3A_35 = tpu.memref_slice %arg3[%add3A, %dma_wait3A_33, %dma_wait3A_34] : memref<32x250x40xi32, #tpu.memory_space<hbm>> -> memref<1x250x40xi32, #tpu.memory_space<hbm>>
    %dma_wait3A_36 = tpu.memref_squeeze %dma_wait3A_35 : memref<1x250x40xi32, #tpu.memory_space<hbm>> -> memref<250x40xi32, #tpu.memory_space<hbm>>
    tpu.wait_dma2 semaphore(%arg24 : memref<!tpu.dma_semaphore, #tpu.memory_space<semaphore_mem>>) src(%dma_wait3A_36 : memref<250x40xi32, #tpu.memory_space<hbm>>) dst(%arg7 : memref<250x40xi32, #tpu.memory_space<vmem>>)
    %dma_wait3A_37 = arith.constant 0 : i32
    %dma_wait3A_38 = arith.constant 0 : i32
    %dma_wait3A_39 = tpu.memref_slice %arg4[%add3A, %dma_wait3A_37, %dma_wait3A_38] : memref<32x250x40xi32, #tpu.memory_space<hbm>> -> memref<1x250x40xi32, #tpu.memory_space<hbm>>
    %dma_wait3A_40 = tpu.memref_squeeze %dma_wait3A_39 : memref<1x250x40xi32, #tpu.memory_space<hbm>> -> memref<250x40xi32, #tpu.memory_space<hbm>>
    %dma_wait3A_41 = arith.constant 0 : i32
    %dma_wait3A_42 = arith.constant 0 : i32
    %dma_wait3A_43 = tpu.memref_slice %arg4[%add3A, %dma_wait3A_41, %dma_wait3A_42] : memref<32x250x40xi32, #tpu.memory_space<hbm>> -> memref<1x250x40xi32, #tpu.memory_space<hbm>>
    %dma_wait3A_44 = tpu.memref_squeeze %dma_wait3A_43 : memref<1x250x40xi32, #tpu.memory_space<hbm>> -> memref<250x40xi32, #tpu.memory_space<hbm>>
    tpu.wait_dma2 semaphore(%arg25 : memref<!tpu.dma_semaphore, #tpu.memory_space<semaphore_mem>>) src(%dma_wait3A_44 : memref<250x40xi32, #tpu.memory_space<hbm>>) dst(%arg8 : memref<250x40xi32, #tpu.memory_space<vmem>>)
    %dma_start3A_45 = arith.constant 0 : i32
    %dma_start3A_46 = arith.constant 0 : i32
    %dma_start3A_47 = tpu.memref_slice %arg7[%dma_start3A_45, %dma_start3A_46] : memref<250x40xi32, #tpu.memory_space<vmem>> -> memref<1x40xi32, #tpu.memory_space<vmem>>
    %dma_start3A_48 = tpu.memref_squeeze %dma_start3A_47 : memref<1x40xi32, #tpu.memory_space<vmem>> -> memref<40xi32, #tpu.memory_space<vmem>>
    %dma_start3A_49 = arith.constant 0 : i32
    %dma_start3A_50 = arith.constant 0 : i32
    %dma_start3A_51 = tpu.memref_slice %arg2[%dma_start3A_49, %dma_start3A_50] : memref<10240x128xf32, #tpu.memory_space<hbm>> -> memref<10240x128xf32, #tpu.memory_space<hbm>>
    tpu.enqueue_indirect_dma source(%dma_start3A_51 : memref<10240x128xf32, #tpu.memory_space<hbm>>) target(%arg9 : memref<40x128xf32, #tpu.memory_space<vmem>>) offsets(%dma_start3A_48 : memref<40xi32, #tpu.memory_space<vmem>>) semaphore(%arg14 : memref<!tpu.dma_semaphore, #tpu.memory_space<semaphore_mem>>)
    %dma_start3A_52 = arith.constant 1 : i32
    %dma_start3A_53 = arith.constant 0 : i32
    %dma_start3A_54 = tpu.memref_slice %arg7[%dma_start3A_52, %dma_start3A_53] : memref<250x40xi32, #tpu.memory_space<vmem>> -> memref<1x40xi32, #tpu.memory_space<vmem>>
    %dma_start3A_55 = tpu.memref_squeeze %dma_start3A_54 : memref<1x40xi32, #tpu.memory_space<vmem>> -> memref<40xi32, #tpu.memory_space<vmem>>
    %dma_start3A_56 = arith.constant 0 : i32
    %dma_start3A_57 = arith.constant 0 : i32
    %dma_start3A_58 = tpu.memref_slice %arg2[%dma_start3A_56, %dma_start3A_57] : memref<10240x128xf32, #tpu.memory_space<hbm>> -> memref<10240x128xf32, #tpu.memory_space<hbm>>
    tpu.enqueue_indirect_dma source(%dma_start3A_58 : memref<10240x128xf32, #tpu.memory_space<hbm>>) target(%arg10 : memref<40x128xf32, #tpu.memory_space<vmem>>) offsets(%dma_start3A_55 : memref<40xi32, #tpu.memory_space<vmem>>) semaphore(%arg15 : memref<!tpu.dma_semaphore, #tpu.memory_space<semaphore_mem>>)
    %barrier3A = arith.constant 0 : index
    tpu.barrier barrier_id(%barrier3A)
    %dma_wait3A_59 = arith.constant 0 : i32
    %dma_wait3A_60 = arith.constant 0 : i32
    %dma_wait3A_61 = tpu.memref_slice %arg7[%dma_wait3A_59, %dma_wait3A_60] : memref<250x40xi32, #tpu.memory_space<vmem>> -> memref<1x40xi32, #tpu.memory_space<vmem>>
    %dma_wait3A_62 = tpu.memref_squeeze %dma_wait3A_61 : memref<1x40xi32, #tpu.memory_space<vmem>> -> memref<40xi32, #tpu.memory_space<vmem>>
    %dma_wait3A_63 = arith.constant 0 : i32
    %dma_wait3A_64 = arith.constant 0 : i32
    %dma_wait3A_65 = tpu.memref_slice %arg2[%dma_wait3A_63, %dma_wait3A_64] : memref<10240x128xf32, #tpu.memory_space<hbm>> -> memref<10240x128xf32, #tpu.memory_space<hbm>>
    tpu.wait_indirect_dma semaphore(%arg14 : memref<!tpu.dma_semaphore, #tpu.memory_space<semaphore_mem>>) src(%dma_wait3A_65 : memref<10240x128xf32, #tpu.memory_space<hbm>>) dst(%arg9 : memref<40x128xf32, #tpu.memory_space<vmem>>)
    %dma_start3A_66 = arith.constant 0 : i32
    %dma_start3A_67 = arith.constant 0 : i32
    %dma_start3A_68 = tpu.memref_slice %arg8[%dma_start3A_66, %dma_start3A_67] : memref<250x40xi32, #tpu.memory_space<vmem>> -> memref<1x40xi32, #tpu.memory_space<vmem>>
    %dma_start3A_69 = tpu.memref_squeeze %dma_start3A_68 : memref<1x40xi32, #tpu.memory_space<vmem>> -> memref<40xi32, #tpu.memory_space<vmem>>
    %dma_start3A_70 = arith.constant 0 : i32
    %dma_start3A_71 = arith.constant 0 : i32
    %dma_start3A_72 = tpu.memref_slice %arg6[%dma_start3A_70, %dma_start3A_71] : memref<10240x128xf32, #tpu.memory_space<vmem_shared>> -> memref<10240x128xf32, #tpu.memory_space<vmem_shared>>
    tpu.enqueue_indirect_dma source(%arg9 : memref<40x128xf32, #tpu.memory_space<vmem>>) target(%dma_start3A_72 : memref<10240x128xf32, #tpu.memory_space<vmem_shared>>) offsets(%dma_start3A_69 : memref<40xi32, #tpu.memory_space<vmem>>) semaphore(%arg19 : memref<!tpu.dma_semaphore, #tpu.memory_space<semaphore_mem>>) {add = true}
    %dma_start3A_73 = arith.constant 2 : i32
    %dma_start3A_74 = arith.constant 0 : i32
    %dma_start3A_75 = tpu.memref_slice %arg7[%dma_start3A_73, %dma_start3A_74] : memref<250x40xi32, #tpu.memory_space<vmem>> -> memref<1x40xi32, #tpu.memory_space<vmem>>
    %dma_start3A_76 = tpu.memref_squeeze %dma_start3A_75 : memref<1x40xi32, #tpu.memory_space<vmem>> -> memref<40xi32, #tpu.memory_space<vmem>>
    %dma_start3A_77 = arith.constant 0 : i32
    %dma_start3A_78 = arith.constant 0 : i32
    %dma_start3A_79 = tpu.memref_slice %arg2[%dma_start3A_77, %dma_start3A_78] : memref<10240x128xf32, #tpu.memory_space<hbm>> -> memref<10240x128xf32, #tpu.memory_space<hbm>>
    tpu.enqueue_indirect_dma source(%dma_start3A_79 : memref<10240x128xf32, #tpu.memory_space<hbm>>) target(%arg11 : memref<40x128xf32, #tpu.memory_space<vmem>>) offsets(%dma_start3A_76 : memref<40xi32, #tpu.memory_space<vmem>>) semaphore(%arg16 : memref<!tpu.dma_semaphore, #tpu.memory_space<semaphore_mem>>)
    %dma_wait3A_80 = arith.constant 1 : i32
    %dma_wait3A_81 = arith.constant 0 : i32
    %dma_wait3A_82 = tpu.memref_slice %arg7[%dma_wait3A_80, %dma_wait3A_81] : memref<250x40xi32, #tpu.memory_space<vmem>> -> memref<1x40xi32, #tpu.memory_space<vmem>>
    %dma_wait3A_83 = tpu.memref_squeeze %dma_wait3A_82 : memref<1x40xi32, #tpu.memory_space<vmem>> -> memref<40xi32, #tpu.memory_space<vmem>>
    %dma_wait3A_84 = arith.constant 0 : i32
    %dma_wait3A_85 = arith.constant 0 : i32
    %dma_wait3A_86 = tpu.memref_slice %arg2[%dma_wait3A_84, %dma_wait3A_85] : memref<10240x128xf32, #tpu.memory_space<hbm>> -> memref<10240x128xf32, #tpu.memory_space<hbm>>
    tpu.wait_indirect_dma semaphore(%arg15 : memref<!tpu.dma_semaphore, #tpu.memory_space<semaphore_mem>>) src(%dma_wait3A_86 : memref<10240x128xf32, #tpu.memory_space<hbm>>) dst(%arg10 : memref<40x128xf32, #tpu.memory_space<vmem>>)
    %dma_start3A_87 = arith.constant 1 : i32
    %dma_start3A_88 = arith.constant 0 : i32
    %dma_start3A_89 = tpu.memref_slice %arg8[%dma_start3A_87, %dma_start3A_88] : memref<250x40xi32, #tpu.memory_space<vmem>> -> memref<1x40xi32, #tpu.memory_space<vmem>>
    %dma_start3A_90 = tpu.memref_squeeze %dma_start3A_89 : memref<1x40xi32, #tpu.memory_space<vmem>> -> memref<40xi32, #tpu.memory_space<vmem>>
    %dma_start3A_91 = arith.constant 0 : i32
    %dma_start3A_92 = arith.constant 0 : i32
    %dma_start3A_93 = tpu.memref_slice %arg6[%dma_start3A_91, %dma_start3A_92] : memref<10240x128xf32, #tpu.memory_space<vmem_shared>> -> memref<10240x128xf32, #tpu.memory_space<vmem_shared>>
    tpu.enqueue_indirect_dma source(%arg10 : memref<40x128xf32, #tpu.memory_space<vmem>>) target(%dma_start3A_93 : memref<10240x128xf32, #tpu.memory_space<vmem_shared>>) offsets(%dma_start3A_90 : memref<40xi32, #tpu.memory_space<vmem>>) semaphore(%arg20 : memref<!tpu.dma_semaphore, #tpu.memory_space<semaphore_mem>>) {add = true}
    %dma_start3A_94 = arith.constant 3 : i32
    %dma_start3A_95 = arith.constant 0 : i32
    %dma_start3A_96 = tpu.memref_slice %arg7[%dma_start3A_94, %dma_start3A_95] : memref<250x40xi32, #tpu.memory_space<vmem>> -> memref<1x40xi32, #tpu.memory_space<vmem>>
    %dma_start3A_97 = tpu.memref_squeeze %dma_start3A_96 : memref<1x40xi32, #tpu.memory_space<vmem>> -> memref<40xi32, #tpu.memory_space<vmem>>
    %dma_start3A_98 = arith.constant 0 : i32
    %dma_start3A_99 = arith.constant 0 : i32
    %dma_start3A_100 = tpu.memref_slice %arg2[%dma_start3A_98, %dma_start3A_99] : memref<10240x128xf32, #tpu.memory_space<hbm>> -> memref<10240x128xf32, #tpu.memory_space<hbm>>
    tpu.enqueue_indirect_dma source(%dma_start3A_100 : memref<10240x128xf32, #tpu.memory_space<hbm>>) target(%arg12 : memref<40x128xf32, #tpu.memory_space<vmem>>) offsets(%dma_start3A_97 : memref<40xi32, #tpu.memory_space<vmem>>) semaphore(%arg17 : memref<!tpu.dma_semaphore, #tpu.memory_space<semaphore_mem>>)
    %dma_wait3A_101 = arith.constant 2 : i32
    %dma_wait3A_102 = arith.constant 0 : i32
    %dma_wait3A_103 = tpu.memref_slice %arg7[%dma_wait3A_101, %dma_wait3A_102] : memref<250x40xi32, #tpu.memory_space<vmem>> -> memref<1x40xi32, #tpu.memory_space<vmem>>
    %dma_wait3A_104 = tpu.memref_squeeze %dma_wait3A_103 : memref<1x40xi32, #tpu.memory_space<vmem>> -> memref<40xi32, #tpu.memory_space<vmem>>
    %dma_wait3A_105 = arith.constant 0 : i32
    %dma_wait3A_106 = arith.constant 0 : i32
    %dma_wait3A_107 = tpu.memref_slice %arg2[%dma_wait3A_105, %dma_wait3A_106] : memref<10240x128xf32, #tpu.memory_space<hbm>> -> memref<10240x128xf32, #tpu.memory_space<hbm>>
    tpu.wait_indirect_dma semaphore(%arg16 : memref<!tpu.dma_semaphore, #tpu.memory_space<semaphore_mem>>) src(%dma_wait3A_107 : memref<10240x128xf32, #tpu.memory_space<hbm>>) dst(%arg11 : memref<40x128xf32, #tpu.memory_space<vmem>>)
    %dma_start3A_108 = arith.constant 2 : i32
    %dma_start3A_109 = arith.constant 0 : i32
    %dma_start3A_110 = tpu.memref_slice %arg8[%dma_start3A_108, %dma_start3A_109] : memref<250x40xi32, #tpu.memory_space<vmem>> -> memref<1x40xi32, #tpu.memory_space<vmem>>
    %dma_start3A_111 = tpu.memref_squeeze %dma_start3A_110 : memref<1x40xi32, #tpu.memory_space<vmem>> -> memref<40xi32, #tpu.memory_space<vmem>>
    %dma_start3A_112 = arith.constant 0 : i32
    %dma_start3A_113 = arith.constant 0 : i32
    %dma_start3A_114 = tpu.memref_slice %arg6[%dma_start3A_112, %dma_start3A_113] : memref<10240x128xf32, #tpu.memory_space<vmem_shared>> -> memref<10240x128xf32, #tpu.memory_space<vmem_shared>>
    tpu.enqueue_indirect_dma source(%arg11 : memref<40x128xf32, #tpu.memory_space<vmem>>) target(%dma_start3A_114 : memref<10240x128xf32, #tpu.memory_space<vmem_shared>>) offsets(%dma_start3A_111 : memref<40xi32, #tpu.memory_space<vmem>>) semaphore(%arg21 : memref<!tpu.dma_semaphore, #tpu.memory_space<semaphore_mem>>) {add = true}
    %dma_start3A_115 = arith.constant 4 : i32
    %dma_start3A_116 = arith.constant 0 : i32
    %dma_start3A_117 = tpu.memref_slice %arg7[%dma_start3A_115, %dma_start3A_116] : memref<250x40xi32, #tpu.memory_space<vmem>> -> memref<1x40xi32, #tpu.memory_space<vmem>>
    %dma_start3A_118 = tpu.memref_squeeze %dma_start3A_117 : memref<1x40xi32, #tpu.memory_space<vmem>> -> memref<40xi32, #tpu.memory_space<vmem>>
    %dma_start3A_119 = arith.constant 0 : i32
    %dma_start3A_120 = arith.constant 0 : i32
    %dma_start3A_121 = tpu.memref_slice %arg2[%dma_start3A_119, %dma_start3A_120] : memref<10240x128xf32, #tpu.memory_space<hbm>> -> memref<10240x128xf32, #tpu.memory_space<hbm>>
    tpu.enqueue_indirect_dma source(%dma_start3A_121 : memref<10240x128xf32, #tpu.memory_space<hbm>>) target(%arg13 : memref<40x128xf32, #tpu.memory_space<vmem>>) offsets(%dma_start3A_118 : memref<40xi32, #tpu.memory_space<vmem>>) semaphore(%arg18 : memref<!tpu.dma_semaphore, #tpu.memory_space<semaphore_mem>>)
    %dma_wait3A_122 = arith.constant 3 : i32
    %dma_wait3A_123 = arith.constant 0 : i32
    %dma_wait3A_124 = tpu.memref_slice %arg7[%dma_wait3A_122, %dma_wait3A_123] : memref<250x40xi32, #tpu.memory_space<vmem>> -> memref<1x40xi32, #tpu.memory_space<vmem>>
    %dma_wait3A_125 = tpu.memref_squeeze %dma_wait3A_124 : memref<1x40xi32, #tpu.memory_space<vmem>> -> memref<40xi32, #tpu.memory_space<vmem>>
    %dma_wait3A_126 = arith.constant 0 : i32
    %dma_wait3A_127 = arith.constant 0 : i32
    %dma_wait3A_128 = tpu.memref_slice %arg2[%dma_wait3A_126, %dma_wait3A_127] : memref<10240x128xf32, #tpu.memory_space<hbm>> -> memref<10240x128xf32, #tpu.memory_space<hbm>>
    tpu.wait_indirect_dma semaphore(%arg17 : memref<!tpu.dma_semaphore, #tpu.memory_space<semaphore_mem>>) src(%dma_wait3A_128 : memref<10240x128xf32, #tpu.memory_space<hbm>>) dst(%arg12 : memref<40x128xf32, #tpu.memory_space<vmem>>)
    %dma_start3A_129 = arith.constant 3 : i32
    %dma_start3A_130 = arith.constant 0 : i32
    %dma_start3A_131 = tpu.memref_slice %arg8[%dma_start3A_129, %dma_start3A_130] : memref<250x40xi32, #tpu.memory_space<vmem>> -> memref<1x40xi32, #tpu.memory_space<vmem>>
    %dma_start3A_132 = tpu.memref_squeeze %dma_start3A_131 : memref<1x40xi32, #tpu.memory_space<vmem>> -> memref<40xi32, #tpu.memory_space<vmem>>
    %dma_start3A_133 = arith.constant 0 : i32
    %dma_start3A_134 = arith.constant 0 : i32
    %dma_start3A_135 = tpu.memref_slice %arg6[%dma_start3A_133, %dma_start3A_134] : memref<10240x128xf32, #tpu.memory_space<vmem_shared>> -> memref<10240x128xf32, #tpu.memory_space<vmem_shared>>
    tpu.enqueue_indirect_dma source(%arg12 : memref<40x128xf32, #tpu.memory_space<vmem>>) target(%dma_start3A_135 : memref<10240x128xf32, #tpu.memory_space<vmem_shared>>) offsets(%dma_start3A_132 : memref<40xi32, #tpu.memory_space<vmem>>) semaphore(%arg22 : memref<!tpu.dma_semaphore, #tpu.memory_space<semaphore_mem>>) {add = true}
    %dma_wait3A_136 = arith.constant 0 : i32
    %dma_wait3A_137 = arith.constant 0 : i32
    %dma_wait3A_138 = tpu.memref_slice %arg8[%dma_wait3A_136, %dma_wait3A_137] : memref<250x40xi32, #tpu.memory_space<vmem>> -> memref<1x40xi32, #tpu.memory_space<vmem>>
    %dma_wait3A_139 = tpu.memref_squeeze %dma_wait3A_138 : memref<1x40xi32, #tpu.memory_space<vmem>> -> memref<40xi32, #tpu.memory_space<vmem>>
    %dma_wait3A_140 = arith.constant 0 : i32
    %dma_wait3A_141 = arith.constant 0 : i32
    %dma_wait3A_142 = tpu.memref_slice %arg6[%dma_wait3A_140, %dma_wait3A_141] : memref<10240x128xf32, #tpu.memory_space<vmem_shared>> -> memref<10240x128xf32, #tpu.memory_space<vmem_shared>>
    tpu.wait_indirect_dma semaphore(%arg19 : memref<!tpu.dma_semaphore, #tpu.memory_space<semaphore_mem>>) src(%arg9 : memref<40x128xf32, #tpu.memory_space<vmem>>) dst(%dma_wait3A_142 : memref<10240x128xf32, #tpu.memory_space<vmem_shared>>)
    %dma_start3A_143 = arith.constant 5 : i32
    %dma_start3A_144 = arith.constant 0 : i32
    %dma_start3A_145 = tpu.memref_slice %arg7[%dma_start3A_143, %dma_start3A_144] : memref<250x40xi32, #tpu.memory_space<vmem>> -> memref<1x40xi32, #tpu.memory_space<vmem>>
    %dma_start3A_146 = tpu.memref_squeeze %dma_start3A_145 : memref<1x40xi32, #tpu.memory_space<vmem>> -> memref<40xi32, #tpu.memory_space<vmem>>
    %dma_start3A_147 = arith.constant 0 : i32
    %dma_start3A_148 = arith.constant 0 : i32
    %dma_start3A_149 = tpu.memref_slice %arg2[%dma_start3A_147, %dma_start3A_148] : memref<10240x128xf32, #tpu.memory_space<hbm>> -> memref<10240x128xf32, #tpu.memory_space<hbm>>
    tpu.enqueue_indirect_dma source(%dma_start3A_149 : memref<10240x128xf32, #tpu.memory_space<hbm>>) target(%arg9 : memref<40x128xf32, #tpu.memory_space<vmem>>) offsets(%dma_start3A_146 : memref<40xi32, #tpu.memory_space<vmem>>) semaphore(%arg14 : memref<!tpu.dma_semaphore, #tpu.memory_space<semaphore_mem>>)
    %dma_wait3A_150 = arith.constant 4 : i32
    %dma_wait3A_151 = arith.constant 0 : i32
    %dma_wait3A_152 = tpu.memref_slice %arg7[%dma_wait3A_150, %dma_wait3A_151] : memref<250x40xi32, #tpu.memory_space<vmem>> -> memref<1x40xi32, #tpu.memory_space<vmem>>
    %dma_wait3A_153 = tpu.memref_squeeze %dma_wait3A_152 : memref<1x40xi32, #tpu.memory_space<vmem>> -> memref<40xi32, #tpu.memory_space<vmem>>
    %dma_wait3A_154 = arith.constant 0 : i32
    %dma_wait3A_155 = arith.constant 0 : i32
    %dma_wait3A_156 = tpu.memref_slice %arg2[%dma_wait3A_154, %dma_wait3A_155] : memref<10240x128xf32, #tpu.memory_space<hbm>> -> memref<10240x128xf32, #tpu.memory_space<hbm>>
    tpu.wait_indirect_dma semaphore(%arg18 : memref<!tpu.dma_semaphore, #tpu.memory_space<semaphore_mem>>) src(%dma_wait3A_156 : memref<10240x128xf32, #tpu.memory_space<hbm>>) dst(%arg13 : memref<40x128xf32, #tpu.memory_space<vmem>>)
    %dma_start3A_157 = arith.constant 4 : i32
    %dma_start3A_158 = arith.constant 0 : i32
    %dma_start3A_159 = tpu.memref_slice %arg8[%dma_start3A_157, %dma_start3A_158] : memref<250x40xi32, #tpu.memory_space<vmem>> -> memref<1x40xi32, #tpu.memory_space<vmem>>
    %dma_start3A_160 = tpu.memref_squeeze %dma_start3A_159 : memref<1x40xi32, #tpu.memory_space<vmem>> -> memref<40xi32, #tpu.memory_space<vmem>>
    %dma_start3A_161 = arith.constant 0 : i32
    %dma_start3A_162 = arith.constant 0 : i32
    %dma_start3A_163 = tpu.memref_slice %arg6[%dma_start3A_161, %dma_start3A_162] : memref<10240x128xf32, #tpu.memory_space<vmem_shared>> -> memref<10240x128xf32, #tpu.memory_space<vmem_shared>>
    tpu.enqueue_indirect_dma source(%arg13 : memref<40x128xf32, #tpu.memory_space<vmem>>) target(%dma_start3A_163 : memref<10240x128xf32, #tpu.memory_space<vmem_shared>>) offsets(%dma_start3A_160 : memref<40xi32, #tpu.memory_space<vmem>>) semaphore(%arg23 : memref<!tpu.dma_semaphore, #tpu.memory_space<semaphore_mem>>) {add = true}
    %dma_wait3A_164 = arith.constant 0 : i32
    %dma_wait3A_165 = arith.constant 0 : i32
    %dma_wait3A_166 = tpu.memref_slice %arg8[%dma_wait3A_164, %dma_wait3A_165] : memref<250x40xi32, #tpu.memory_space<vmem>> -> memref<1x40xi32, #tpu.memory_space<vmem>>
    %dma_wait3A_167 = tpu.memref_squeeze %dma_wait3A_166 : memref<1x40xi32, #tpu.memory_space<vmem>> -> memref<40xi32, #tpu.memory_space<vmem>>
    %dma_wait3A_168 = arith.constant 0 : i32
    %dma_wait3A_169 = arith.constant 0 : i32
    %dma_wait3A_170 = tpu.memref_slice %arg6[%dma_wait3A_168, %dma_wait3A_169] : memref<10240x128xf32, #tpu.memory_space<vmem_shared>> -> memref<10240x128xf32, #tpu.memory_space<vmem_shared>>
    tpu.wait_indirect_dma semaphore(%arg20 : memref<!tpu.dma_semaphore, #tpu.memory_space<semaphore_mem>>) src(%arg10 : memref<40x128xf32, #tpu.memory_space<vmem>>) dst(%dma_wait3A_170 : memref<10240x128xf32, #tpu.memory_space<vmem_shared>>)
    %dma_start3A_171 = arith.constant 6 : i32
    %dma_start3A_172 = arith.constant 0 : i32
    %dma_start3A_173 = tpu.memref_slice %arg7[%dma_start3A_171, %dma_start3A_172] : memref<250x40xi32, #tpu.memory_space<vmem>> -> memref<1x40xi32, #tpu.memory_space<vmem>>
    %dma_start3A_174 = tpu.memref_squeeze %dma_start3A_173 : memref<1x40xi32, #tpu.memory_space<vmem>> -> memref<40xi32, #tpu.memory_space<vmem>>
    %dma_start3A_175 = arith.constant 0 : i32
    %dma_start3A_176 = arith.constant 0 : i32
    %dma_start3A_177 = tpu.memref_slice %arg2[%dma_start3A_175, %dma_start3A_176] : memref<10240x128xf32, #tpu.memory_space<hbm>> -> memref<10240x128xf32, #tpu.memory_space<hbm>>
    tpu.enqueue_indirect_dma source(%dma_start3A_177 : memref<10240x128xf32, #tpu.memory_space<hbm>>) target(%arg10 : memref<40x128xf32, #tpu.memory_space<vmem>>) offsets(%dma_start3A_174 : memref<40xi32, #tpu.memory_space<vmem>>) semaphore(%arg15 : memref<!tpu.dma_semaphore, #tpu.memory_space<semaphore_mem>>)
    %scan3A_178 = arith.constant 0 : i32
    %scan3A_179 = arith.constant 1 : i32
    %scan3A_180 = arith.constant 48 : i32
    %scan3A_181 = arith.addi %scan3A_179, %scan3A_180 : i32
    %scan3A_182 = arith.constant 1 : i32
    %scan3A_183 = scf.for %scan3A_337 = %scan3A_179 to %scan3A_181 step %scan3A_182 iter_args(%scan3A_338 = %scan3A_178) -> (i32)  : i32 {
      %mul3A_339 = arith.constant 5 : i32
      %mul3A_340 = arith.muli %scan3A_337, %mul3A_339 : i32
      %add3A_341 = arith.constant 0 : i32
      %add3A_342 = arith.addi %mul3A_340, %add3A_341 : i32
      %dma_wait3A_343 = arith.constant 0 : i32
      %dma_wait3A_344 = tpu.memref_slice %arg7[%add3A_342, %dma_wait3A_343] : memref<250x40xi32, #tpu.memory_space<vmem>> -> memref<1x40xi32, #tpu.memory_space<vmem>>
      %dma_wait3A_345 = tpu.memref_squeeze %dma_wait3A_344 : memref<1x40xi32, #tpu.memory_space<vmem>> -> memref<40xi32, #tpu.memory_space<vmem>>
      %dma_wait3A_346 = arith.constant 0 : i32
      %dma_wait3A_347 = arith.constant 0 : i32
      %dma_wait3A_348 = tpu.memref_slice %arg2[%dma_wait3A_346, %dma_wait3A_347] : memref<10240x128xf32, #tpu.memory_space<hbm>> -> memref<10240x128xf32, #tpu.memory_space<hbm>>
      tpu.wait_indirect_dma semaphore(%arg14 : memref<!tpu.dma_semaphore, #tpu.memory_space<semaphore_mem>>) src(%dma_wait3A_348 : memref<10240x128xf32, #tpu.memory_space<hbm>>) dst(%arg9 : memref<40x128xf32, #tpu.memory_space<vmem>>)
      %dma_start3A_349 = arith.constant 0 : i32
      %dma_start3A_350 = tpu.memref_slice %arg8[%add3A_342, %dma_start3A_349] : memref<250x40xi32, #tpu.memory_space<vmem>> -> memref<1x40xi32, #tpu.memory_space<vmem>>
      %dma_start3A_351 = tpu.memref_squeeze %dma_start3A_350 : memref<1x40xi32, #tpu.memory_space<vmem>> -> memref<40xi32, #tpu.memory_space<vmem>>
      %dma_start3A_352 = arith.constant 0 : i32
      %dma_start3A_353 = arith.constant 0 : i32
      %dma_start3A_354 = tpu.memref_slice %arg6[%dma_start3A_352, %dma_start3A_353] : memref<10240x128xf32, #tpu.memory_space<vmem_shared>> -> memref<10240x128xf32, #tpu.memory_space<vmem_shared>>
      tpu.enqueue_indirect_dma source(%arg9 : memref<40x128xf32, #tpu.memory_space<vmem>>) target(%dma_start3A_354 : memref<10240x128xf32, #tpu.memory_space<vmem_shared>>) offsets(%dma_start3A_351 : memref<40xi32, #tpu.memory_space<vmem>>) semaphore(%arg19 : memref<!tpu.dma_semaphore, #tpu.memory_space<semaphore_mem>>) {add = true}
      %dma_wait3A_355 = arith.constant 0 : i32
      %dma_wait3A_356 = arith.constant 0 : i32
      %dma_wait3A_357 = tpu.memref_slice %arg8[%dma_wait3A_355, %dma_wait3A_356] : memref<250x40xi32, #tpu.memory_space<vmem>> -> memref<1x40xi32, #tpu.memory_space<vmem>>
      %dma_wait3A_358 = tpu.memref_squeeze %dma_wait3A_357 : memref<1x40xi32, #tpu.memory_space<vmem>> -> memref<40xi32, #tpu.memory_space<vmem>>
      %dma_wait3A_359 = arith.constant 0 : i32
      %dma_wait3A_360 = arith.constant 0 : i32
      %dma_wait3A_361 = tpu.memref_slice %arg6[%dma_wait3A_359, %dma_wait3A_360] : memref<10240x128xf32, #tpu.memory_space<vmem_shared>> -> memref<10240x128xf32, #tpu.memory_space<vmem_shared>>
      tpu.wait_indirect_dma semaphore(%arg21 : memref<!tpu.dma_semaphore, #tpu.memory_space<semaphore_mem>>) src(%arg11 : memref<40x128xf32, #tpu.memory_space<vmem>>) dst(%dma_wait3A_361 : memref<10240x128xf32, #tpu.memory_space<vmem_shared>>)
      %add3A_362 = arith.constant 2 : i32
      %add3A_363 = arith.addi %add3A_342, %add3A_362 : i32
      %dma_start3A_364 = arith.constant 0 : i32
      %dma_start3A_365 = tpu.memref_slice %arg7[%add3A_363, %dma_start3A_364] : memref<250x40xi32, #tpu.memory_space<vmem>> -> memref<1x40xi32, #tpu.memory_space<vmem>>
      %dma_start3A_366 = tpu.memref_squeeze %dma_start3A_365 : memref<1x40xi32, #tpu.memory_space<vmem>> -> memref<40xi32, #tpu.memory_space<vmem>>
      %dma_start3A_367 = arith.constant 0 : i32
      %dma_start3A_368 = arith.constant 0 : i32
      %dma_start3A_369 = tpu.memref_slice %arg2[%dma_start3A_367, %dma_start3A_368] : memref<10240x128xf32, #tpu.memory_space<hbm>> -> memref<10240x128xf32, #tpu.memory_space<hbm>>
      tpu.enqueue_indirect_dma source(%dma_start3A_369 : memref<10240x128xf32, #tpu.memory_space<hbm>>) target(%arg11 : memref<40x128xf32, #tpu.memory_space<vmem>>) offsets(%dma_start3A_366 : memref<40xi32, #tpu.memory_space<vmem>>) semaphore(%arg16 : memref<!tpu.dma_semaphore, #tpu.memory_space<semaphore_mem>>)
      %add3A_370 = arith.constant 1 : i32
      %add3A_371 = arith.addi %mul3A_340, %add3A_370 : i32
      %dma_wait3A_372 = arith.constant 0 : i32
      %dma_wait3A_373 = tpu.memref_slice %arg7[%add3A_371, %dma_wait3A_372] : memref<250x40xi32, #tpu.memory_space<vmem>> -> memref<1x40xi32, #tpu.memory_space<vmem>>
      %dma_wait3A_374 = tpu.memref_squeeze %dma_wait3A_373 : memref<1x40xi32, #tpu.memory_space<vmem>> -> memref<40xi32, #tpu.memory_space<vmem>>
      %dma_wait3A_375 = arith.constant 0 : i32
      %dma_wait3A_376 = arith.constant 0 : i32
      %dma_wait3A_377 = tpu.memref_slice %arg2[%dma_wait3A_375, %dma_wait3A_376] : memref<10240x128xf32, #tpu.memory_space<hbm>> -> memref<10240x128xf32, #tpu.memory_space<hbm>>
      tpu.wait_indirect_dma semaphore(%arg15 : memref<!tpu.dma_semaphore, #tpu.memory_space<semaphore_mem>>) src(%dma_wait3A_377 : memref<10240x128xf32, #tpu.memory_space<hbm>>) dst(%arg10 : memref<40x128xf32, #tpu.memory_space<vmem>>)
      %dma_start3A_378 = arith.constant 0 : i32
      %dma_start3A_379 = tpu.memref_slice %arg8[%add3A_371, %dma_start3A_378] : memref<250x40xi32, #tpu.memory_space<vmem>> -> memref<1x40xi32, #tpu.memory_space<vmem>>
      %dma_start3A_380 = tpu.memref_squeeze %dma_start3A_379 : memref<1x40xi32, #tpu.memory_space<vmem>> -> memref<40xi32, #tpu.memory_space<vmem>>
      %dma_start3A_381 = arith.constant 0 : i32
      %dma_start3A_382 = arith.constant 0 : i32
      %dma_start3A_383 = tpu.memref_slice %arg6[%dma_start3A_381, %dma_start3A_382] : memref<10240x128xf32, #tpu.memory_space<vmem_shared>> -> memref<10240x128xf32, #tpu.memory_space<vmem_shared>>
      tpu.enqueue_indirect_dma source(%arg10 : memref<40x128xf32, #tpu.memory_space<vmem>>) target(%dma_start3A_383 : memref<10240x128xf32, #tpu.memory_space<vmem_shared>>) offsets(%dma_start3A_380 : memref<40xi32, #tpu.memory_space<vmem>>) semaphore(%arg20 : memref<!tpu.dma_semaphore, #tpu.memory_space<semaphore_mem>>) {add = true}
      %dma_wait3A_384 = arith.constant 0 : i32
      %dma_wait3A_385 = arith.constant 0 : i32
      %dma_wait3A_386 = tpu.memref_slice %arg8[%dma_wait3A_384, %dma_wait3A_385] : memref<250x40xi32, #tpu.memory_space<vmem>> -> memref<1x40xi32, #tpu.memory_space<vmem>>
      %dma_wait3A_387 = tpu.memref_squeeze %dma_wait3A_386 : memref<1x40xi32, #tpu.memory_space<vmem>> -> memref<40xi32, #tpu.memory_space<vmem>>
      %dma_wait3A_388 = arith.constant 0 : i32
      %dma_wait3A_389 = arith.constant 0 : i32
      %dma_wait3A_390 = tpu.memref_slice %arg6[%dma_wait3A_388, %dma_wait3A_389] : memref<10240x128xf32, #tpu.memory_space<vmem_shared>> -> memref<10240x128xf32, #tpu.memory_space<vmem_shared>>
      tpu.wait_indirect_dma semaphore(%arg22 : memref<!tpu.dma_semaphore, #tpu.memory_space<semaphore_mem>>) src(%arg12 : memref<40x128xf32, #tpu.memory_space<vmem>>) dst(%dma_wait3A_390 : memref<10240x128xf32, #tpu.memory_space<vmem_shared>>)
      %add3A_391 = arith.constant 2 : i32
      %add3A_392 = arith.addi %add3A_371, %add3A_391 : i32
      %dma_start3A_393 = arith.constant 0 : i32
      %dma_start3A_394 = tpu.memref_slice %arg7[%add3A_392, %dma_start3A_393] : memref<250x40xi32, #tpu.memory_space<vmem>> -> memref<1x40xi32, #tpu.memory_space<vmem>>
      %dma_start3A_395 = tpu.memref_squeeze %dma_start3A_394 : memref<1x40xi32, #tpu.memory_space<vmem>> -> memref<40xi32, #tpu.memory_space<vmem>>
      %dma_start3A_396 = arith.constant 0 : i32
      %dma_start3A_397 = arith.constant 0 : i32
      %dma_start3A_398 = tpu.memref_slice %arg2[%dma_start3A_396, %dma_start3A_397] : memref<10240x128xf32, #tpu.memory_space<hbm>> -> memref<10240x128xf32, #tpu.memory_space<hbm>>
      tpu.enqueue_indirect_dma source(%dma_start3A_398 : memref<10240x128xf32, #tpu.memory_space<hbm>>) target(%arg12 : memref<40x128xf32, #tpu.memory_space<vmem>>) offsets(%dma_start3A_395 : memref<40xi32, #tpu.memory_space<vmem>>) semaphore(%arg17 : memref<!tpu.dma_semaphore, #tpu.memory_space<semaphore_mem>>)
      %add3A_399 = arith.constant 2 : i32
      %add3A_400 = arith.addi %mul3A_340, %add3A_399 : i32
      %dma_wait3A_401 = arith.constant 0 : i32
      %dma_wait3A_402 = tpu.memref_slice %arg7[%add3A_400, %dma_wait3A_401] : memref<250x40xi32, #tpu.memory_space<vmem>> -> memref<1x40xi32, #tpu.memory_space<vmem>>
      %dma_wait3A_403 = tpu.memref_squeeze %dma_wait3A_402 : memref<1x40xi32, #tpu.memory_space<vmem>> -> memref<40xi32, #tpu.memory_space<vmem>>
      %dma_wait3A_404 = arith.constant 0 : i32
      %dma_wait3A_405 = arith.constant 0 : i32
      %dma_wait3A_406 = tpu.memref_slice %arg2[%dma_wait3A_404, %dma_wait3A_405] : memref<10240x128xf32, #tpu.memory_space<hbm>> -> memref<10240x128xf32, #tpu.memory_space<hbm>>
      tpu.wait_indirect_dma semaphore(%arg16 : memref<!tpu.dma_semaphore, #tpu.memory_space<semaphore_mem>>) src(%dma_wait3A_406 : memref<10240x128xf32, #tpu.memory_space<hbm>>) dst(%arg11 : memref<40x128xf32, #tpu.memory_space<vmem>>)
      %dma_start3A_407 = arith.constant 0 : i32
      %dma_start3A_408 = tpu.memref_slice %arg8[%add3A_400, %dma_start3A_407] : memref<250x40xi32, #tpu.memory_space<vmem>> -> memref<1x40xi32, #tpu.memory_space<vmem>>
      %dma_start3A_409 = tpu.memref_squeeze %dma_start3A_408 : memref<1x40xi32, #tpu.memory_space<vmem>> -> memref<40xi32, #tpu.memory_space<vmem>>
      %dma_start3A_410 = arith.constant 0 : i32
      %dma_start3A_411 = arith.constant 0 : i32
      %dma_start3A_412 = tpu.memref_slice %arg6[%dma_start3A_410, %dma_start3A_411] : memref<10240x128xf32, #tpu.memory_space<vmem_shared>> -> memref<10240x128xf32, #tpu.memory_space<vmem_shared>>
      tpu.enqueue_indirect_dma source(%arg11 : memref<40x128xf32, #tpu.memory_space<vmem>>) target(%dma_start3A_412 : memref<10240x128xf32, #tpu.memory_space<vmem_shared>>) offsets(%dma_start3A_409 : memref<40xi32, #tpu.memory_space<vmem>>) semaphore(%arg21 : memref<!tpu.dma_semaphore, #tpu.memory_space<semaphore_mem>>) {add = true}
      %dma_wait3A_413 = arith.constant 0 : i32
      %dma_wait3A_414 = arith.constant 0 : i32
      %dma_wait3A_415 = tpu.memref_slice %arg8[%dma_wait3A_413, %dma_wait3A_414] : memref<250x40xi32, #tpu.memory_space<vmem>> -> memref<1x40xi32, #tpu.memory_space<vmem>>
      %dma_wait3A_416 = tpu.memref_squeeze %dma_wait3A_415 : memref<1x40xi32, #tpu.memory_space<vmem>> -> memref<40xi32, #tpu.memory_space<vmem>>
      %dma_wait3A_417 = arith.constant 0 : i32
      %dma_wait3A_418 = arith.constant 0 : i32
      %dma_wait3A_419 = tpu.memref_slice %arg6[%dma_wait3A_417, %dma_wait3A_418] : memref<10240x128xf32, #tpu.memory_space<vmem_shared>> -> memref<10240x128xf32, #tpu.memory_space<vmem_shared>>
      tpu.wait_indirect_dma semaphore(%arg23 : memref<!tpu.dma_semaphore, #tpu.memory_space<semaphore_mem>>) src(%arg13 : memref<40x128xf32, #tpu.memory_space<vmem>>) dst(%dma_wait3A_419 : memref<10240x128xf32, #tpu.memory_space<vmem_shared>>)
      %add3A_420 = arith.constant 2 : i32
      %add3A_421 = arith.addi %add3A_400, %add3A_420 : i32
      %dma_start3A_422 = arith.constant 0 : i32
      %dma_start3A_423 = tpu.memref_slice %arg7[%add3A_421, %dma_start3A_422] : memref<250x40xi32, #tpu.memory_space<vmem>> -> memref<1x40xi32, #tpu.memory_space<vmem>>
      %dma_start3A_424 = tpu.memref_squeeze %dma_start3A_423 : memref<1x40xi32, #tpu.memory_space<vmem>> -> memref<40xi32, #tpu.memory_space<vmem>>
      %dma_start3A_425 = arith.constant 0 : i32
      %dma_start3A_426 = arith.constant 0 : i32
      %dma_start3A_427 = tpu.memref_slice %arg2[%dma_start3A_425, %dma_start3A_426] : memref<10240x128xf32, #tpu.memory_space<hbm>> -> memref<10240x128xf32, #tpu.memory_space<hbm>>
      tpu.enqueue_indirect_dma source(%dma_start3A_427 : memref<10240x128xf32, #tpu.memory_space<hbm>>) target(%arg13 : memref<40x128xf32, #tpu.memory_space<vmem>>) offsets(%dma_start3A_424 : memref<40xi32, #tpu.memory_space<vmem>>) semaphore(%arg18 : memref<!tpu.dma_semaphore, #tpu.memory_space<semaphore_mem>>)
      %add3A_428 = arith.constant 3 : i32
      %add3A_429 = arith.addi %mul3A_340, %add3A_428 : i32
      %dma_wait3A_430 = arith.constant 0 : i32
      %dma_wait3A_431 = tpu.memref_slice %arg7[%add3A_429, %dma_wait3A_430] : memref<250x40xi32, #tpu.memory_space<vmem>> -> memref<1x40xi32, #tpu.memory_space<vmem>>
      %dma_wait3A_432 = tpu.memref_squeeze %dma_wait3A_431 : memref<1x40xi32, #tpu.memory_space<vmem>> -> memref<40xi32, #tpu.memory_space<vmem>>
      %dma_wait3A_433 = arith.constant 0 : i32
      %dma_wait3A_434 = arith.constant 0 : i32
      %dma_wait3A_435 = tpu.memref_slice %arg2[%dma_wait3A_433, %dma_wait3A_434] : memref<10240x128xf32, #tpu.memory_space<hbm>> -> memref<10240x128xf32, #tpu.memory_space<hbm>>
      tpu.wait_indirect_dma semaphore(%arg17 : memref<!tpu.dma_semaphore, #tpu.memory_space<semaphore_mem>>) src(%dma_wait3A_435 : memref<10240x128xf32, #tpu.memory_space<hbm>>) dst(%arg12 : memref<40x128xf32, #tpu.memory_space<vmem>>)
      %dma_start3A_436 = arith.constant 0 : i32
      %dma_start3A_437 = tpu.memref_slice %arg8[%add3A_429, %dma_start3A_436] : memref<250x40xi32, #tpu.memory_space<vmem>> -> memref<1x40xi32, #tpu.memory_space<vmem>>
      %dma_start3A_438 = tpu.memref_squeeze %dma_start3A_437 : memref<1x40xi32, #tpu.memory_space<vmem>> -> memref<40xi32, #tpu.memory_space<vmem>>
      %dma_start3A_439 = arith.constant 0 : i32
      %dma_start3A_440 = arith.constant 0 : i32
      %dma_start3A_441 = tpu.memref_slice %arg6[%dma_start3A_439, %dma_start3A_440] : memref<10240x128xf32, #tpu.memory_space<vmem_shared>> -> memref<10240x128xf32, #tpu.memory_space<vmem_shared>>
      tpu.enqueue_indirect_dma source(%arg12 : memref<40x128xf32, #tpu.memory_space<vmem>>) target(%dma_start3A_441 : memref<10240x128xf32, #tpu.memory_space<vmem_shared>>) offsets(%dma_start3A_438 : memref<40xi32, #tpu.memory_space<vmem>>) semaphore(%arg22 : memref<!tpu.dma_semaphore, #tpu.memory_space<semaphore_mem>>) {add = true}
      %dma_wait3A_442 = arith.constant 0 : i32
      %dma_wait3A_443 = arith.constant 0 : i32
      %dma_wait3A_444 = tpu.memref_slice %arg8[%dma_wait3A_442, %dma_wait3A_443] : memref<250x40xi32, #tpu.memory_space<vmem>> -> memref<1x40xi32, #tpu.memory_space<vmem>>
      %dma_wait3A_445 = tpu.memref_squeeze %dma_wait3A_444 : memref<1x40xi32, #tpu.memory_space<vmem>> -> memref<40xi32, #tpu.memory_space<vmem>>
      %dma_wait3A_446 = arith.constant 0 : i32
      %dma_wait3A_447 = arith.constant 0 : i32
      %dma_wait3A_448 = tpu.memref_slice %arg6[%dma_wait3A_446, %dma_wait3A_447] : memref<10240x128xf32, #tpu.memory_space<vmem_shared>> -> memref<10240x128xf32, #tpu.memory_space<vmem_shared>>
      tpu.wait_indirect_dma semaphore(%arg19 : memref<!tpu.dma_semaphore, #tpu.memory_space<semaphore_mem>>) src(%arg9 : memref<40x128xf32, #tpu.memory_space<vmem>>) dst(%dma_wait3A_448 : memref<10240x128xf32, #tpu.memory_space<vmem_shared>>)
      %add3A_449 = arith.constant 2 : i32
      %add3A_450 = arith.addi %add3A_429, %add3A_449 : i32
      %dma_start3A_451 = arith.constant 0 : i32
      %dma_start3A_452 = tpu.memref_slice %arg7[%add3A_450, %dma_start3A_451] : memref<250x40xi32, #tpu.memory_space<vmem>> -> memref<1x40xi32, #tpu.memory_space<vmem>>
      %dma_start3A_453 = tpu.memref_squeeze %dma_start3A_452 : memref<1x40xi32, #tpu.memory_space<vmem>> -> memref<40xi32, #tpu.memory_space<vmem>>
      %dma_start3A_454 = arith.constant 0 : i32
      %dma_start3A_455 = arith.constant 0 : i32
      %dma_start3A_456 = tpu.memref_slice %arg2[%dma_start3A_454, %dma_start3A_455] : memref<10240x128xf32, #tpu.memory_space<hbm>> -> memref<10240x128xf32, #tpu.memory_space<hbm>>
      tpu.enqueue_indirect_dma source(%dma_start3A_456 : memref<10240x128xf32, #tpu.memory_space<hbm>>) target(%arg9 : memref<40x128xf32, #tpu.memory_space<vmem>>) offsets(%dma_start3A_453 : memref<40xi32, #tpu.memory_space<vmem>>) semaphore(%arg14 : memref<!tpu.dma_semaphore, #tpu.memory_space<semaphore_mem>>)
      %add3A_457 = arith.constant 4 : i32
      %add3A_458 = arith.addi %mul3A_340, %add3A_457 : i32
      %dma_wait3A_459 = arith.constant 0 : i32
      %dma_wait3A_460 = tpu.memref_slice %arg7[%add3A_458, %dma_wait3A_459] : memref<250x40xi32, #tpu.memory_space<vmem>> -> memref<1x40xi32, #tpu.memory_space<vmem>>
      %dma_wait3A_461 = tpu.memref_squeeze %dma_wait3A_460 : memref<1x40xi32, #tpu.memory_space<vmem>> -> memref<40xi32, #tpu.memory_space<vmem>>
      %dma_wait3A_462 = arith.constant 0 : i32
      %dma_wait3A_463 = arith.constant 0 : i32
      %dma_wait3A_464 = tpu.memref_slice %arg2[%dma_wait3A_462, %dma_wait3A_463] : memref<10240x128xf32, #tpu.memory_space<hbm>> -> memref<10240x128xf32, #tpu.memory_space<hbm>>
      tpu.wait_indirect_dma semaphore(%arg18 : memref<!tpu.dma_semaphore, #tpu.memory_space<semaphore_mem>>) src(%dma_wait3A_464 : memref<10240x128xf32, #tpu.memory_space<hbm>>) dst(%arg13 : memref<40x128xf32, #tpu.memory_space<vmem>>)
      %dma_start3A_465 = arith.constant 0 : i32
      %dma_start3A_466 = tpu.memref_slice %arg8[%add3A_458, %dma_start3A_465] : memref<250x40xi32, #tpu.memory_space<vmem>> -> memref<1x40xi32, #tpu.memory_space<vmem>>
      %dma_start3A_467 = tpu.memref_squeeze %dma_start3A_466 : memref<1x40xi32, #tpu.memory_space<vmem>> -> memref<40xi32, #tpu.memory_space<vmem>>
      %dma_start3A_468 = arith.constant 0 : i32
      %dma_start3A_469 = arith.constant 0 : i32
      %dma_start3A_470 = tpu.memref_slice %arg6[%dma_start3A_468, %dma_start3A_469] : memref<10240x128xf32, #tpu.memory_space<vmem_shared>> -> memref<10240x128xf32, #tpu.memory_space<vmem_shared>>
      tpu.enqueue_indirect_dma source(%arg13 : memref<40x128xf32, #tpu.memory_space<vmem>>) target(%dma_start3A_470 : memref<10240x128xf32, #tpu.memory_space<vmem_shared>>) offsets(%dma_start3A_467 : memref<40xi32, #tpu.memory_space<vmem>>) semaphore(%arg23 : memref<!tpu.dma_semaphore, #tpu.memory_space<semaphore_mem>>) {add = true}
      %dma_wait3A_471 = arith.constant 0 : i32
      %dma_wait3A_472 = arith.constant 0 : i32
      %dma_wait3A_473 = tpu.memref_slice %arg8[%dma_wait3A_471, %dma_wait3A_472] : memref<250x40xi32, #tpu.memory_space<vmem>> -> memref<1x40xi32, #tpu.memory_space<vmem>>
      %dma_wait3A_474 = tpu.memref_squeeze %dma_wait3A_473 : memref<1x40xi32, #tpu.memory_space<vmem>> -> memref<40xi32, #tpu.memory_space<vmem>>
      %dma_wait3A_475 = arith.constant 0 : i32
      %dma_wait3A_476 = arith.constant 0 : i32
      %dma_wait3A_477 = tpu.memref_slice %arg6[%dma_wait3A_475, %dma_wait3A_476] : memref<10240x128xf32, #tpu.memory_space<vmem_shared>> -> memref<10240x128xf32, #tpu.memory_space<vmem_shared>>
      tpu.wait_indirect_dma semaphore(%arg20 : memref<!tpu.dma_semaphore, #tpu.memory_space<semaphore_mem>>) src(%arg10 : memref<40x128xf32, #tpu.memory_space<vmem>>) dst(%dma_wait3A_477 : memref<10240x128xf32, #tpu.memory_space<vmem_shared>>)
      %add3A_478 = arith.constant 2 : i32
      %add3A_479 = arith.addi %add3A_458, %add3A_478 : i32
      %dma_start3A_480 = arith.constant 0 : i32
      %dma_start3A_481 = tpu.memref_slice %arg7[%add3A_479, %dma_start3A_480] : memref<250x40xi32, #tpu.memory_space<vmem>> -> memref<1x40xi32, #tpu.memory_space<vmem>>
      %dma_start3A_482 = tpu.memref_squeeze %dma_start3A_481 : memref<1x40xi32, #tpu.memory_space<vmem>> -> memref<40xi32, #tpu.memory_space<vmem>>
      %dma_start3A_483 = arith.constant 0 : i32
      %dma_start3A_484 = arith.constant 0 : i32
      %dma_start3A_485 = tpu.memref_slice %arg2[%dma_start3A_483, %dma_start3A_484] : memref<10240x128xf32, #tpu.memory_space<hbm>> -> memref<10240x128xf32, #tpu.memory_space<hbm>>
      tpu.enqueue_indirect_dma source(%dma_start3A_485 : memref<10240x128xf32, #tpu.memory_space<hbm>>) target(%arg10 : memref<40x128xf32, #tpu.memory_space<vmem>>) offsets(%dma_start3A_482 : memref<40xi32, #tpu.memory_space<vmem>>) semaphore(%arg15 : memref<!tpu.dma_semaphore, #tpu.memory_space<semaphore_mem>>)
      %scan3A_486 = arith.constant 0 : i32
      scf.yield %scan3A_486 : i32
    }
    %scan3A_184 = arith.constant 48 : i32
    %dma_wait3A_185 = arith.constant 245 : i32
    %dma_wait3A_186 = arith.constant 0 : i32
    %dma_wait3A_187 = tpu.memref_slice %arg7[%dma_wait3A_185, %dma_wait3A_186] : memref<250x40xi32, #tpu.memory_space<vmem>> -> memref<1x40xi32, #tpu.memory_space<vmem>>
    %dma_wait3A_188 = tpu.memref_squeeze %dma_wait3A_187 : memref<1x40xi32, #tpu.memory_space<vmem>> -> memref<40xi32, #tpu.memory_space<vmem>>
    %dma_wait3A_189 = arith.constant 0 : i32
    %dma_wait3A_190 = arith.constant 0 : i32
    %dma_wait3A_191 = tpu.memref_slice %arg2[%dma_wait3A_189, %dma_wait3A_190] : memref<10240x128xf32, #tpu.memory_space<hbm>> -> memref<10240x128xf32, #tpu.memory_space<hbm>>
    tpu.wait_indirect_dma semaphore(%arg14 : memref<!tpu.dma_semaphore, #tpu.memory_space<semaphore_mem>>) src(%dma_wait3A_191 : memref<10240x128xf32, #tpu.memory_space<hbm>>) dst(%arg9 : memref<40x128xf32, #tpu.memory_space<vmem>>)
    %dma_start3A_192 = arith.constant 245 : i32
    %dma_start3A_193 = arith.constant 0 : i32
    %dma_start3A_194 = tpu.memref_slice %arg8[%dma_start3A_192, %dma_start3A_193] : memref<250x40xi32, #tpu.memory_space<vmem>> -> memref<1x40xi32, #tpu.memory_space<vmem>>
    %dma_start3A_195 = tpu.memref_squeeze %dma_start3A_194 : memref<1x40xi32, #tpu.memory_space<vmem>> -> memref<40xi32, #tpu.memory_space<vmem>>
    %dma_start3A_196 = arith.constant 0 : i32
    %dma_start3A_197 = arith.constant 0 : i32
    %dma_start3A_198 = tpu.memref_slice %arg6[%dma_start3A_196, %dma_start3A_197] : memref<10240x128xf32, #tpu.memory_space<vmem_shared>> -> memref<10240x128xf32, #tpu.memory_space<vmem_shared>>
    tpu.enqueue_indirect_dma source(%arg9 : memref<40x128xf32, #tpu.memory_space<vmem>>) target(%dma_start3A_198 : memref<10240x128xf32, #tpu.memory_space<vmem_shared>>) offsets(%dma_start3A_195 : memref<40xi32, #tpu.memory_space<vmem>>) semaphore(%arg19 : memref<!tpu.dma_semaphore, #tpu.memory_space<semaphore_mem>>) {add = true}
    %dma_wait3A_199 = arith.constant 0 : i32
    %dma_wait3A_200 = arith.constant 0 : i32
    %dma_wait3A_201 = tpu.memref_slice %arg8[%dma_wait3A_199, %dma_wait3A_200] : memref<250x40xi32, #tpu.memory_space<vmem>> -> memref<1x40xi32, #tpu.memory_space<vmem>>
    %dma_wait3A_202 = tpu.memref_squeeze %dma_wait3A_201 : memref<1x40xi32, #tpu.memory_space<vmem>> -> memref<40xi32, #tpu.memory_space<vmem>>
    %dma_wait3A_203 = arith.constant 0 : i32
    %dma_wait3A_204 = arith.constant 0 : i32
    %dma_wait3A_205 = tpu.memref_slice %arg6[%dma_wait3A_203, %dma_wait3A_204] : memref<10240x128xf32, #tpu.memory_space<vmem_shared>> -> memref<10240x128xf32, #tpu.memory_space<vmem_shared>>
    tpu.wait_indirect_dma semaphore(%arg21 : memref<!tpu.dma_semaphore, #tpu.memory_space<semaphore_mem>>) src(%arg11 : memref<40x128xf32, #tpu.memory_space<vmem>>) dst(%dma_wait3A_205 : memref<10240x128xf32, #tpu.memory_space<vmem_shared>>)
    %dma_start3A_206 = arith.constant 247 : i32
    %dma_start3A_207 = arith.constant 0 : i32
    %dma_start3A_208 = tpu.memref_slice %arg7[%dma_start3A_206, %dma_start3A_207] : memref<250x40xi32, #tpu.memory_space<vmem>> -> memref<1x40xi32, #tpu.memory_space<vmem>>
    %dma_start3A_209 = tpu.memref_squeeze %dma_start3A_208 : memref<1x40xi32, #tpu.memory_space<vmem>> -> memref<40xi32, #tpu.memory_space<vmem>>
    %dma_start3A_210 = arith.constant 0 : i32
    %dma_start3A_211 = arith.constant 0 : i32
    %dma_start3A_212 = tpu.memref_slice %arg2[%dma_start3A_210, %dma_start3A_211] : memref<10240x128xf32, #tpu.memory_space<hbm>> -> memref<10240x128xf32, #tpu.memory_space<hbm>>
    tpu.enqueue_indirect_dma source(%dma_start3A_212 : memref<10240x128xf32, #tpu.memory_space<hbm>>) target(%arg11 : memref<40x128xf32, #tpu.memory_space<vmem>>) offsets(%dma_start3A_209 : memref<40xi32, #tpu.memory_space<vmem>>) semaphore(%arg16 : memref<!tpu.dma_semaphore, #tpu.memory_space<semaphore_mem>>)
    %dma_wait3A_213 = arith.constant 246 : i32
    %dma_wait3A_214 = arith.constant 0 : i32
    %dma_wait3A_215 = tpu.memref_slice %arg7[%dma_wait3A_213, %dma_wait3A_214] : memref<250x40xi32, #tpu.memory_space<vmem>> -> memref<1x40xi32, #tpu.memory_space<vmem>>
    %dma_wait3A_216 = tpu.memref_squeeze %dma_wait3A_215 : memref<1x40xi32, #tpu.memory_space<vmem>> -> memref<40xi32, #tpu.memory_space<vmem>>
    %dma_wait3A_217 = arith.constant 0 : i32
    %dma_wait3A_218 = arith.constant 0 : i32
    %dma_wait3A_219 = tpu.memref_slice %arg2[%dma_wait3A_217, %dma_wait3A_218] : memref<10240x128xf32, #tpu.memory_space<hbm>> -> memref<10240x128xf32, #tpu.memory_space<hbm>>
    tpu.wait_indirect_dma semaphore(%arg15 : memref<!tpu.dma_semaphore, #tpu.memory_space<semaphore_mem>>) src(%dma_wait3A_219 : memref<10240x128xf32, #tpu.memory_space<hbm>>) dst(%arg10 : memref<40x128xf32, #tpu.memory_space<vmem>>)
    %dma_start3A_220 = arith.constant 246 : i32
    %dma_start3A_221 = arith.constant 0 : i32
    %dma_start3A_222 = tpu.memref_slice %arg8[%dma_start3A_220, %dma_start3A_221] : memref<250x40xi32, #tpu.memory_space<vmem>> -> memref<1x40xi32, #tpu.memory_space<vmem>>
    %dma_start3A_223 = tpu.memref_squeeze %dma_start3A_222 : memref<1x40xi32, #tpu.memory_space<vmem>> -> memref<40xi32, #tpu.memory_space<vmem>>
    %dma_start3A_224 = arith.constant 0 : i32
    %dma_start3A_225 = arith.constant 0 : i32
    %dma_start3A_226 = tpu.memref_slice %arg6[%dma_start3A_224, %dma_start3A_225] : memref<10240x128xf32, #tpu.memory_space<vmem_shared>> -> memref<10240x128xf32, #tpu.memory_space<vmem_shared>>
    tpu.enqueue_indirect_dma source(%arg10 : memref<40x128xf32, #tpu.memory_space<vmem>>) target(%dma_start3A_226 : memref<10240x128xf32, #tpu.memory_space<vmem_shared>>) offsets(%dma_start3A_223 : memref<40xi32, #tpu.memory_space<vmem>>) semaphore(%arg20 : memref<!tpu.dma_semaphore, #tpu.memory_space<semaphore_mem>>) {add = true}
    %dma_wait3A_227 = arith.constant 0 : i32
    %dma_wait3A_228 = arith.constant 0 : i32
    %dma_wait3A_229 = tpu.memref_slice %arg8[%dma_wait3A_227, %dma_wait3A_228] : memref<250x40xi32, #tpu.memory_space<vmem>> -> memref<1x40xi32, #tpu.memory_space<vmem>>
    %dma_wait3A_230 = tpu.memref_squeeze %dma_wait3A_229 : memref<1x40xi32, #tpu.memory_space<vmem>> -> memref<40xi32, #tpu.memory_space<vmem>>
    %dma_wait3A_231 = arith.constant 0 : i32
    %dma_wait3A_232 = arith.constant 0 : i32
    %dma_wait3A_233 = tpu.memref_slice %arg6[%dma_wait3A_231, %dma_wait3A_232] : memref<10240x128xf32, #tpu.memory_space<vmem_shared>> -> memref<10240x128xf32, #tpu.memory_space<vmem_shared>>
    tpu.wait_indirect_dma semaphore(%arg22 : memref<!tpu.dma_semaphore, #tpu.memory_space<semaphore_mem>>) src(%arg12 : memref<40x128xf32, #tpu.memory_space<vmem>>) dst(%dma_wait3A_233 : memref<10240x128xf32, #tpu.memory_space<vmem_shared>>)
    %dma_start3A_234 = arith.constant 248 : i32
    %dma_start3A_235 = arith.constant 0 : i32
    %dma_start3A_236 = tpu.memref_slice %arg7[%dma_start3A_234, %dma_start3A_235] : memref<250x40xi32, #tpu.memory_space<vmem>> -> memref<1x40xi32, #tpu.memory_space<vmem>>
    %dma_start3A_237 = tpu.memref_squeeze %dma_start3A_236 : memref<1x40xi32, #tpu.memory_space<vmem>> -> memref<40xi32, #tpu.memory_space<vmem>>
    %dma_start3A_238 = arith.constant 0 : i32
    %dma_start3A_239 = arith.constant 0 : i32
    %dma_start3A_240 = tpu.memref_slice %arg2[%dma_start3A_238, %dma_start3A_239] : memref<10240x128xf32, #tpu.memory_space<hbm>> -> memref<10240x128xf32, #tpu.memory_space<hbm>>
    tpu.enqueue_indirect_dma source(%dma_start3A_240 : memref<10240x128xf32, #tpu.memory_space<hbm>>) target(%arg12 : memref<40x128xf32, #tpu.memory_space<vmem>>) offsets(%dma_start3A_237 : memref<40xi32, #tpu.memory_space<vmem>>) semaphore(%arg17 : memref<!tpu.dma_semaphore, #tpu.memory_space<semaphore_mem>>)
    %dma_wait3A_241 = arith.constant 247 : i32
    %dma_wait3A_242 = arith.constant 0 : i32
    %dma_wait3A_243 = tpu.memref_slice %arg7[%dma_wait3A_241, %dma_wait3A_242] : memref<250x40xi32, #tpu.memory_space<vmem>> -> memref<1x40xi32, #tpu.memory_space<vmem>>
    %dma_wait3A_244 = tpu.memref_squeeze %dma_wait3A_243 : memref<1x40xi32, #tpu.memory_space<vmem>> -> memref<40xi32, #tpu.memory_space<vmem>>
    %dma_wait3A_245 = arith.constant 0 : i32
    %dma_wait3A_246 = arith.constant 0 : i32
    %dma_wait3A_247 = tpu.memref_slice %arg2[%dma_wait3A_245, %dma_wait3A_246] : memref<10240x128xf32, #tpu.memory_space<hbm>> -> memref<10240x128xf32, #tpu.memory_space<hbm>>
    tpu.wait_indirect_dma semaphore(%arg16 : memref<!tpu.dma_semaphore, #tpu.memory_space<semaphore_mem>>) src(%dma_wait3A_247 : memref<10240x128xf32, #tpu.memory_space<hbm>>) dst(%arg11 : memref<40x128xf32, #tpu.memory_space<vmem>>)
    %dma_start3A_248 = arith.constant 247 : i32
    %dma_start3A_249 = arith.constant 0 : i32
    %dma_start3A_250 = tpu.memref_slice %arg8[%dma_start3A_248, %dma_start3A_249] : memref<250x40xi32, #tpu.memory_space<vmem>> -> memref<1x40xi32, #tpu.memory_space<vmem>>
    %dma_start3A_251 = tpu.memref_squeeze %dma_start3A_250 : memref<1x40xi32, #tpu.memory_space<vmem>> -> memref<40xi32, #tpu.memory_space<vmem>>
    %dma_start3A_252 = arith.constant 0 : i32
    %dma_start3A_253 = arith.constant 0 : i32
    %dma_start3A_254 = tpu.memref_slice %arg6[%dma_start3A_252, %dma_start3A_253] : memref<10240x128xf32, #tpu.memory_space<vmem_shared>> -> memref<10240x128xf32, #tpu.memory_space<vmem_shared>>
    tpu.enqueue_indirect_dma source(%arg11 : memref<40x128xf32, #tpu.memory_space<vmem>>) target(%dma_start3A_254 : memref<10240x128xf32, #tpu.memory_space<vmem_shared>>) offsets(%dma_start3A_251 : memref<40xi32, #tpu.memory_space<vmem>>) semaphore(%arg21 : memref<!tpu.dma_semaphore, #tpu.memory_space<semaphore_mem>>) {add = true}
    %dma_wait3A_255 = arith.constant 0 : i32
    %dma_wait3A_256 = arith.constant 0 : i32
    %dma_wait3A_257 = tpu.memref_slice %arg8[%dma_wait3A_255, %dma_wait3A_256] : memref<250x40xi32, #tpu.memory_space<vmem>> -> memref<1x40xi32, #tpu.memory_space<vmem>>
    %dma_wait3A_258 = tpu.memref_squeeze %dma_wait3A_257 : memref<1x40xi32, #tpu.memory_space<vmem>> -> memref<40xi32, #tpu.memory_space<vmem>>
    %dma_wait3A_259 = arith.constant 0 : i32
    %dma_wait3A_260 = arith.constant 0 : i32
    %dma_wait3A_261 = tpu.memref_slice %arg6[%dma_wait3A_259, %dma_wait3A_260] : memref<10240x128xf32, #tpu.memory_space<vmem_shared>> -> memref<10240x128xf32, #tpu.memory_space<vmem_shared>>
    tpu.wait_indirect_dma semaphore(%arg23 : memref<!tpu.dma_semaphore, #tpu.memory_space<semaphore_mem>>) src(%arg13 : memref<40x128xf32, #tpu.memory_space<vmem>>) dst(%dma_wait3A_261 : memref<10240x128xf32, #tpu.memory_space<vmem_shared>>)
    %dma_start3A_262 = arith.constant 249 : i32
    %dma_start3A_263 = arith.constant 0 : i32
    %dma_start3A_264 = tpu.memref_slice %arg7[%dma_start3A_262, %dma_start3A_263] : memref<250x40xi32, #tpu.memory_space<vmem>> -> memref<1x40xi32, #tpu.memory_space<vmem>>
    %dma_start3A_265 = tpu.memref_squeeze %dma_start3A_264 : memref<1x40xi32, #tpu.memory_space<vmem>> -> memref<40xi32, #tpu.memory_space<vmem>>
    %dma_start3A_266 = arith.constant 0 : i32
    %dma_start3A_267 = arith.constant 0 : i32
    %dma_start3A_268 = tpu.memref_slice %arg2[%dma_start3A_266, %dma_start3A_267] : memref<10240x128xf32, #tpu.memory_space<hbm>> -> memref<10240x128xf32, #tpu.memory_space<hbm>>
    tpu.enqueue_indirect_dma source(%dma_start3A_268 : memref<10240x128xf32, #tpu.memory_space<hbm>>) target(%arg13 : memref<40x128xf32, #tpu.memory_space<vmem>>) offsets(%dma_start3A_265 : memref<40xi32, #tpu.memory_space<vmem>>) semaphore(%arg18 : memref<!tpu.dma_semaphore, #tpu.memory_space<semaphore_mem>>)
    %dma_wait3A_269 = arith.constant 248 : i32
    %dma_wait3A_270 = arith.constant 0 : i32
    %dma_wait3A_271 = tpu.memref_slice %arg7[%dma_wait3A_269, %dma_wait3A_270] : memref<250x40xi32, #tpu.memory_space<vmem>> -> memref<1x40xi32, #tpu.memory_space<vmem>>
    %dma_wait3A_272 = tpu.memref_squeeze %dma_wait3A_271 : memref<1x40xi32, #tpu.memory_space<vmem>> -> memref<40xi32, #tpu.memory_space<vmem>>
    %dma_wait3A_273 = arith.constant 0 : i32
    %dma_wait3A_274 = arith.constant 0 : i32
    %dma_wait3A_275 = tpu.memref_slice %arg2[%dma_wait3A_273, %dma_wait3A_274] : memref<10240x128xf32, #tpu.memory_space<hbm>> -> memref<10240x128xf32, #tpu.memory_space<hbm>>
    tpu.wait_indirect_dma semaphore(%arg17 : memref<!tpu.dma_semaphore, #tpu.memory_space<semaphore_mem>>) src(%dma_wait3A_275 : memref<10240x128xf32, #tpu.memory_space<hbm>>) dst(%arg12 : memref<40x128xf32, #tpu.memory_space<vmem>>)
    %dma_start3A_276 = arith.constant 248 : i32
    %dma_start3A_277 = arith.constant 0 : i32
    %dma_start3A_278 = tpu.memref_slice %arg8[%dma_start3A_276, %dma_start3A_277] : memref<250x40xi32, #tpu.memory_space<vmem>> -> memref<1x40xi32, #tpu.memory_space<vmem>>
    %dma_start3A_279 = tpu.memref_squeeze %dma_start3A_278 : memref<1x40xi32, #tpu.memory_space<vmem>> -> memref<40xi32, #tpu.memory_space<vmem>>
    %dma_start3A_280 = arith.constant 0 : i32
    %dma_start3A_281 = arith.constant 0 : i32
    %dma_start3A_282 = tpu.memref_slice %arg6[%dma_start3A_280, %dma_start3A_281] : memref<10240x128xf32, #tpu.memory_space<vmem_shared>> -> memref<10240x128xf32, #tpu.memory_space<vmem_shared>>
    tpu.enqueue_indirect_dma source(%arg12 : memref<40x128xf32, #tpu.memory_space<vmem>>) target(%dma_start3A_282 : memref<10240x128xf32, #tpu.memory_space<vmem_shared>>) offsets(%dma_start3A_279 : memref<40xi32, #tpu.memory_space<vmem>>) semaphore(%arg22 : memref<!tpu.dma_semaphore, #tpu.memory_space<semaphore_mem>>) {add = true}
    %dma_wait3A_283 = arith.constant 0 : i32
    %dma_wait3A_284 = arith.constant 0 : i32
    %dma_wait3A_285 = tpu.memref_slice %arg8[%dma_wait3A_283, %dma_wait3A_284] : memref<250x40xi32, #tpu.memory_space<vmem>> -> memref<1x40xi32, #tpu.memory_space<vmem>>
    %dma_wait3A_286 = tpu.memref_squeeze %dma_wait3A_285 : memref<1x40xi32, #tpu.memory_space<vmem>> -> memref<40xi32, #tpu.memory_space<vmem>>
    %dma_wait3A_287 = arith.constant 0 : i32
    %dma_wait3A_288 = arith.constant 0 : i32
    %dma_wait3A_289 = tpu.memref_slice %arg6[%dma_wait3A_287, %dma_wait3A_288] : memref<10240x128xf32, #tpu.memory_space<vmem_shared>> -> memref<10240x128xf32, #tpu.memory_space<vmem_shared>>
    tpu.wait_indirect_dma semaphore(%arg19 : memref<!tpu.dma_semaphore, #tpu.memory_space<semaphore_mem>>) src(%arg9 : memref<40x128xf32, #tpu.memory_space<vmem>>) dst(%dma_wait3A_289 : memref<10240x128xf32, #tpu.memory_space<vmem_shared>>)
    %dma_wait3A_290 = arith.constant 249 : i32
    %dma_wait3A_291 = arith.constant 0 : i32
    %dma_wait3A_292 = tpu.memref_slice %arg7[%dma_wait3A_290, %dma_wait3A_291] : memref<250x40xi32, #tpu.memory_space<vmem>> -> memref<1x40xi32, #tpu.memory_space<vmem>>
    %dma_wait3A_293 = tpu.memref_squeeze %dma_wait3A_292 : memref<1x40xi32, #tpu.memory_space<vmem>> -> memref<40xi32, #tpu.memory_space<vmem>>
    %dma_wait3A_294 = arith.constant 0 : i32
    %dma_wait3A_295 = arith.constant 0 : i32
    %dma_wait3A_296 = tpu.memref_slice %arg2[%dma_wait3A_294, %dma_wait3A_295] : memref<10240x128xf32, #tpu.memory_space<hbm>> -> memref<10240x128xf32, #tpu.memory_space<hbm>>
    tpu.wait_indirect_dma semaphore(%arg18 : memref<!tpu.dma_semaphore, #tpu.memory_space<semaphore_mem>>) src(%dma_wait3A_296 : memref<10240x128xf32, #tpu.memory_space<hbm>>) dst(%arg13 : memref<40x128xf32, #tpu.memory_space<vmem>>)
    %dma_start3A_297 = arith.constant 249 : i32
    %dma_start3A_298 = arith.constant 0 : i32
    %dma_start3A_299 = tpu.memref_slice %arg8[%dma_start3A_297, %dma_start3A_298] : memref<250x40xi32, #tpu.memory_space<vmem>> -> memref<1x40xi32, #tpu.memory_space<vmem>>
    %dma_start3A_300 = tpu.memref_squeeze %dma_start3A_299 : memref<1x40xi32, #tpu.memory_space<vmem>> -> memref<40xi32, #tpu.memory_space<vmem>>
    %dma_start3A_301 = arith.constant 0 : i32
    %dma_start3A_302 = arith.constant 0 : i32
    %dma_start3A_303 = tpu.memref_slice %arg6[%dma_start3A_301, %dma_start3A_302] : memref<10240x128xf32, #tpu.memory_space<vmem_shared>> -> memref<10240x128xf32, #tpu.memory_space<vmem_shared>>
    tpu.enqueue_indirect_dma source(%arg13 : memref<40x128xf32, #tpu.memory_space<vmem>>) target(%dma_start3A_303 : memref<10240x128xf32, #tpu.memory_space<vmem_shared>>) offsets(%dma_start3A_300 : memref<40xi32, #tpu.memory_space<vmem>>) semaphore(%arg23 : memref<!tpu.dma_semaphore, #tpu.memory_space<semaphore_mem>>) {add = true}
    %dma_wait3A_304 = arith.constant 0 : i32
    %dma_wait3A_305 = arith.constant 0 : i32
    %dma_wait3A_306 = tpu.memref_slice %arg8[%dma_wait3A_304, %dma_wait3A_305] : memref<250x40xi32, #tpu.memory_space<vmem>> -> memref<1x40xi32, #tpu.memory_space<vmem>>
    %dma_wait3A_307 = tpu.memref_squeeze %dma_wait3A_306 : memref<1x40xi32, #tpu.memory_space<vmem>> -> memref<40xi32, #tpu.memory_space<vmem>>
    %dma_wait3A_308 = arith.constant 0 : i32
    %dma_wait3A_309 = arith.constant 0 : i32
    %dma_wait3A_310 = tpu.memref_slice %arg6[%dma_wait3A_308, %dma_wait3A_309] : memref<10240x128xf32, #tpu.memory_space<vmem_shared>> -> memref<10240x128xf32, #tpu.memory_space<vmem_shared>>
    tpu.wait_indirect_dma semaphore(%arg20 : memref<!tpu.dma_semaphore, #tpu.memory_space<semaphore_mem>>) src(%arg10 : memref<40x128xf32, #tpu.memory_space<vmem>>) dst(%dma_wait3A_310 : memref<10240x128xf32, #tpu.memory_space<vmem_shared>>)
    %dma_wait3A_311 = arith.constant 0 : i32
    %dma_wait3A_312 = arith.constant 0 : i32
    %dma_wait3A_313 = tpu.memref_slice %arg8[%dma_wait3A_311, %dma_wait3A_312] : memref<250x40xi32, #tpu.memory_space<vmem>> -> memref<1x40xi32, #tpu.memory_space<vmem>>
    %dma_wait3A_314 = tpu.memref_squeeze %dma_wait3A_313 : memref<1x40xi32, #tpu.memory_space<vmem>> -> memref<40xi32, #tpu.memory_space<vmem>>
    %dma_wait3A_315 = arith.constant 0 : i32
    %dma_wait3A_316 = arith.constant 0 : i32
    %dma_wait3A_317 = tpu.memref_slice %arg6[%dma_wait3A_315, %dma_wait3A_316] : memref<10240x128xf32, #tpu.memory_space<vmem_shared>> -> memref<10240x128xf32, #tpu.memory_space<vmem_shared>>
    tpu.wait_indirect_dma semaphore(%arg21 : memref<!tpu.dma_semaphore, #tpu.memory_space<semaphore_mem>>) src(%arg11 : memref<40x128xf32, #tpu.memory_space<vmem>>) dst(%dma_wait3A_317 : memref<10240x128xf32, #tpu.memory_space<vmem_shared>>)
    %dma_wait3A_318 = arith.constant 0 : i32
    %dma_wait3A_319 = arith.constant 0 : i32
    %dma_wait3A_320 = tpu.memref_slice %arg8[%dma_wait3A_318, %dma_wait3A_319] : memref<250x40xi32, #tpu.memory_space<vmem>> -> memref<1x40xi32, #tpu.memory_space<vmem>>
    %dma_wait3A_321 = tpu.memref_squeeze %dma_wait3A_320 : memref<1x40xi32, #tpu.memory_space<vmem>> -> memref<40xi32, #tpu.memory_space<vmem>>
    %dma_wait3A_322 = arith.constant 0 : i32
    %dma_wait3A_323 = arith.constant 0 : i32
    %dma_wait3A_324 = tpu.memref_slice %arg6[%dma_wait3A_322, %dma_wait3A_323] : memref<10240x128xf32, #tpu.memory_space<vmem_shared>> -> memref<10240x128xf32, #tpu.memory_space<vmem_shared>>
    tpu.wait_indirect_dma semaphore(%arg22 : memref<!tpu.dma_semaphore, #tpu.memory_space<semaphore_mem>>) src(%arg12 : memref<40x128xf32, #tpu.memory_space<vmem>>) dst(%dma_wait3A_324 : memref<10240x128xf32, #tpu.memory_space<vmem_shared>>)
    %dma_wait3A_325 = arith.constant 0 : i32
    %dma_wait3A_326 = arith.constant 0 : i32
    %dma_wait3A_327 = tpu.memref_slice %arg8[%dma_wait3A_325, %dma_wait3A_326] : memref<250x40xi32, #tpu.memory_space<vmem>> -> memref<1x40xi32, #tpu.memory_space<vmem>>
    %dma_wait3A_328 = tpu.memref_squeeze %dma_wait3A_327 : memref<1x40xi32, #tpu.memory_space<vmem>> -> memref<40xi32, #tpu.memory_space<vmem>>
    %dma_wait3A_329 = arith.constant 0 : i32
    %dma_wait3A_330 = arith.constant 0 : i32
    %dma_wait3A_331 = tpu.memref_slice %arg6[%dma_wait3A_329, %dma_wait3A_330] : memref<10240x128xf32, #tpu.memory_space<vmem_shared>> -> memref<10240x128xf32, #tpu.memory_space<vmem_shared>>
    tpu.wait_indirect_dma semaphore(%arg23 : memref<!tpu.dma_semaphore, #tpu.memory_space<semaphore_mem>>) src(%arg13 : memref<40x128xf32, #tpu.memory_space<vmem>>) dst(%dma_wait3A_331 : memref<10240x128xf32, #tpu.memory_space<vmem_shared>>)
    %barrier3A_332 = arith.constant 0 : index
    tpu.barrier barrier_id(%barrier3A_332)
    %mul3A_333 = arith.constant 640 : i32
    %mul3A_334 = arith.muli %arg1, %mul3A_333 : i32
    %mul3A_335 = arith.constant 640 : i32
    %mul3A_336 = arith.muli %arg1, %mul3A_335 : i32
    "tpu.region"() ({
      %run_scoped3A = tpu.sem_alloc : memref<!tpu.dma_semaphore, #tpu.memory_space<semaphore_mem>>
      %dma_start3A_337 = arith.constant 0 : i32
      %dma_start3A_338 = tpu.memref_slice %arg5[%arg0, %mul3A_336, %dma_start3A_337] : memref<2x10240x128xf32, #tpu.memory_space<hbm>> -> memref<1x640x128xf32, #tpu.memory_space<hbm>>
      %dma_start3A_339 = tpu.memref_squeeze %dma_start3A_338 : memref<1x640x128xf32, #tpu.memory_space<hbm>> -> memref<640x128xf32, #tpu.memory_space<hbm>>
      %dma_start3A_340 = arith.constant 0 : i32
      %dma_start3A_341 = tpu.memref_slice %arg6[%mul3A_334, %dma_start3A_340] : memref<10240x128xf32, #tpu.memory_space<vmem_shared>> -> memref<640x128xf32, #tpu.memory_space<vmem_shared>>
      tpu.enqueue_dma source(%dma_start3A_341 : memref<640x128xf32, #tpu.memory_space<vmem_shared>>) target(%dma_start3A_339 : memref<640x128xf32, #tpu.memory_space<hbm>>) target_semaphore(%run_scoped3A : memref<!tpu.dma_semaphore, #tpu.memory_space<semaphore_mem>>)
      %dma_wait3A_342 = arith.constant 0 : i32
      %dma_wait3A_343 = tpu.memref_slice %arg5[%arg0, %mul3A_336, %dma_wait3A_342] : memref<2x10240x128xf32, #tpu.memory_space<hbm>> -> memref<1x640x128xf32, #tpu.memory_space<hbm>>
      %dma_wait3A_344 = tpu.memref_squeeze %dma_wait3A_343 : memref<1x640x128xf32, #tpu.memory_space<hbm>> -> memref<640x128xf32, #tpu.memory_space<hbm>>
      %dma_wait3A_345 = arith.constant 0 : i32
      %dma_wait3A_346 = tpu.memref_slice %arg6[%mul3A_334, %dma_wait3A_345] : memref<10240x128xf32, #tpu.memory_space<vmem_shared>> -> memref<640x128xf32, #tpu.memory_space<vmem_shared>>
      tpu.wait_dma2 semaphore(%run_scoped3A : memref<!tpu.dma_semaphore, #tpu.memory_space<semaphore_mem>>) src(%dma_wait3A_346 : memref<640x128xf32, #tpu.memory_space<vmem_shared>>) dst(%dma_wait3A_344 : memref<640x128xf32, #tpu.memory_space<hbm>>)
      tpu.yield
    }) : () -> ()
    return
  }
}

module attributes {stable_mosaic.version = 14 : i64} {
  func.func @_tc_a_body(%arg0: i32, %arg1: memref<32x2x1024xf32, #tpu.memory_space<vmem>>, %arg2: memref<1024x128xf32, #tpu.memory_space<vmem>>, %arg3: memref<128x128xf32, #tpu.memory_space<vmem>>, %arg4: memref<1024x128xf32, #tpu.memory_space<vmem>>) attributes {dimension_semantics = [#tpu.dimension_semantics<arbitrary>], iteration_bounds = array<i64: 10>, scalar_prefetch = 0 : i64, scratch_operands = 0 : i64, tpu.core_type = #tpu.core_type<tc>, window_params = [{transform_indices = @transform_0, window_bounds = array<i64: 32, 2, 1024>}, {transform_indices = @transform_1, window_bounds = array<i64: 1024, 128>}, {pipeline_mode = #tpu.pipeline_mode<synchronous>, transform_indices = @transform_2, window_bounds = array<i64: 128, 128>}, {transform_indices = @transform_3, window_bounds = array<i64: 1024, 128>}]} {
    %get3A = arith.constant 0 : index
    %get3A_0 = arith.constant 0 : index
    %get3A_1 = arith.constant 0 : index
    %get3A_2 = vector.load %arg1[%get3A, %get3A_0, %get3A_1] : memref<32x2x1024xf32, #tpu.memory_space<vmem>>, vector<32x2x1024xf32>
    %reduce_sum3A = arith.constant dense<0.000000e+00> : vector<2x1024xf32>
    %reduce_sum3A_3 = vector.multi_reduction <add>, %get3A_2, %reduce_sum3A [0] : vector<32x2x1024xf32> to vector<2x1024xf32>
    %slice3A = vector.extract_strided_slice %reduce_sum3A_3 {offsets = [0, 0], sizes = [1, 1024], strides = [1, 1]} : vector<2x1024xf32> to vector<1x1024xf32>
    %squeeze3A = vector.shape_cast %slice3A : vector<1x1024xf32> to vector<1024xf32>
    %max3A = arith.constant 1.000000e+00 : f32
    %max3A_4 = vector.broadcast %max3A : f32 to vector<1024xf32>
    %max3A_5 = arith.maximumf %squeeze3A, %max3A_4 : vector<1024xf32>
    %rsqrt3A = math.rsqrt %max3A_5 : vector<1024xf32>
    %get3A_6 = arith.constant 0 : index
    %get3A_7 = arith.constant 0 : index
    %get3A_8 = vector.load %arg2[%get3A_6, %get3A_7] : memref<1024x128xf32, #tpu.memory_space<vmem>>, vector<1024x128xf32>
    %get3A_9 = arith.constant 0 : index
    %get3A_10 = arith.constant 0 : index
    %get3A_11 = vector.load %arg3[%get3A_9, %get3A_10] : memref<128x128xf32, #tpu.memory_space<vmem>>, vector<128x128xf32>
    %dot_general3A = arith.constant dense<0.000000e+00> : vector<1024x128xf32>
    %dot_general3A_12 = tpu.matmul %get3A_8, %get3A_11, %dot_general3A {dimension_numbers = #tpu.dot_dimension_numbers<[1], [0], [0], [1], [0, 0, 1, 1], [], []>, transpose_lhs_hint = false} : vector<1024x128xf32>, vector<128x128xf32>, vector<1024x128xf32> -> vector<1024x128xf32>
    %broadcast_in_dim3A = vector.shape_cast %rsqrt3A : vector<1024xf32> to vector<1024x1xf32>
    %mul3A = vector.broadcast %broadcast_in_dim3A : vector<1024x1xf32> to vector<1024x128xf32>
    %mul3A_13 = arith.mulf %dot_general3A_12, %mul3A : vector<1024x128xf32>
    %swap3A = arith.constant 0 : index
    %swap3A_14 = arith.constant 0 : index
    %swap3A_15 = vector.load %arg4[%swap3A, %swap3A_14] : memref<1024x128xf32, #tpu.memory_space<vmem>>, vector<1024x128xf32>
    tpu.vector_store %arg4[%swap3A, %swap3A_14], %mul3A_13 {strides = array<i32>} : memref<1024x128xf32, #tpu.memory_space<vmem>>, vector<1024x128xf32>,
    return
  }
  func.func @transform_0(%arg0: i32) -> (i32, i32, i32) {
    %c0_i32 = arith.constant 0 : i32
    %c0_i32_0 = arith.constant 0 : i32
    %c0_i32_1 = arith.constant 0 : i32
    return %c0_i32, %c0_i32_0, %arg0 : i32, i32, i32
  }
  func.func @transform_1(%arg0: i32) -> (i32, i32) {
    %c0_i32 = arith.constant 0 : i32
    %c0_i32_0 = arith.constant 0 : i32
    return %arg0, %c0_i32 : i32, i32
  }
  func.func @transform_2(%arg0: i32) -> (i32, i32) {
    %c0_i32 = arith.constant 0 : i32
    %c0_i32_0 = arith.constant 0 : i32
    %c0_i32_1 = arith.constant 0 : i32
    return %c0_i32, %c0_i32_0 : i32, i32
  }
  func.func @transform_3(%arg0: i32) -> (i32, i32) {
    %c0_i32 = arith.constant 0 : i32
    %c0_i32_0 = arith.constant 0 : i32
    return %arg0, %c0_i32 : i32, i32
  }
}

module attributes {stable_mosaic.version = 14 : i64} {
  func.func @_tc_b_body(%arg0: i32, %arg1: memref<32x2x1024xf32, #tpu.memory_space<vmem>>, %arg2: memref<2x1024x128xf32, #tpu.memory_space<vmem>>, %arg3: memref<1x128xf32, #tpu.memory_space<vmem>>, %arg4: memref<128x64xf32, #tpu.memory_space<vmem>>, %arg5: memref<1024x64xf32, #tpu.memory_space<vmem>>) attributes {dimension_semantics = [#tpu.dimension_semantics<arbitrary>], iteration_bounds = array<i64: 10>, scalar_prefetch = 0 : i64, scratch_operands = 0 : i64, tpu.core_type = #tpu.core_type<tc>, window_params = [{transform_indices = @transform_0, window_bounds = array<i64: 32, 2, 1024>}, {transform_indices = @transform_1, window_bounds = array<i64: 2, 1024, 128>}, {pipeline_mode = #tpu.pipeline_mode<synchronous>, transform_indices = @transform_2, window_bounds = array<i64: 1, 128>}, {pipeline_mode = #tpu.pipeline_mode<synchronous>, transform_indices = @transform_3, window_bounds = array<i64: 128, 64>}, {transform_indices = @transform_4, window_bounds = array<i64: 1024, 64>}]} {
    %get3A = arith.constant 0 : index
    %get3A_0 = arith.constant 0 : index
    %get3A_1 = arith.constant 0 : index
    %get3A_2 = vector.load %arg1[%get3A, %get3A_0, %get3A_1] : memref<32x2x1024xf32, #tpu.memory_space<vmem>>, vector<32x2x1024xf32>
    %reduce_sum3A = arith.constant dense<0.000000e+00> : vector<2x1024xf32>
    %reduce_sum3A_3 = vector.multi_reduction <add>, %get3A_2, %reduce_sum3A [0] : vector<32x2x1024xf32> to vector<2x1024xf32>
    %slice3A = vector.extract_strided_slice %reduce_sum3A_3 {offsets = [0, 0], sizes = [1, 1024], strides = [1, 1]} : vector<2x1024xf32> to vector<1x1024xf32>
    %squeeze3A = vector.shape_cast %slice3A : vector<1x1024xf32> to vector<1024xf32>
    %max3A = arith.constant 1.000000e+00 : f32
    %max3A_4 = vector.broadcast %max3A : f32 to vector<1024xf32>
    %max3A_5 = arith.maximumf %squeeze3A, %max3A_4 : vector<1024xf32>
    %rsqrt3A = math.rsqrt %max3A_5 : vector<1024xf32>
    %slice3A_6 = vector.extract_strided_slice %reduce_sum3A_3 {offsets = [1, 0], sizes = [1, 1024], strides = [1, 1]} : vector<2x1024xf32> to vector<1x1024xf32>
    %squeeze3A_7 = vector.shape_cast %slice3A_6 : vector<1x1024xf32> to vector<1024xf32>
    %max3A_8 = arith.constant 1.000000e+00 : f32
    %max3A_9 = vector.broadcast %max3A_8 : f32 to vector<1024xf32>
    %max3A_10 = arith.maximumf %squeeze3A_7, %max3A_9 : vector<1024xf32>
    %rsqrt3A_11 = math.rsqrt %max3A_10 : vector<1024xf32>
    %get3A_12 = arith.constant 0 : index
    %get3A_13 = arith.constant 0 : index
    %get3A_14 = arith.constant 0 : index
    %get3A_15 = vector.load %arg2[%get3A_12, %get3A_13, %get3A_14] : memref<2x1024x128xf32, #tpu.memory_space<vmem>>, vector<1x1024x128xf32>
    %get3A_16 = vector.shape_cast %get3A_15 : vector<1x1024x128xf32> to vector<1024x128xf32>
    %get3A_17 = arith.constant 1 : index
    %get3A_18 = arith.constant 0 : index
    %get3A_19 = arith.constant 0 : index
    %get3A_20 = vector.load %arg2[%get3A_17, %get3A_18, %get3A_19] : memref<2x1024x128xf32, #tpu.memory_space<vmem>>, vector<1x1024x128xf32>
    %get3A_21 = vector.shape_cast %get3A_20 : vector<1x1024x128xf32> to vector<1024x128xf32>
    %add3A = arith.addf %get3A_16, %get3A_21 : vector<1024x128xf32>
    %broadcast_in_dim3A = vector.shape_cast %rsqrt3A_11 : vector<1024xf32> to vector<1024x1xf32>
    %mul3A = vector.broadcast %broadcast_in_dim3A : vector<1024x1xf32> to vector<1024x128xf32>
    %mul3A_22 = arith.mulf %add3A, %mul3A : vector<1024x128xf32>
    %get3A_23 = arith.constant 0 : index
    %get3A_24 = arith.constant 0 : index
    %get3A_25 = vector.load %arg3[%get3A_23, %get3A_24] : memref<1x128xf32, #tpu.memory_space<vmem>>, vector<1x128xf32>
    %add3A_26 = vector.broadcast %get3A_25 : vector<1x128xf32> to vector<1024x128xf32>
    %add3A_27 = arith.addf %mul3A_22, %add3A_26 : vector<1024x128xf32>
    %max3A_28 = arith.constant 0.000000e+00 : f32
    %max3A_29 = vector.broadcast %max3A_28 : f32 to vector<1024x128xf32>
    %max3A_30 = arith.maximumf %add3A_27, %max3A_29 : vector<1024x128xf32>
    %broadcast_in_dim3A_31 = vector.shape_cast %rsqrt3A : vector<1024xf32> to vector<1024x1xf32>
    %mul3A_32 = vector.broadcast %broadcast_in_dim3A_31 : vector<1024x1xf32> to vector<1024x128xf32>
    %mul3A_33 = arith.mulf %max3A_30, %mul3A_32 : vector<1024x128xf32>
    %get3A_34 = arith.constant 0 : index
    %get3A_35 = arith.constant 0 : index
    %get3A_36 = vector.load %arg4[%get3A_34, %get3A_35] : memref<128x64xf32, #tpu.memory_space<vmem>>, vector<128x64xf32>
    %dot_general3A = arith.constant dense<0.000000e+00> : vector<1024x64xf32>
    %dot_general3A_37 = tpu.matmul %mul3A_33, %get3A_36, %dot_general3A {dimension_numbers = #tpu.dot_dimension_numbers<[1], [0], [0], [1], [0, 0, 1, 1], [], []>, transpose_lhs_hint = false} : vector<1024x128xf32>, vector<128x64xf32>, vector<1024x64xf32> -> vector<1024x64xf32>
    %swap3A = arith.constant 0 : index
    %swap3A_38 = arith.constant 0 : index
    %swap3A_39 = vector.load %arg5[%swap3A, %swap3A_38] : memref<1024x64xf32, #tpu.memory_space<vmem>>, vector<1024x64xf32>
    tpu.vector_store %arg5[%swap3A, %swap3A_38], %dot_general3A_37 {strides = array<i32>} : memref<1024x64xf32, #tpu.memory_space<vmem>>, vector<1024x64xf32>,
    return
  }
  func.func @transform_0(%arg0: i32) -> (i32, i32, i32) {
    %c0_i32 = arith.constant 0 : i32
    %c0_i32_0 = arith.constant 0 : i32
    %c0_i32_1 = arith.constant 0 : i32
    return %c0_i32, %c0_i32_0, %arg0 : i32, i32, i32
  }
  func.func @transform_1(%arg0: i32) -> (i32, i32, i32) {
    %c0_i32 = arith.constant 0 : i32
    %c0_i32_0 = arith.constant 0 : i32
    %c0_i32_1 = arith.constant 0 : i32
    return %c0_i32, %arg0, %c0_i32_0 : i32, i32, i32
  }
  func.func @transform_2(%arg0: i32) -> (i32, i32) {
    %c0_i32 = arith.constant 0 : i32
    %c0_i32_0 = arith.constant 0 : i32
    %c0_i32_1 = arith.constant 0 : i32
    return %c0_i32, %c0_i32_0 : i32, i32
  }
  func.func @transform_3(%arg0: i32) -> (i32, i32) {
    %c0_i32 = arith.constant 0 : i32
    %c0_i32_0 = arith.constant 0 : i32
    %c0_i32_1 = arith.constant 0 : i32
    return %c0_i32, %c0_i32_0 : i32, i32
  }
  func.func @transform_4(%arg0: i32) -> (i32, i32) {
    %c0_i32 = arith.constant 0 : i32
    %c0_i32_0 = arith.constant 0 : i32
    return %arg0, %c0_i32 : i32, i32
  }
}

module attributes {stable_mosaic.version = 14 : i64} {
  func.func @_tc_c_body(%arg0: i32, %arg1: memref<32x2x1024xf32, #tpu.memory_space<vmem>>, %arg2: memref<2x1024x64xf32, #tpu.memory_space<vmem>>, %arg3: memref<1x64xf32, #tpu.memory_space<vmem>>, %arg4: memref<64x32xf32, #tpu.memory_space<vmem>>, %arg5: memref<1x32xf32, #tpu.memory_space<vmem>>, %arg6: memref<32x64xf32, #tpu.memory_space<vmem>>, %arg7: memref<1x64xf32, #tpu.memory_space<vmem>>, %arg8: memref<1024x64xf32, #tpu.memory_space<vmem>>, %arg9: memref<1024x64xf32, #tpu.memory_space<vmem>>) attributes {dimension_semantics = [#tpu.dimension_semantics<arbitrary>], iteration_bounds = array<i64: 10>, scalar_prefetch = 0 : i64, scratch_operands = 0 : i64, tpu.core_type = #tpu.core_type<tc>, window_params = [{transform_indices = @transform_0, window_bounds = array<i64: 32, 2, 1024>}, {transform_indices = @transform_1, window_bounds = array<i64: 2, 1024, 64>}, {pipeline_mode = #tpu.pipeline_mode<synchronous>, transform_indices = @transform_2, window_bounds = array<i64: 1, 64>}, {pipeline_mode = #tpu.pipeline_mode<synchronous>, transform_indices = @transform_3, window_bounds = array<i64: 64, 32>}, {pipeline_mode = #tpu.pipeline_mode<synchronous>, transform_indices = @transform_4, window_bounds = array<i64: 1, 32>}, {pipeline_mode = #tpu.pipeline_mode<synchronous>, transform_indices = @transform_5, window_bounds = array<i64: 32, 64>}, {pipeline_mode = #tpu.pipeline_mode<synchronous>, transform_indices = @transform_6, window_bounds = array<i64: 1, 64>}, {transform_indices = @transform_7, window_bounds = array<i64: 1024, 64>}, {transform_indices = @transform_8, window_bounds = array<i64: 1024, 64>}]} {
    %get3A = arith.constant 0 : index
    %get3A_0 = arith.constant 0 : index
    %get3A_1 = arith.constant 0 : index
    %get3A_2 = vector.load %arg1[%get3A, %get3A_0, %get3A_1] : memref<32x2x1024xf32, #tpu.memory_space<vmem>>, vector<32x2x1024xf32>
    %reduce_sum3A = arith.constant dense<0.000000e+00> : vector<2x1024xf32>
    %reduce_sum3A_3 = vector.multi_reduction <add>, %get3A_2, %reduce_sum3A [0] : vector<32x2x1024xf32> to vector<2x1024xf32>
    %slice3A = vector.extract_strided_slice %reduce_sum3A_3 {offsets = [1, 0], sizes = [1, 1024], strides = [1, 1]} : vector<2x1024xf32> to vector<1x1024xf32>
    %squeeze3A = vector.shape_cast %slice3A : vector<1x1024xf32> to vector<1024xf32>
    %max3A = arith.constant 1.000000e+00 : f32
    %max3A_4 = vector.broadcast %max3A : f32 to vector<1024xf32>
    %max3A_5 = arith.maximumf %squeeze3A, %max3A_4 : vector<1024xf32>
    %rsqrt3A = math.rsqrt %max3A_5 : vector<1024xf32>
    %get3A_6 = arith.constant 0 : index
    %get3A_7 = arith.constant 0 : index
    %get3A_8 = arith.constant 0 : index
    %get3A_9 = vector.load %arg2[%get3A_6, %get3A_7, %get3A_8] : memref<2x1024x64xf32, #tpu.memory_space<vmem>>, vector<1x1024x64xf32>
    %get3A_10 = vector.shape_cast %get3A_9 : vector<1x1024x64xf32> to vector<1024x64xf32>
    %get3A_11 = arith.constant 1 : index
    %get3A_12 = arith.constant 0 : index
    %get3A_13 = arith.constant 0 : index
    %get3A_14 = vector.load %arg2[%get3A_11, %get3A_12, %get3A_13] : memref<2x1024x64xf32, #tpu.memory_space<vmem>>, vector<1x1024x64xf32>
    %get3A_15 = vector.shape_cast %get3A_14 : vector<1x1024x64xf32> to vector<1024x64xf32>
    %add3A = arith.addf %get3A_10, %get3A_15 : vector<1024x64xf32>
    %broadcast_in_dim3A = vector.shape_cast %rsqrt3A : vector<1024xf32> to vector<1024x1xf32>
    %mul3A = vector.broadcast %broadcast_in_dim3A : vector<1024x1xf32> to vector<1024x64xf32>
    %mul3A_16 = arith.mulf %add3A, %mul3A : vector<1024x64xf32>
    %get3A_17 = arith.constant 0 : index
    %get3A_18 = arith.constant 0 : index
    %get3A_19 = vector.load %arg3[%get3A_17, %get3A_18] : memref<1x64xf32, #tpu.memory_space<vmem>>, vector<1x64xf32>
    %add3A_20 = vector.broadcast %get3A_19 : vector<1x64xf32> to vector<1024x64xf32>
    %add3A_21 = arith.addf %mul3A_16, %add3A_20 : vector<1024x64xf32>
    %max3A_22 = arith.constant 0.000000e+00 : f32
    %max3A_23 = vector.broadcast %max3A_22 : f32 to vector<1024x64xf32>
    %max3A_24 = arith.maximumf %add3A_21, %max3A_23 : vector<1024x64xf32>
    %get3A_25 = arith.constant 0 : index
    %get3A_26 = arith.constant 0 : index
    %get3A_27 = vector.load %arg4[%get3A_25, %get3A_26] : memref<64x32xf32, #tpu.memory_space<vmem>>, vector<64x32xf32>
    %dot_general3A = arith.constant dense<0.000000e+00> : vector<1024x32xf32>
    %dot_general3A_28 = tpu.matmul %max3A_24, %get3A_27, %dot_general3A {dimension_numbers = #tpu.dot_dimension_numbers<[1], [0], [0], [1], [0, 0, 1, 1], [], []>, transpose_lhs_hint = false} : vector<1024x64xf32>, vector<64x32xf32>, vector<1024x32xf32> -> vector<1024x32xf32>
    %get3A_29 = arith.constant 0 : index
    %get3A_30 = arith.constant 0 : index
    %get3A_31 = vector.load %arg5[%get3A_29, %get3A_30] : memref<1x32xf32, #tpu.memory_space<vmem>>, vector<1x32xf32>
    %add3A_32 = vector.broadcast %get3A_31 : vector<1x32xf32> to vector<1024x32xf32>
    %add3A_33 = arith.addf %dot_general3A_28, %add3A_32 : vector<1024x32xf32>
    %max3A_34 = arith.constant 0.000000e+00 : f32
    %max3A_35 = vector.broadcast %max3A_34 : f32 to vector<1024x32xf32>
    %max3A_36 = arith.maximumf %add3A_33, %max3A_35 : vector<1024x32xf32>
    %get3A_37 = arith.constant 0 : index
    %get3A_38 = arith.constant 0 : index
    %get3A_39 = vector.load %arg6[%get3A_37, %get3A_38] : memref<32x64xf32, #tpu.memory_space<vmem>>, vector<32x64xf32>
    %dot_general3A_40 = arith.constant dense<0.000000e+00> : vector<1024x64xf32>
    %dot_general3A_41 = tpu.matmul %max3A_36, %get3A_39, %dot_general3A_40 {dimension_numbers = #tpu.dot_dimension_numbers<[1], [0], [0], [1], [0, 0, 1, 1], [], []>, transpose_lhs_hint = false} : vector<1024x32xf32>, vector<32x64xf32>, vector<1024x64xf32> -> vector<1024x64xf32>
    %get3A_42 = arith.constant 0 : index
    %get3A_43 = arith.constant 0 : index
    %get3A_44 = vector.load %arg7[%get3A_42, %get3A_43] : memref<1x64xf32, #tpu.memory_space<vmem>>, vector<1x64xf32>
    %add3A_45 = vector.broadcast %get3A_44 : vector<1x64xf32> to vector<1024x64xf32>
    %add3A_46 = arith.addf %dot_general3A_41, %add3A_45 : vector<1024x64xf32>
    %swap3A = arith.constant 0 : index
    %swap3A_47 = arith.constant 0 : index
    %swap3A_48 = vector.load %arg8[%swap3A, %swap3A_47] : memref<1024x64xf32, #tpu.memory_space<vmem>>, vector<1024x64xf32>
    tpu.vector_store %arg8[%swap3A, %swap3A_47], %add3A_46 {strides = array<i32>} : memref<1024x64xf32, #tpu.memory_space<vmem>>, vector<1024x64xf32>,
    %swap3A_49 = arith.constant 0 : index
    %swap3A_50 = arith.constant 0 : index
    %swap3A_51 = vector.load %arg9[%swap3A_49, %swap3A_50] : memref<1024x64xf32, #tpu.memory_space<vmem>>, vector<1024x64xf32>
    tpu.vector_store %arg9[%swap3A_49, %swap3A_50], %max3A_24 {strides = array<i32>} : memref<1024x64xf32, #tpu.memory_space<vmem>>, vector<1024x64xf32>,
    return
  }
  func.func @transform_0(%arg0: i32) -> (i32, i32, i32) {
    %c0_i32 = arith.constant 0 : i32
    %c0_i32_0 = arith.constant 0 : i32
    %c0_i32_1 = arith.constant 0 : i32
    return %c0_i32, %c0_i32_0, %arg0 : i32, i32, i32
  }
  func.func @transform_1(%arg0: i32) -> (i32, i32, i32) {
    %c0_i32 = arith.constant 0 : i32
    %c0_i32_0 = arith.constant 0 : i32
    %c0_i32_1 = arith.constant 0 : i32
    return %c0_i32, %arg0, %c0_i32_0 : i32, i32, i32
  }
  func.func @transform_2(%arg0: i32) -> (i32, i32) {
    %c0_i32 = arith.constant 0 : i32
    %c0_i32_0 = arith.constant 0 : i32
    %c0_i32_1 = arith.constant 0 : i32
    return %c0_i32, %c0_i32_0 : i32, i32
  }
  func.func @transform_3(%arg0: i32) -> (i32, i32) {
    %c0_i32 = arith.constant 0 : i32
    %c0_i32_0 = arith.constant 0 : i32
    %c0_i32_1 = arith.constant 0 : i32
    return %c0_i32, %c0_i32_0 : i32, i32
  }
  func.func @transform_4(%arg0: i32) -> (i32, i32) {
    %c0_i32 = arith.constant 0 : i32
    %c0_i32_0 = arith.constant 0 : i32
    %c0_i32_1 = arith.constant 0 : i32
    return %c0_i32, %c0_i32_0 : i32, i32
  }
  func.func @transform_5(%arg0: i32) -> (i32, i32) {
    %c0_i32 = arith.constant 0 : i32
    %c0_i32_0 = arith.constant 0 : i32
    %c0_i32_1 = arith.constant 0 : i32
    return %c0_i32, %c0_i32_0 : i32, i32
  }
  func.func @transform_6(%arg0: i32) -> (i32, i32) {
    %c0_i32 = arith.constant 0 : i32
    %c0_i32_0 = arith.constant 0 : i32
    %c0_i32_1 = arith.constant 0 : i32
    return %c0_i32, %c0_i32_0 : i32, i32
  }
  func.func @transform_7(%arg0: i32) -> (i32, i32) {
    %c0_i32 = arith.constant 0 : i32
    %c0_i32_0 = arith.constant 0 : i32
    return %arg0, %c0_i32 : i32, i32
  }
  func.func @transform_8(%arg0: i32) -> (i32, i32) {
    %c0_i32 = arith.constant 0 : i32
    %c0_i32_0 = arith.constant 0 : i32
    return %arg0, %c0_i32 : i32, i32
  }
}

</mosaic_0001>

<sc_bundles>
// kernel: kernel.11.cloned.1.call-start
scs
__scs_entry_jumppad:
0x0: {  	(pc) =	sbr.rel $0x88, $3  }
0x1: {  	(tag) =	ssettag $0x0;
	lr =	simm.s32 $0x1  }
0x2: {  	[smem:$0x3F97] =	sst lr;
	_ =	strace $0xD0000000  }
0x3: {  	_ = 	snop  }
0x4: {  	_ = 	snop  }
0x5: {  	_ = 	snop  }
0x6: {  	_ = 	snop  }
0x7: {  	_ = 	snop  }
__scs_overlays_trampoline_lowered:
0x8: {  	[smem:$0x3FA6] =	sst s0  }
0x9: {  	[smem:$0x3FA7] =	sst s1  }
0xa: {  	[smem:$0x3FA8] =	sst s2  }
0xb: {  	[smem:$0x3FA9] =	sst s3  }
0xc: {  	[smem:$0x3FAA] =	sst s4  }
0xd: {  	[smem:$0x3FAB] =	sst s5  }
0xe: {  	[smem:$0x3FAC] =	sst s6  }
0xf: {  	[smem:$0x3FAD] =	sst s7  }
0x10: {  	[smem:$0x3FAE] =	sst s8  }
0x11: {  	[smem:$0x3FAF] =	sst s9;
	s0 =	simm.s32 @!p0 $0x0  }
0x12: {  	s1 =	sld [smem:$0x3F95];
	s0 =	simm.s32 @p0 $0x1  }
0x13: {  	[smem:$0x3FB0] =	sst s0;
	s0 =	simm.s32 @!p1 $0x0  }
0x14: {  	s2 =	sld [smem:$0x3F94];
	s0 =	simm.s32 @p1 $0x1  }
0x15: {  	[smem:$0x3FB1] =	sst s0;
	s0 =	simm.s32 @!p2 $0x0  }
0x16: {  	s3 =	sld [smem:$0x3FDB];
	s0 =	simm.s32 @p2 $0x1  }
0x17: {  	s4 =	simm.s32 $0x1BF5;
	[smem:$0x3FB3] =	sst s0  }
0x18: {  	s0 =	sld [smem:$0x3F96];
	_ =	swait.ge [sflag:s4], $0x0  }
0x19: {  	s7 =	sld [smem:$0x3F97]  }
0x1a: {  	s8 =	sadd.s32 $0xFFFFE003, lr  }
0x1b: {  	s9 =	sadd.s32 $0xFFFFFEF7, lr;
	s5 =	simm.s32 $0xFFFFFFFF;
	p2 =	slt.u32 s8, $0xFFFFF086  }
0x1c: {  	p1 =	slt.u32 s9, $0xF7A;
	s5 =	simm.s32 @!p2 $0x0  }
0x1d: {  	s5 =	simm.s32 @p1 $0x1;
	p0 =	seq.s32 s7, s2  }
0x1e: {  	s7 =	smul.u32 @!p0 $0xF7A, s2;
	p2 =	seq.s32 @!p0 s5, $0x0  }
0x1f: {  	s9 =	smul.u32 $0xF7A, s1;
	s8 =	simm.s32 @!p0 $0x1BF5;
	p2 =	por !p2, p0  }
0x20: {  	[sflag:s8] =	ssyncset.s32 @!p0 $0xFFFFF086;
	s6 =	sadd.s32 @!p0 s3, s7;
	s7 =	simm.s32 @!p0 $0x108  }
0x21: {  	s3 =	sadd.s32 s3, s9;
	s6 =	sadd.s32 @!p0 $0x88, s6;
	s7 =	simm.s32 @p2 $0x1082  }
0x22: {  	[simem:s7], [sflag:s8] =	dma.local @!p0 [hbm:s6], $0xF7A  }
0x23: {  	s9 =	sor.u32 $0xD0000000, s2;
	s6 =	simm.s32 $0x108;
	_ =	swait.ge @!p0 [sflag:s8], $0x0  }
0x24: {  	s3 =	sadd.s32 $0x88, s3;
	s6 =	simm.s32 @!p1 $0x1082;
	[sflag:s4] =	ssyncset.s32 $0xFFFFF086  }
0x25: {  	[simem:s6], [sflag:s4] =	dma.local [hbm:s3], $0xF7A  }
0x26: {  	[smem:$0x3F97] =	sst s1;
	(tag) =	ssettag s2;
	_ =	strace s9  }
0x27: {  	s1 =	sld [smem:$0x3FA7]  }
0x28: {  	s2 =	sld [smem:$0x3FA8]  }
0x29: {  	s4 =	sld [smem:$0x3FAA]  }
0x2a: {  	p0 =	seq.s32 s5, $0x0;
	s5 =	sld [smem:$0x3FAB]  }
0x2b: {  	s6 =	sld [smem:$0x3FAC]  }
0x2c: {  	s7 =	sld [smem:$0x3FAD]  }
0x2d: {  	s3 =	simm.s32 $0x108;
	s8 =	sld [smem:$0x3FAE]  }
0x2e: {  	s3 =	simm.s32 @!p0 $0x1082;
	s9 =	sld [smem:$0x3FAF]  }
0x2f: {  	lr =	sadd.s32 s0, s3;
	s0 =	sld [smem:$0x3FA6]  }
0x30: {  	s3 =	sld [smem:$0x3FA9]  }
0x31: {  	[smem:$0x3FB2] =	sst s10  }
0x32: {  	s10 =	sld [smem:$0x3FB0];
	_ =	sdelay $0x3  }
0x33: {  	p0 =	seq.s32 s10, $0x1;
	s10 =	sld [smem:$0x3FB2];
	_ =	sdelay $0x3  }
0x34: {  	[smem:$0x3FB2] =	sst s10  }
0x35: {  	s10 =	sld [smem:$0x3FB1];
	_ =	sdelay $0x3  }
0x36: {  	p1 =	seq.s32 s10, $0x1;
	s10 =	sld [smem:$0x3FB2];
	_ =	sdelay $0x3  }
0x37: {  	[smem:$0x3FB2] =	sst s10  }
0x38: {  	s10 =	sld [smem:$0x3FB3]  }
0x39: {  	_ = 	snop;
	(pc) =	sbr.ind lr, $3  }
0x3a: {  	_ = 	snop  }
0x3b: {  	_ = 	snop  }
0x3c: {  	p2 =	seq.s32 s10, $0x1;
	s10 =	sld [smem:$0x3FB2]  }
0x3d: {  	_ =	shalt  }
0x3e: {  	_ =	shalt  }
0x3f: {  	_ =	shalt  }
0x40: {  	_ =	shalt  }
0x41: {  	_ =	shalt  }
0x42: {  	_ =	shalt  }
0x43: {  	_ =	shalt  }
0x44: {  	_ =	shalt  }
0x45: {  	_ =	shalt  }
0x46: {  	_ =	shalt  }
0x47: {  	_ =	shalt  }
0x48: {  	_ =	shalt  }
0x49: {  	_ =	shalt  }
0x4a: {  	_ =	shalt  }
0x4b: {  	_ =	shalt  }
0x4c: {  	_ =	shalt  }
0x4d: {  	_ =	shalt  }
0x4e: {  	_ =	shalt  }
0x4f: {  	_ =	shalt  }
0x50: {  	_ =	shalt  }
0x51: {  	_ =	shalt  }
0x52: {  	_ =	shalt  }
0x53: {  	_ =	shalt  }
0x54: {  	_ =	shalt  }
0x55: {  	_ =	shalt  }
0x56: {  	_ =	shalt  }
0x57: {  	_ =	shalt  }
0x58: {  	_ =	shalt  }
0x59: {  	_ =	shalt  }
0x5a: {  	_ =	shalt  }
0x5b: {  	_ =	shalt  }
0x5c: {  	_ =	shalt  }
0x5d: {  	_ =	shalt  }
0x5e: {  	_ =	shalt  }
0x5f: {  	_ =	shalt  }
0x60: {  	_ =	shalt  }
0x61: {  	_ =	shalt  }
0x62: {  	_ =	shalt  }
0x63: {  	_ =	shalt  }
0x64: {  	_ =	shalt  }
0x65: {  	_ =	shalt  }
0x66: {  	_ =	shalt  }
0x67: {  	_ =	shalt  }
0x68: {  	_ =	shalt  }
0x69: {  	_ =	shalt  }
0x6a: {  	_ =	shalt  }
0x6b: {  	_ =	shalt  }
0x6c: {  	_ =	shalt  }
0x6d: {  	_ =	shalt  }
0x6e: {  	_ =	shalt  }
0x6f: {  	_ =	shalt  }
0x70: {  	_ =	shalt  }
0x71: {  	_ =	shalt  }
0x72: {  	_ =	shalt  }
0x73: {  	_ =	shalt  }
0x74: {  	_ =	shalt  }
0x75: {  	_ =	shalt  }
0x76: {  	_ =	shalt  }
0x77: {  	_ =	shalt  }
0x78: {  	_ =	shalt  }
0x79: {  	_ =	shalt  }
0x7a: {  	_ =	shalt  }
0x7b: {  	_ =	shalt  }
0x7c: {  	_ =	shalt  }
0x7d: {  	_ =	shalt  }
0x7e: {  	_ =	shalt  }
0x7f: {  	_ =	shalt  }
0x80: {  	_ =	shalt  }
0x81: {  	_ =	shalt  }
0x82: {  	_ =	shalt  }
0x83: {  	_ =	shalt  }
0x84: {  	_ =	shalt  }
0x85: {  	_ =	shalt  }
0x86: {  	_ =	shalt  }
0x87: {  	_ =	shalt  }
.Lfunc_end0:
.L_simem_size_0:
called_computation.1_lowered:
.L_overlay_start_0:
0x88: {  	s2 =	sld [smem:$0x3FD9]  }
0x89: {  	s3 =	sld [smem:$0x3FFE];
	_ =	sdelay $0x1  }
0x8a: {  	s1 =	srdreg.scid  }
0x8b: {  	s0 =	sand.u32 $0x1, s1  }
0x8c: {  	s14 =	sshll.u32 s0, $0xA;
	s2 =	sadd.s32 s3, s2  }
0x8d: {  	s2 =	sadd.s32 s2, s14  }
0x8e: {  	[smem:$0x3FBE] =	sst s2  }
0x8f: {  	_ = 	snop  }
0x90: {  	s2 =	sld [smem:$0x3FD0];
	_ =	sdelay $0x2  }
0x91: {  	s15 =	simm.s32 $0xA;
	s4 =	simm.s32 $0x10  }
0x92: {  	[smem:s4], [sflag:s15] =	dma.local [hbm:s2], $0x1  }
0x93: {  	_ =	swait.eq [sflag:s15], $0x1  }
0x94: {  	[sflag:s15] =	ssyncset.done $0x0  }
0x95: {  	s16 =	sld [smem:$0x10];
	[sflag:s15] =	ssyncadd.s32 $0xFFFFFFFF  }
0x96: {  	s17 =	sld [smem:$0x11];
	(tm) =	ssettm $0x1  }
0x97: {  	s18 =	sld [smem:$0x3FFB];
	_ =	sdelay $0x3  }
0x98: {  	_ =	strace s18  }
0x99: {  	s4 =	sld [smem:$0x3FFC];
	_ =	sdelay $0x3  }
0x9a: {  	_ =	strace s4  }
0x9b: {  	s4 =	sld [smem:$0x3FFD];
	_ =	sdelay $0x3  }
0x9c: {  	_ =	strace s4  }
0x9d: {  	_ =	strace $0x8FFFFFFF  }
0x9e: {  	s19 =	sld [smem:$0x3FDB];
	_ =	sdelay $0x1  }
0x9f: {  	s5 =	simm.s32 $_scs_section_size  }
0xa0: {  	s6 =	simm.s32 $_size__tile_overlayer_lowered;
	s7 =	simm.s32 $_tile_overlayer_lowered  }
0xa1: {  	s22 =	simm.s32 $0x1BFF;
	s21 =	sshll.u32 s7, $0x1;
	s4 =	sadd.s32 s5, s19  }
0xa2: {  	s8 =	simm.s32 $0x0;
	s20 =	sshll.u32 s6, $0x1;
	s6 =	sadd.s32 s21, s4  }
0xa3: {  	[timem:s8], [sflag:s22] =	dma.local [hbm:s6], s20  }
0xa4: {  	_ =	swait.ge [sflag:s22], s20  }
0xa5: {  	s5 =	ssub.s32 $0x0, s20;
	[sflag:s22] =	ssyncset.done $0x0  }
0xa6: {  	[sflag:s22] =	ssyncadd.s32 s5;
	_ =	sdelay $0x1  }
0xa7: {  	s23 =	simm.s32 $0x1B8B  }
0xa8: {  	_ =	swait.ge [sflag:s23], $0x1  }
0xa9: {  	[sflag:s23] =	ssyncset.done $0x0  }
0xaa: {  	s25 =	simm.s32 $0x1B8E;
	s24 =	sld [smem:$0x3FFE];
	[sflag:s23] =	ssyncadd.s32 $0xFFFFFFFF  }
0xab: {  	s26 =	simm.s32 $execute0_lowered;
	[smem:$0x3FD2] =	sst s25  }
0xac: {  	s6 =	sshll.u32 s26, $0x1;
	_ =	strace $0x80000049;
	[dreg:$0x1] =	wrdreg $0xFFFFFFFF  }
0xad: {  	s28 =	simm.s32 $_size_execute0_lowered;
	s4 =	sadd.s32 s4, s6;
	[dreg:$0x0] =	wrdreg $0x0  }
0xae: {  	s6 =	sshll.u32 s28, $0x1;
	[dreg:$0x2] =	wrdreg s4  }
0xaf: {  	[dreg:$0x3] =	wrdreg s6  }
0xb0: {  	[dreg:$0x4] =	wrdreg $0xC0  }
0xb1: {  	_ =	task [dreg:s8], $0x5FFFF  }
0xb2: {  	[dreg:$0x1] =	wrdreg $0xFFFFFFFF  }
0xb3: {  	[dreg:$0x0] =	wrdreg $0x60  }
0xb4: {  	[dreg:$0x2] =	wrdreg s24  }
0xb5: {  	[dreg:$0x3] =	wrdreg s16  }
0xb6: {  	[dreg:$0x4] =	wrdreg s17  }
0xb7: {  	[dreg:$0x5] =	wrdreg $0x0  }
0xb8: {  	[dreg:$0x6] =	wrdreg $0x9  }
0xb9: {  	_ =	task.clear_ibuf [dreg:s8], $0x7FFFF;
	_ =	strace $0x90000049  }
0xba: {  	s29 =	simm.s32 $0x9;
	_ =	strace $0x8000004B  }
0xbb: {  	_ =	swait.ge [sflag:s29], $0x1  }
0xbc: {  	[sflag:s29] =	ssyncadd.s32 $0xFFFFFFFF  }
0xbd: {  	_ =	strace $0x9000004B  }
0xbe: {  	_ =	sfence  }
0xbf: {  	s30 =	sld [smem:$0x0];
	_ =	sdelay $0x2  }
0xc0: {  	s31 =	sshll.u32 s1, $0xD;
	s1 =	sshrl.u32 s1, $0x2  }
0xc1: {  	s3 =	sand.u32 $0x4000, s31;
	s1 =	sadd.s32 s1, s30  }
0xc2: {  	s0 =	sor.u32 s3, s0;
	s1 =	sshll.u32 s1, $0x11  }
0xc3: {  	s0 =	sor.u32 s1, s0  }
0xc4: {  	s0 =	sadd.s32 $0x8F2B, s0  }
0xc5: {  	[sflag:s0] =	ssyncadd.remote.s32 $0x1  }
0xc6: {  	_ =	sfence.sel $0xFFFF  }
0xc7: {  	[dreg:$0x0] =	wrdreg $0xFFFFFFFF;
	(pc) =	sbr.abs _section_cstart, $3  }
0xc8: {  	[dreg:$0x1] =	wrdreg $0xFFFFFFFF  }
0xc9: {  	_ =	task.clear_ibuf [dreg:s8], $0x2FFFF;
	_ =	strace $0x9FFFFFFF  }
0xca: {  	(tm) =	ssettm $0x7FFFFFFF  }
0xcb: {  	_ =	shalt  }
tec
execute0_lowered:
.L_overlay_start_1:
0x0: {  	(tag) =	ssettag $0x1  }
0x1: {  	s0 =	rddreg [dreg:$0x0]  }
0x2: {  	s2 =	rddreg [dreg:$0x1]  }
0x3: {  	s3 =	rddreg [dreg:$0x2]  }
0x4: {  	s1 =	rddreg [dreg:$0x3]  }
0x5: {  	s4 =	srdreg.scid;
	s10 =	stileid.u32  }
0x6: {  	s4 =	sand.u32 $0x1, s4;
	s26 =	smul.u32 $0x14000, s10;
	s7 =	sshll.u32 s10, $0x1  }
0x7: {  	s6 =	simm.s32 $0x0;
	s10 =	smul.u32 $0x50000, s10;
	s7 =	sor.u32 s4, s7  }
0x8: {  	s28 =	simm.s32 $0x14000;
	[smem:$0x7FF] =	sst s6;
	s7 =	smul.u32 $0x4E2, s7  }
0x9: {  	s29 =	simm.s32 $0x18E20;
	_ =	strace $0x8000004A;
	s8 =	ssub.s32 $0x2, s4  }
0xa: {  	s9 =	sshrl.u32 s8, $0x1;
	s12 =	sshrl.u32 s10, $0x2;
	s2 =	sadd.s32 s2, s7  }
0xb: {  	s9 =	ssub.s32 s8, s9;
	s11 =	sadd.s32 s3, s7;
	[dreg:$0x5] =	wrdreg s2  }
0xc: {  	s8 =	sadd.s32 s12, s1;
	s14 =	smax.u32 s9, $0x1;
	[dreg:$0x6] =	wrdreg s11  }
0xd: {  	s30 =	simm.s32 $0xD;
	s15 =	sadd.s32 $0x1400, s8;
	[dreg:$0x8] =	wrdreg s14  }
0xe: {  	s31 =	simm.s32 $0xB;
	s16 =	sadd.s32 $0x2800, s8;
	[dreg:$0x9] =	wrdreg s15  }
0xf: {  	s6 =	simm.s32 $0x1B620;
	s17 =	sadd.s32 $0x3C00, s8;
	[dreg:$0xa] =	wrdreg s16  }
0x10: {  	s5 =	smul.u32 $0x140000, s4;
	s18 =	sadd.s32 $0x5000, s8;
	[dreg:$0xb] =	wrdreg s17  }
0x11: {  	s4 =	sadd.s32 $0x2400, s0;
	s19 =	sadd.s32 $0x6400, s8;
	[dreg:$0xc] =	wrdreg s18  }
0x12: {  	s13 =	sadd.s32 s26, s1;
	s20 =	sadd.s32 $0x7800, s8;
	[dreg:$0xd] =	wrdreg s19  }
0x13: {  	s10 =	simm.s32 $0x3;
	s21 =	sadd.s32 $0x8C00, s8;
	[dreg:$0xe] =	wrdreg s20  }
0x14: {  	s5 =	sadd.s32 s26, s5;
	s22 =	sadd.s32 $0xA000, s8;
	[dreg:$0xf] =	wrdreg s21  }
0x15: {  	s12 =	simm.s32 $0x4;
	s23 =	sadd.s32 $0xB400, s8;
	[dreg:$0x10] =	wrdreg s22  }
0x16: {  	s5 =	sshrl.u32 s5, $0x3;
	s24 =	sadd.s32 $0xC800, s8;
	[dreg:$0x11] =	wrdreg s23  }
0x17: {  	s25 =	sadd.s32 $0xDC00, s8;
	s26 =	sadd.s32 $0xF000, s8;
	[dreg:$0x12] =	wrdreg s24  }
0x18: {  	s3 =	simm.s32 $0x1A220;
	s7 =	simm.s32 $0x2;
	[dreg:$0x13] =	wrdreg s25  }
0x19: {  	s9 =	simm.s32 $0x1CA20;
	s0 =	sadd.s32 s5, s0;
	[dreg:$0x14] =	wrdreg s26  }
0x1a: {  	s22 =	sadd.s32 $0x10400, s8;
	s23 =	sadd.s32 $0x11800, s8;
	s24 =	sadd.s32 $0x12C00, s8  }
0x1b: {  	s25 =	sshrl.u32 s13, $0x3;
	s2 =	simm.s32 $0x28;
	s5 =	simm.s32 $0x1  }
0x1c: {  	s11 =	simm.s32 $0x1DE20;
	s13 =	simm.s32 $0x6;
	s14 =	simm.s32 $0x5  }
0x1d: {  	s15 =	simm.s32 $0x7;
	s16 =	simm.s32 $0x8;
	s17 =	simm.s32 $0x9  }
0x1e: {  	s18 =	simm.s32 $0xA;
	s19 =	simm.s32 $0x0;
	s0 =	sadd.s32 $0x2A400, s0  }
0x1f: {  	v0 =	vimm.f32 $0.0e+00;
	s21 =	simm.s32 $0x16710;
	[dreg:$0x7] =	wrdreg s0;
	s0 =	simm.s32 $0xC  }
.LBB2_1:
0x20: {  	s20 =	simm.s32 $0x0;
	s26 =	rddreg [dreg:$0x5]  }
0x21: {  	[tilespmem:s28], [sflag:$0xB] =	stream.linear.gather [hbm4b:s26+s20], $0x2710, $0x38;
	[tilespmem:$0x1F220] =	vst v63  }
0x22: {  	s26 =	rddreg [dreg:$0x6]  }
0x23: {  	[tilespmem:s21], [sflag:$0xC] =	stream.linear.gather [hbm4b:s26+s20], $0x2710, $0x38;
	[tilespmem:$0x1F220] =	vst v63  }
0x24: {  	s20 =	simm.s32 $0x70;
	s26 =	simm.s32 $0x3C0  }
.LBB2_2:
0x25: {  	p0 =	sne.s32 s26, $0x4FC0;
	[tilespmem:s20+$0x18E20] =	vst v0  }
0x26: {  	[tilespmem:s20+$0x18DB0] =	vst v0  }
0x27: {  	[tilespmem:s20+$0x18DC0] =	vst v0  }
.Ltmp0:
0x28: {  	[tilespmem:s20+$0x18DD0] =	vst v0;
	(pc) =	sbr.rel @p0 .LBB2_2-.Ltmp0, $4  }
0x29: {  	[tilespmem:s20+$0x18DE0] =	vst v0  }
0x2a: {  	[tilespmem:s20+$0x18DF0] =	vst v0  }
0x2b: {  	[tilespmem:s20+$0x18E00] =	vst v0  }
0x2c: {  	[tilespmem:s20+$0x18E10] =	vst v0;
	s20 =	sshra.s32 s26, $0x2;
	s26 =	sadd.s32 $0x200, s26  }
0x2d: {  	[tilespmem:s20+$0x18E20] =	vst v0  }
0x2e: {  	[tilespmem:s20+$0x18DB0] =	vst v0  }
0x2f: {  	[tilespmem:s20+$0x18DC0] =	vst v0  }
0x30: {  	[tilespmem:s20+$0x18DD0] =	vst v0  }
0x31: {  	[tilespmem:s20+$0x18DE0] =	vst v0  }
0x32: {  	[tilespmem:s20+$0x18DF0] =	vst v0  }
0x33: {  	[tilespmem:s20+$0x18E00] =	vst v0  }
0x34: {  	[tilespmem:s20+$0x18E10] =	vst v0  }
0x35: {  	[spmem:s8] =	stream.linear.scatter [tilespmem:s29], [sflag:$0xD], $0x1400, $0x38;
	[tilespmem:$0x1F220] =	vst v63  }
0x36: {  	_ =	swait.ge [sflag:s30], $0x1400  }
0x37: {  	[sflag:s30] =	ssyncset.done $0x0  }
0x38: {  	s26 =	rddreg [dreg:$0x9];
	[sflag:s30] =	ssyncadd.s32 $0xFFFFEC00  }
0x39: {  	[spmem:s26] =	stream.linear.scatter [tilespmem:s29], [sflag:$0xD], $0x1400, $0x38;
	[tilespmem:$0x1F220] =	vst v63  }
0x3a: {  	_ =	swait.ge [sflag:s30], $0x1400  }
0x3b: {  	[sflag:s30] =	ssyncset.done $0x0  }
0x3c: {  	s26 =	rddreg [dreg:$0xa];
	[sflag:s30] =	ssyncadd.s32 $0xFFFFEC00  }
0x3d: {  	[spmem:s26] =	stream.linear.scatter [tilespmem:s29], [sflag:$0xD], $0x1400, $0x38;
	[tilespmem:$0x1F220] =	vst v63  }
0x3e: {  	_ =	swait.ge [sflag:s30], $0x1400  }
0x3f: {  	[sflag:s30] =	ssyncset.done $0x0  }
0x40: {  	s26 =	rddreg [dreg:$0xb];
	[sflag:s30] =	ssyncadd.s32 $0xFFFFEC00  }
0x41: {  	[spmem:s26] =	stream.linear.scatter [tilespmem:s29], [sflag:$0xD], $0x1400, $0x38;
	[tilespmem:$0x1F220] =	vst v63  }
0x42: {  	_ =	swait.ge [sflag:s30], $0x1400  }
0x43: {  	[sflag:s30] =	ssyncset.done $0x0  }
0x44: {  	s26 =	rddreg [dreg:$0xc];
	[sflag:s30] =	ssyncadd.s32 $0xFFFFEC00  }
0x45: {  	[spmem:s26] =	stream.linear.scatter [tilespmem:s29], [sflag:$0xD], $0x1400, $0x38;
	[tilespmem:$0x1F220] =	vst v63  }
0x46: {  	_ =	swait.ge [sflag:s30], $0x1400  }
0x47: {  	[sflag:s30] =	ssyncset.done $0x0  }
0x48: {  	s26 =	rddreg [dreg:$0xd];
	[sflag:s30] =	ssyncadd.s32 $0xFFFFEC00  }
0x49: {  	[spmem:s26] =	stream.linear.scatter [tilespmem:s29], [sflag:$0xD], $0x1400, $0x38;
	[tilespmem:$0x1F220] =	vst v63  }
0x4a: {  	_ =	swait.ge [sflag:s30], $0x1400  }
0x4b: {  	[sflag:s30] =	ssyncset.done $0x0  }
0x4c: {  	s26 =	rddreg [dreg:$0xe];
	[sflag:s30] =	ssyncadd.s32 $0xFFFFEC00  }
0x4d: {  	[spmem:s26] =	stream.linear.scatter [tilespmem:s29], [sflag:$0xD], $0x1400, $0x38;
	[tilespmem:$0x1F220] =	vst v63  }
0x4e: {  	_ =	swait.ge [sflag:s30], $0x1400  }
0x4f: {  	[sflag:s30] =	ssyncset.done $0x0  }
0x50: {  	s26 =	rddreg [dreg:$0xf];
	[sflag:s30] =	ssyncadd.s32 $0xFFFFEC00  }
0x51: {  	[spmem:s26] =	stream.linear.scatter [tilespmem:s29], [sflag:$0xD], $0x1400, $0x38;
	[tilespmem:$0x1F220] =	vst v63  }
0x52: {  	_ =	swait.ge [sflag:s30], $0x1400  }
0x53: {  	[sflag:s30] =	ssyncset.done $0x0  }
0x54: {  	s26 =	rddreg [dreg:$0x10];
	[sflag:s30] =	ssyncadd.s32 $0xFFFFEC00  }
0x55: {  	[spmem:s26] =	stream.linear.scatter [tilespmem:s29], [sflag:$0xD], $0x1400, $0x38;
	[tilespmem:$0x1F220] =	vst v63  }
0x56: {  	_ =	swait.ge [sflag:s30], $0x1400  }
0x57: {  	[sflag:s30] =	ssyncset.done $0x0  }
0x58: {  	s26 =	rddreg [dreg:$0x11];
	[sflag:s30] =	ssyncadd.s32 $0xFFFFEC00  }
0x59: {  	[spmem:s26] =	stream.linear.scatter [tilespmem:s29], [sflag:$0xD], $0x1400, $0x38;
	[tilespmem:$0x1F220] =	vst v63  }
0x5a: {  	_ =	swait.ge [sflag:s30], $0x1400  }
0x5b: {  	[sflag:s30] =	ssyncset.done $0x0  }
0x5c: {  	s26 =	rddreg [dreg:$0x12];
	[sflag:s30] =	ssyncadd.s32 $0xFFFFEC00  }
0x5d: {  	[spmem:s26] =	stream.linear.scatter [tilespmem:s29], [sflag:$0xD], $0x1400, $0x38;
	[tilespmem:$0x1F220] =	vst v63  }
0x5e: {  	_ =	swait.ge [sflag:s30], $0x1400  }
0x5f: {  	[sflag:s30] =	ssyncset.done $0x0  }
0x60: {  	s26 =	rddreg [dreg:$0x13];
	[sflag:s30] =	ssyncadd.s32 $0xFFFFEC00  }
0x61: {  	[spmem:s26] =	stream.linear.scatter [tilespmem:s29], [sflag:$0xD], $0x1400, $0x38;
	[tilespmem:$0x1F220] =	vst v63  }
0x62: {  	_ =	swait.ge [sflag:s30], $0x1400  }
0x63: {  	[sflag:s30] =	ssyncset.done $0x0  }
0x64: {  	s26 =	rddreg [dreg:$0x14];
	[sflag:s30] =	ssyncadd.s32 $0xFFFFEC00  }
0x65: {  	[spmem:s26] =	stream.linear.scatter [tilespmem:s29], [sflag:$0xD], $0x1400, $0x38;
	[tilespmem:$0x1F220] =	vst v63  }
0x66: {  	_ =	swait.ge [sflag:s30], $0x1400  }
0x67: {  	[sflag:s30] =	ssyncset.done $0x0  }
0x68: {  	[sflag:s30] =	ssyncadd.s32 $0xFFFFEC00  }
0x69: {  	[spmem:s22] =	stream.linear.scatter [tilespmem:s29], [sflag:$0xD], $0x1400, $0x38;
	[tilespmem:$0x1F220] =	vst v63  }
0x6a: {  	_ =	swait.ge [sflag:s30], $0x1400  }
0x6b: {  	[sflag:s30] =	ssyncset.done $0x0  }
0x6c: {  	[sflag:s30] =	ssyncadd.s32 $0xFFFFEC00  }
0x6d: {  	[spmem:s23] =	stream.linear.scatter [tilespmem:s29], [sflag:$0xD], $0x1400, $0x38;
	[tilespmem:$0x1F220] =	vst v63  }
0x6e: {  	_ =	swait.ge [sflag:s30], $0x1400  }
0x6f: {  	[sflag:s30] =	ssyncset.done $0x0  }
0x70: {  	[sflag:s30] =	ssyncadd.s32 $0xFFFFEC00  }
0x71: {  	[spmem:s24] =	stream.linear.scatter [tilespmem:s29], [sflag:$0xD], $0x1400, $0x38;
	[tilespmem:$0x1F220] =	vst v63  }
0x72: {  	_ =	swait.ge [sflag:s30], $0x1400  }
0x73: {  	[sflag:s30] =	ssyncset.done $0x0  }
0x74: {  	[sflag:s30] =	ssyncadd.s32 $0xFFFFEC00  }
0x75: {  	_ =	swait.ge [sflag:s31], $0x2710  }
0x76: {  	[sflag:s31] =	ssyncset.done $0x0  }
0x77: {  	[sflag:s31] =	ssyncadd.s32 $0xFFFFD8F0  }
0x78: {  	_ =	swait.ge [sflag:s0], $0x2710  }
0x79: {  	[sflag:s0] =	ssyncset.done $0x0  }
0x7a: {  	[sflag:s0] =	ssyncadd.s32 $0xFFFFD8F0  }
0x7b: {  	[tilespmem:s29], [sflag:$0x1] =	stream.indirect.gather [hbm4b:s4+s2], $0x80, s28, s2, $0xb8;
	[tilespmem:$0x1F220] =	vst v63  }
0x7c: {  	s26 =	simm.s32 $0x14028  }
0x7d: {  	[tilespmem:s3], [sflag:$0x2] =	stream.indirect.gather [hbm4b:s4+s2], $0x80, s26, s2, $0xb8;
	[tilespmem:$0x1F220] =	vst v63  }
0x7e: {  	[bflag:$0x0] =	sbarrier.arrive $0xFFFF  }
0x7f: {  	_ =	swait.ge [sflag:s5], $0x1400  }
0x80: {  	[sflag:s5] =	ssyncset.done $0x0  }
0x81: {  	s28 =	simm.s32 $0x16710;
	[sflag:s5] =	ssyncadd.s32 $0xFFFFEC00  }
0x82: {  	[spmem:s1] =	stream.indirect.scatter.add.f32 [tilespmem:s29], [sflag:$0x6], $0x80, s28, s2, $0xb8;
	[tilespmem:$0x1F220] =	vst v63  }
0x83: {  	s26 =	simm.s32 $0x14050  }
0x84: {  	[tilespmem:s6], [sflag:$0x3] =	stream.indirect.gather [hbm4b:s4+s2], $0x80, s26, s2, $0xb8;
	[tilespmem:$0x1F220] =	vst v63  }
0x85: {  	_ =	swait.ge [sflag:s7], $0x1400  }
0x86: {  	[sflag:s7] =	ssyncset.done $0x0  }
0x87: {  	s28 =	simm.s32 $0x16738;
	[sflag:s7] =	ssyncadd.s32 $0xFFFFEC00  }
0x88: {  	[spmem:s1] =	stream.indirect.scatter.add.f32 [tilespmem:s3], [sflag:$0x7], $0x80, s28, s2, $0xb8;
	[tilespmem:$0x1F220] =	vst v63  }
0x89: {  	s26 =	simm.s32 $0x14078  }
0x8a: {  	[tilespmem:s9], [sflag:$0x4] =	stream.indirect.gather [hbm4b:s4+s2], $0x80, s26, s2, $0xb8;
	[tilespmem:$0x1F220] =	vst v63  }
0x8b: {  	_ =	swait.ge [sflag:s10], $0x1400  }
0x8c: {  	[sflag:s10] =	ssyncset.done $0x0  }
0x8d: {  	s28 =	simm.s32 $0x16760;
	[sflag:s10] =	ssyncadd.s32 $0xFFFFEC00  }
0x8e: {  	[spmem:s1] =	stream.indirect.scatter.add.f32 [tilespmem:s6], [sflag:$0x8], $0x80, s28, s2, $0xb8;
	[tilespmem:$0x1F220] =	vst v63  }
0x8f: {  	s26 =	simm.s32 $0x140A0  }
0x90: {  	[tilespmem:s11], [sflag:$0x5] =	stream.indirect.gather [hbm4b:s4+s2], $0x80, s26, s2, $0xb8;
	[tilespmem:$0x1F220] =	vst v63  }
0x91: {  	_ =	swait.ge [sflag:s12], $0x1400  }
0x92: {  	[sflag:s12] =	ssyncset.done $0x0  }
0x93: {  	s28 =	simm.s32 $0x16788;
	[sflag:s12] =	ssyncadd.s32 $0xFFFFEC00  }
0x94: {  	[spmem:s1] =	stream.indirect.scatter.add.f32 [tilespmem:s9], [sflag:$0x9], $0x80, s28, s2, $0xb8;
	[tilespmem:$0x1F220] =	vst v63  }
0x95: {  	_ =	swait.ge [sflag:s13], $0x1400  }
0x96: {  	[sflag:s13] =	ssyncset.done $0x0  }
0x97: {  	s26 =	simm.s32 $0x140C8;
	[sflag:s13] =	ssyncadd.s32 $0xFFFFEC00  }
0x98: {  	[tilespmem:s29], [sflag:$0x1] =	stream.indirect.gather [hbm4b:s4+s2], $0x80, s26, s2, $0xb8;
	[tilespmem:$0x1F220] =	vst v63  }
0x99: {  	_ =	swait.ge [sflag:s14], $0x1400  }
0x9a: {  	[sflag:s14] =	ssyncset.done $0x0  }
0x9b: {  	s28 =	simm.s32 $0x167B0;
	[sflag:s14] =	ssyncadd.s32 $0xFFFFEC00  }
0x9c: {  	[spmem:s1] =	stream.indirect.scatter.add.f32 [tilespmem:s11], [sflag:$0xA], $0x80, s28, s2, $0xb8;
	[tilespmem:$0x1F220] =	vst v63  }
0x9d: {  	_ =	swait.ge [sflag:s15], $0x1400  }
0x9e: {  	[sflag:s15] =	ssyncset.done $0x0  }
0x9f: {  	s26 =	simm.s32 $0x140F0;
	[sflag:s15] =	ssyncadd.s32 $0xFFFFEC00  }
0xa0: {  	[tilespmem:s3], [sflag:$0x2] =	stream.indirect.gather [hbm4b:s4+s2], $0x80, s26, s2, $0xb8;
	[tilespmem:$0x1F220] =	vst v63  }
0xa1: {  	_ =	swait.ge [sflag:s5], $0x1400  }
0xa2: {  	[sflag:s5] =	ssyncset.done $0x0  }
0xa3: {  	s28 =	simm.s32 $0x167D8;
	[sflag:s5] =	ssyncadd.s32 $0xFFFFEC00  }
0xa4: {  	[spmem:s1] =	stream.indirect.scatter.add.f32 [tilespmem:s29], [sflag:$0x6], $0x80, s28, s2, $0xb8;
	[tilespmem:$0x1F220] =	vst v63  }
0xa5: {  	_ =	swait.ge [sflag:s16], $0x1400  }
0xa6: {  	[sflag:s16] =	ssyncset.done $0x0  }
0xa7: {  	s26 =	simm.s32 $0x14118;
	[sflag:s16] =	ssyncadd.s32 $0xFFFFEC00  }
0xa8: {  	[tilespmem:s6], [sflag:$0x3] =	stream.indirect.gather [hbm4b:s4+s2], $0x80, s26, s2, $0xb8;
	[tilespmem:$0x1F220] =	vst v63  }
0xa9: {  	_ =	swait.ge [sflag:s7], $0x1400  }
0xaa: {  	[sflag:s7] =	ssyncset.done $0x0  }
0xab: {  	s28 =	simm.s32 $0x16800;
	[sflag:s7] =	ssyncadd.s32 $0xFFFFEC00  }
0xac: {  	[spmem:s1] =	stream.indirect.scatter.add.f32 [tilespmem:s3], [sflag:$0x7], $0x80, s28, s2, $0xb8;
	[tilespmem:$0x1F220] =	vst v63  }
0xad: {  	_ =	swait.ge [sflag:s17], $0x1400  }
0xae: {  	[sflag:s17] =	ssyncset.done $0x0  }
0xaf: {  	s26 =	simm.s32 $0x14140;
	[sflag:s17] =	ssyncadd.s32 $0xFFFFEC00  }
0xb0: {  	[tilespmem:s9], [sflag:$0x4] =	stream.indirect.gather [hbm4b:s4+s2], $0x80, s26, s2, $0xb8;
	[tilespmem:$0x1F220] =	vst v63  }
0xb1: {  	_ =	swait.ge [sflag:s10], $0x1400  }
0xb2: {  	[sflag:s10] =	ssyncset.done $0x0  }
0xb3: {  	s28 =	simm.s32 $0x16828;
	[sflag:s10] =	ssyncadd.s32 $0xFFFFEC00  }
0xb4: {  	[spmem:s1] =	stream.indirect.scatter.add.f32 [tilespmem:s6], [sflag:$0x8], $0x80, s28, s2, $0xb8;
	[tilespmem:$0x1F220] =	vst v63  }
0xb5: {  	_ =	swait.ge [sflag:s18], $0x1400  }
0xb6: {  	[sflag:s18] =	ssyncset.done $0x0  }
0xb7: {  	s26 =	simm.s32 $0x14168;
	[sflag:s18] =	ssyncadd.s32 $0xFFFFEC00  }
0xb8: {  	[tilespmem:s11], [sflag:$0x5] =	stream.indirect.gather [hbm4b:s4+s2], $0x80, s26, s2, $0xb8;
	[tilespmem:$0x1F220] =	vst v63  }
0xb9: {  	_ =	swait.ge [sflag:s12], $0x1400  }
0xba: {  	[sflag:s12] =	ssyncset.done $0x0  }
0xbb: {  	s28 =	simm.s32 $0x16850;
	[sflag:s12] =	ssyncadd.s32 $0xFFFFEC00  }
0xbc: {  	[spmem:s1] =	stream.indirect.scatter.add.f32 [tilespmem:s9], [sflag:$0x9], $0x80, s28, s2, $0xb8;
	[tilespmem:$0x1F220] =	vst v63  }
0xbd: {  	_ =	swait.ge [sflag:s13], $0x1400  }
0xbe: {  	[sflag:s13] =	ssyncset.done $0x0  }
0xbf: {  	s26 =	simm.s32 $0x14190;
	[sflag:s13] =	ssyncadd.s32 $0xFFFFEC00  }
0xc0: {  	[tilespmem:s29], [sflag:$0x1] =	stream.indirect.gather [hbm4b:s4+s2], $0x80, s26, s2, $0xb8;
	[tilespmem:$0x1F220] =	vst v63  }
0xc1: {  	_ =	swait.ge [sflag:s14], $0x1400  }
0xc2: {  	[sflag:s14] =	ssyncset.done $0x0  }
0xc3: {  	s28 =	simm.s32 $0x16878;
	[sflag:s14] =	ssyncadd.s32 $0xFFFFEC00  }
0xc4: {  	[spmem:s1] =	stream.indirect.scatter.add.f32 [tilespmem:s11], [sflag:$0xA], $0x80, s28, s2, $0xb8;
	[tilespmem:$0x1F220] =	vst v63  }
0xc5: {  	_ =	swait.ge [sflag:s15], $0x1400  }
0xc6: {  	[sflag:s15] =	ssyncset.done $0x0  }
0xc7: {  	s20 =	simm.s32 $0x141B8;
	s26 =	simm.s32 $0x320;
	[sflag:s15] =	ssyncadd.s32 $0xFFFFEC00  }
.LBB2_4:
0xc8: {  	[tilespmem:s3], [sflag:$0x2] =	stream.indirect.gather [hbm4b:s4+s2], $0x80, s20, s2, $0xb8;
	[tilespmem:$0x1F220] =	vst v63  }
0xc9: {  	s20 =	smov.u32 s26  }
0xca: {  	p0 =	sne.s32 s26, $0x92E0;
	s26 =	sadd.s32 $0x320, s26;
	_ =	swait.ge [sflag:s5], $0x1400  }
0xcb: {  	s20 =	sshra.s32 s20, $0x2;
	[sflag:s5] =	ssyncset.done $0x0  }
0xcc: {  	s28 =	sadd.s32 $0x167D8, s20;
	[sflag:s5] =	ssyncadd.s32 $0xFFFFEC00  }
0xcd: {  	[spmem:s1] =	stream.indirect.scatter.add.f32 [tilespmem:s29], [sflag:$0x6], $0x80, s28, s2, $0xb8;
	[tilespmem:$0x1F220] =	vst v63  }
0xce: {  	_ =	swait.ge [sflag:s16], $0x1400  }
0xcf: {  	[sflag:s16] =	ssyncset.done $0x0  }
0xd0: {  	s28 =	sadd.s32 $0x14118, s20;
	[sflag:s16] =	ssyncadd.s32 $0xFFFFEC00  }
0xd1: {  	[tilespmem:s6], [sflag:$0x3] =	stream.indirect.gather [hbm4b:s4+s2], $0x80, s28, s2, $0xb8;
	[tilespmem:$0x1F220] =	vst v63  }
0xd2: {  	_ =	swait.ge [sflag:s7], $0x1400  }
0xd3: {  	[sflag:s7] =	ssyncset.done $0x0  }
0xd4: {  	s28 =	sadd.s32 $0x16800, s20;
	[sflag:s7] =	ssyncadd.s32 $0xFFFFEC00  }
0xd5: {  	[spmem:s1] =	stream.indirect.scatter.add.f32 [tilespmem:s3], [sflag:$0x7], $0x80, s28, s2, $0xb8;
	[tilespmem:$0x1F220] =	vst v63  }
0xd6: {  	_ =	swait.ge [sflag:s17], $0x1400  }
0xd7: {  	[sflag:s17] =	ssyncset.done $0x0  }
0xd8: {  	s28 =	sadd.s32 $0x14140, s20;
	[sflag:s17] =	ssyncadd.s32 $0xFFFFEC00  }
0xd9: {  	[tilespmem:s9], [sflag:$0x4] =	stream.indirect.gather [hbm4b:s4+s2], $0x80, s28, s2, $0xb8;
	[tilespmem:$0x1F220] =	vst v63  }
0xda: {  	_ =	swait.ge [sflag:s10], $0x1400  }
0xdb: {  	[sflag:s10] =	ssyncset.done $0x0  }
0xdc: {  	s28 =	sadd.s32 $0x16828, s20;
	[sflag:s10] =	ssyncadd.s32 $0xFFFFEC00  }
0xdd: {  	[spmem:s1] =	stream.indirect.scatter.add.f32 [tilespmem:s6], [sflag:$0x8], $0x80, s28, s2, $0xb8;
	[tilespmem:$0x1F220] =	vst v63  }
0xde: {  	_ =	swait.ge [sflag:s18], $0x1400  }
0xdf: {  	[sflag:s18] =	ssyncset.done $0x0  }
0xe0: {  	s28 =	sadd.s32 $0x14168, s20;
	[sflag:s18] =	ssyncadd.s32 $0xFFFFEC00  }
0xe1: {  	[tilespmem:s11], [sflag:$0x5] =	stream.indirect.gather [hbm4b:s4+s2], $0x80, s28, s2, $0xb8;
	[tilespmem:$0x1F220] =	vst v63  }
0xe2: {  	_ =	swait.ge [sflag:s12], $0x1400  }
0xe3: {  	[sflag:s12] =	ssyncset.done $0x0  }
0xe4: {  	s28 =	sadd.s32 $0x16850, s20;
	[sflag:s12] =	ssyncadd.s32 $0xFFFFEC00  }
0xe5: {  	[spmem:s1] =	stream.indirect.scatter.add.f32 [tilespmem:s9], [sflag:$0x9], $0x80, s28, s2, $0xb8;
	[tilespmem:$0x1F220] =	vst v63  }
0xe6: {  	_ =	swait.ge [sflag:s13], $0x1400  }
0xe7: {  	[sflag:s13] =	ssyncset.done $0x0  }
0xe8: {  	s28 =	sadd.s32 $0x14190, s20;
	[sflag:s13] =	ssyncadd.s32 $0xFFFFEC00  }
0xe9: {  	[tilespmem:s29], [sflag:$0x1] =	stream.indirect.gather [hbm4b:s4+s2], $0x80, s28, s2, $0xb8;
	[tilespmem:$0x1F220] =	vst v63  }
0xea: {  	_ =	swait.ge [sflag:s14], $0x1400  }
0xeb: {  	[sflag:s14] =	ssyncset.done $0x0  }
.Ltmp1:
0xec: {  	s28 =	sadd.s32 $0x16878, s20;
	[sflag:s14] =	ssyncadd.s32 $0xFFFFEC00;
	(pc) =	sbr.rel @p0 .LBB2_4-.Ltmp1, $4  }
0xed: {  	[spmem:s1] =	stream.indirect.scatter.add.f32 [tilespmem:s11], [sflag:$0xA], $0x80, s28, s2, $0xb8;
	[tilespmem:$0x1F220] =	vst v63  }
0xee: {  	_ =	swait.ge [sflag:s15], $0x1400  }
0xef: {  	[sflag:s15] =	ssyncset.done $0x0  }
0xf0: {  	s20 =	sadd.s32 $0x141B8, s20;
	[sflag:s15] =	ssyncadd.s32 $0xFFFFEC00  }
0xf1: {  	[tilespmem:s3], [sflag:$0x2] =	stream.indirect.gather [hbm4b:s4+s2], $0x80, s20, s2, $0xb8;
	[tilespmem:$0x1F220] =	vst v63  }
0xf2: {  	_ =	swait.ge [sflag:s5], $0x1400  }
0xf3: {  	[sflag:s5] =	ssyncset.done $0x0  }
0xf4: {  	s26 =	simm.s32 $0x18D58;
	[sflag:s5] =	ssyncadd.s32 $0xFFFFEC00  }
0xf5: {  	[spmem:s1] =	stream.indirect.scatter.add.f32 [tilespmem:s29], [sflag:$0x6], $0x80, s26, s2, $0xb8;
	[tilespmem:$0x1F220] =	vst v63  }
0xf6: {  	_ =	swait.ge [sflag:s16], $0x1400  }
0xf7: {  	[sflag:s16] =	ssyncset.done $0x0  }
0xf8: {  	s26 =	simm.s32 $0x16698;
	[sflag:s16] =	ssyncadd.s32 $0xFFFFEC00  }
0xf9: {  	[tilespmem:s6], [sflag:$0x3] =	stream.indirect.gather [hbm4b:s4+s2], $0x80, s26, s2, $0xb8;
	[tilespmem:$0x1F220] =	vst v63  }
0xfa: {  	_ =	swait.ge [sflag:s7], $0x1400  }
0xfb: {  	[sflag:s7] =	ssyncset.done $0x0  }
0xfc: {  	s26 =	simm.s32 $0x18D80;
	[sflag:s7] =	ssyncadd.s32 $0xFFFFEC00  }
0xfd: {  	[spmem:s1] =	stream.indirect.scatter.add.f32 [tilespmem:s3], [sflag:$0x7], $0x80, s26, s2, $0xb8;
	[tilespmem:$0x1F220] =	vst v63  }
0xfe: {  	_ =	swait.ge [sflag:s17], $0x1400  }
0xff: {  	[sflag:s17] =	ssyncset.done $0x0  }
0x100: {  	s26 =	simm.s32 $0x166C0;
	[sflag:s17] =	ssyncadd.s32 $0xFFFFEC00  }
0x101: {  	[tilespmem:s9], [sflag:$0x4] =	stream.indirect.gather [hbm4b:s4+s2], $0x80, s26, s2, $0xb8;
	[tilespmem:$0x1F220] =	vst v63  }
0x102: {  	_ =	swait.ge [sflag:s10], $0x1400  }
0x103: {  	[sflag:s10] =	ssyncset.done $0x0  }
0x104: {  	s26 =	simm.s32 $0x18DA8;
	[sflag:s10] =	ssyncadd.s32 $0xFFFFEC00  }
0x105: {  	[spmem:s1] =	stream.indirect.scatter.add.f32 [tilespmem:s6], [sflag:$0x8], $0x80, s26, s2, $0xb8;
	[tilespmem:$0x1F220] =	vst v63  }
0x106: {  	_ =	swait.ge [sflag:s18], $0x1400  }
0x107: {  	[sflag:s18] =	ssyncset.done $0x0  }
0x108: {  	s26 =	simm.s32 $0x166E8;
	[sflag:s18] =	ssyncadd.s32 $0xFFFFEC00  }
0x109: {  	[tilespmem:s11], [sflag:$0x5] =	stream.indirect.gather [hbm4b:s4+s2], $0x80, s26, s2, $0xb8;
	[tilespmem:$0x1F220] =	vst v63  }
0x10a: {  	_ =	swait.ge [sflag:s12], $0x1400  }
0x10b: {  	[sflag:s12] =	ssyncset.done $0x0  }
0x10c: {  	s26 =	simm.s32 $0x18DD0;
	[sflag:s12] =	ssyncadd.s32 $0xFFFFEC00  }
0x10d: {  	[spmem:s1] =	stream.indirect.scatter.add.f32 [tilespmem:s9], [sflag:$0x9], $0x80, s26, s2, $0xb8;
	[tilespmem:$0x1F220] =	vst v63  }
0x10e: {  	_ =	swait.ge [sflag:s13], $0x1400  }
0x10f: {  	[sflag:s13] =	ssyncset.done $0x0  }
0x110: {  	[sflag:s13] =	ssyncadd.s32 $0xFFFFEC00  }
0x111: {  	_ =	swait.ge [sflag:s14], $0x1400  }
0x112: {  	[sflag:s14] =	ssyncset.done $0x0  }
0x113: {  	s26 =	simm.s32 $0x18DF8;
	[sflag:s14] =	ssyncadd.s32 $0xFFFFEC00  }
0x114: {  	[spmem:s1] =	stream.indirect.scatter.add.f32 [tilespmem:s11], [sflag:$0xA], $0x80, s26, s2, $0xb8;
	[tilespmem:$0x1F220] =	vst v63  }
0x115: {  	_ =	swait.ge [sflag:s15], $0x1400  }
0x116: {  	[sflag:s15] =	ssyncset.done $0x0  }
0x117: {  	[sflag:s15] =	ssyncadd.s32 $0xFFFFEC00  }
0x118: {  	_ =	swait.ge [sflag:s16], $0x1400  }
0x119: {  	[sflag:s16] =	ssyncset.done $0x0  }
0x11a: {  	[sflag:s16] =	ssyncadd.s32 $0xFFFFEC00  }
0x11b: {  	_ =	swait.ge [sflag:s17], $0x1400  }
0x11c: {  	[sflag:s17] =	ssyncset.done $0x0  }
0x11d: {  	[sflag:s17] =	ssyncadd.s32 $0xFFFFEC00  }
0x11e: {  	_ =	swait.ge [sflag:s18], $0x1400  }
0x11f: {  	[sflag:s18] =	ssyncset.done $0x0  }
0x120: {  	s26 =	stileid.u32;
	[sflag:s18] =	ssyncadd.s32 $0xFFFFEC00  }
0x121: {  	s20 =	sshll.u32 s26, $0x6;
	[bflag:$0x0] =	sbarrier.arrive $0xFFFF  }
0x122: {  	s20 =	sor.u32 $0x1C0D, s20;
	s26 =	rddreg [dreg:$0x7]  }
0x123: {  	[hbm:s26], [sflag:s20] =	dma.local [spmem:s25], $0x2800  }
0x124: {  	_ =	swait.ge [sflag:s30], $0x2800  }
0x125: {  	s19 =	sadd.s32 $0x1, s19;
	s26 =	rddreg [dreg:$0x8]  }
0x126: {  	p0 =	sne.s32 s19, s26  }
.Ltmp2:
0x127: {  	_ = 	snop;
	(pc) =	sbr.rel @p0 .LBB2_1-.Ltmp2, $3  }
0x128: {  	_ =	sdelay $0x1  }
0x129: {  	[sflag:s30] =	ssyncset.done $0x0  }
0x12a: {  	s28 =	simm.s32 $0x14000;
	[sflag:s30] =	ssyncadd.s32 $0xFFFFD800  }
0x12b: {  	_ =	sfence.sel $0x180000  }
0x12c: {  	[bflag:$0x0] =	sbarrier.arrive $0xFFFF  }
0x12d: {  	_ =	strace $0x9000004A  }
0x12e: {  	s0 =	stileid.u32;
	[bflag:$0x2] =	sbarrier.arrive $0xFFFF  }
0x12f: {  	p0 =	sne.s32 s0, $0x0;
	s0 =	rddreg [dreg:$0x4]  }
0x130: {  	s0 =	sadd.s32 @!p0 $0x100000, s0  }
0x131: {  	[sflag:s0] =	ssyncadd.tile.s32 @!p0 $0x1;
	_ =	shalt  }
.Lfunc_end2:
_tile_overlayer_lowered:
.L_overlay_start_2:
0x132: {  	(tag) =	ssettag $0x2  }
0x133: {  	s0 =	rddreg [dreg:$0x0];
	s2 =	stileid.u32  }
0x134: {  	s1 =	rddreg [dreg:$0x1];
	p0 =	sne.s32 s2, $0x0  }
0x135: {  	s3 =	rddreg [dreg:$0x2];
	[bflag:$0x3] =	sbarrier.arrive $0xFFFF;
	s2 =	simm.s32 @!p0 $0x1C0D  }
0x136: {  	[timem:s3], [sflag:s2] =	dma.local @!p0 [hbm:s0], s1  }
0x137: {  	s0 =	simm.s32 @!p0 $0xD  }
0x138: {  	_ =	swait.ge @!p0 [sflag:s0], s1  }
0x139: {  	s1 =	ssub.s32 @!p0 $0x0, s1;
	[sflag:s0] =	ssyncset.done @!p0 $0x0  }
0x13a: {  	[sflag:s0] =	ssyncadd.s32 @!p0 s1  }
0x13b: {  	[bflag:$0x3] =	sbarrier.arrive $0xFFFF  }
0x13c: {  	_ =	shalt  }

// kernel: kernel.14.cloned.1.call-start
scs
__scs_entry_jumppad:
0x0: {  	(pc) =	sbr.rel $0x88, $3  }
0x1: {  	(tag) =	ssettag $0x0;
	lr =	simm.s32 $0x1  }
0x2: {  	[smem:$0x3F97] =	sst lr;
	_ =	strace $0xD0000000  }
0x3: {  	_ = 	snop  }
0x4: {  	_ = 	snop  }
0x5: {  	_ = 	snop  }
0x6: {  	_ = 	snop  }
0x7: {  	_ = 	snop  }
__scs_overlays_trampoline_lowered:
0x8: {  	[smem:$0x3FA6] =	sst s0  }
0x9: {  	[smem:$0x3FA7] =	sst s1  }
0xa: {  	[smem:$0x3FA8] =	sst s2  }
0xb: {  	[smem:$0x3FA9] =	sst s3  }
0xc: {  	[smem:$0x3FAA] =	sst s4  }
0xd: {  	[smem:$0x3FAB] =	sst s5  }
0xe: {  	[smem:$0x3FAC] =	sst s6  }
0xf: {  	[smem:$0x3FAD] =	sst s7  }
0x10: {  	[smem:$0x3FAE] =	sst s8  }
0x11: {  	[smem:$0x3FAF] =	sst s9;
	s0 =	simm.s32 @!p0 $0x0  }
0x12: {  	s1 =	sld [smem:$0x3F95];
	s0 =	simm.s32 @p0 $0x1  }
0x13: {  	[smem:$0x3FB0] =	sst s0;
	s0 =	simm.s32 @!p1 $0x0  }
0x14: {  	s2 =	sld [smem:$0x3F94];
	s0 =	simm.s32 @p1 $0x1  }
0x15: {  	[smem:$0x3FB1] =	sst s0;
	s0 =	simm.s32 @!p2 $0x0  }
0x16: {  	s3 =	sld [smem:$0x3FDB];
	s0 =	simm.s32 @p2 $0x1  }
0x17: {  	s4 =	simm.s32 $0x1BF5;
	[smem:$0x3FB3] =	sst s0  }
0x18: {  	s0 =	sld [smem:$0x3F96];
	_ =	swait.ge [sflag:s4], $0x0  }
0x19: {  	s7 =	sld [smem:$0x3F97]  }
0x1a: {  	s8 =	sadd.s32 $0xFFFFE003, lr  }
0x1b: {  	s9 =	sadd.s32 $0xFFFFFEF7, lr;
	s5 =	simm.s32 $0xFFFFFFFF;
	p2 =	slt.u32 s8, $0xFFFFF086  }
0x1c: {  	p1 =	slt.u32 s9, $0xF7A;
	s5 =	simm.s32 @!p2 $0x0  }
0x1d: {  	s5 =	simm.s32 @p1 $0x1;
	p0 =	seq.s32 s7, s2  }
0x1e: {  	s7 =	smul.u32 @!p0 $0xF7A, s2;
	p2 =	seq.s32 @!p0 s5, $0x0  }
0x1f: {  	s9 =	smul.u32 $0xF7A, s1;
	s8 =	simm.s32 @!p0 $0x1BF5;
	p2 =	por !p2, p0  }
0x20: {  	[sflag:s8] =	ssyncset.s32 @!p0 $0xFFFFF086;
	s6 =	sadd.s32 @!p0 s3, s7;
	s7 =	simm.s32 @!p0 $0x108  }
0x21: {  	s3 =	sadd.s32 s3, s9;
	s6 =	sadd.s32 @!p0 $0x88, s6;
	s7 =	simm.s32 @p2 $0x1082  }
0x22: {  	[simem:s7], [sflag:s8] =	dma.local @!p0 [hbm:s6], $0xF7A  }
0x23: {  	s9 =	sor.u32 $0xD0000000, s2;
	s6 =	simm.s32 $0x108;
	_ =	swait.ge @!p0 [sflag:s8], $0x0  }
0x24: {  	s3 =	sadd.s32 $0x88, s3;
	s6 =	simm.s32 @!p1 $0x1082;
	[sflag:s4] =	ssyncset.s32 $0xFFFFF086  }
0x25: {  	[simem:s6], [sflag:s4] =	dma.local [hbm:s3], $0xF7A  }
0x26: {  	[smem:$0x3F97] =	sst s1;
	(tag) =	ssettag s2;
	_ =	strace s9  }
0x27: {  	s1 =	sld [smem:$0x3FA7]  }
0x28: {  	s2 =	sld [smem:$0x3FA8]  }
0x29: {  	s4 =	sld [smem:$0x3FAA]  }
0x2a: {  	p0 =	seq.s32 s5, $0x0;
	s5 =	sld [smem:$0x3FAB]  }
0x2b: {  	s6 =	sld [smem:$0x3FAC]  }
0x2c: {  	s7 =	sld [smem:$0x3FAD]  }
0x2d: {  	s3 =	simm.s32 $0x108;
	s8 =	sld [smem:$0x3FAE]  }
0x2e: {  	s3 =	simm.s32 @!p0 $0x1082;
	s9 =	sld [smem:$0x3FAF]  }
0x2f: {  	lr =	sadd.s32 s0, s3;
	s0 =	sld [smem:$0x3FA6]  }
0x30: {  	s3 =	sld [smem:$0x3FA9]  }
0x31: {  	[smem:$0x3FB2] =	sst s10  }
0x32: {  	s10 =	sld [smem:$0x3FB0];
	_ =	sdelay $0x3  }
0x33: {  	p0 =	seq.s32 s10, $0x1;
	s10 =	sld [smem:$0x3FB2];
	_ =	sdelay $0x3  }
0x34: {  	[smem:$0x3FB2] =	sst s10  }
0x35: {  	s10 =	sld [smem:$0x3FB1];
	_ =	sdelay $0x3  }
0x36: {  	p1 =	seq.s32 s10, $0x1;
	s10 =	sld [smem:$0x3FB2];
	_ =	sdelay $0x3  }
0x37: {  	[smem:$0x3FB2] =	sst s10  }
0x38: {  	s10 =	sld [smem:$0x3FB3]  }
0x39: {  	_ = 	snop;
	(pc) =	sbr.ind lr, $3  }
0x3a: {  	_ = 	snop  }
0x3b: {  	_ = 	snop  }
0x3c: {  	p2 =	seq.s32 s10, $0x1;
	s10 =	sld [smem:$0x3FB2]  }
0x3d: {  	_ =	shalt  }
0x3e: {  	_ =	shalt  }
0x3f: {  	_ =	shalt  }
0x40: {  	_ =	shalt  }
0x41: {  	_ =	shalt  }
0x42: {  	_ =	shalt  }
0x43: {  	_ =	shalt  }
0x44: {  	_ =	shalt  }
0x45: {  	_ =	shalt  }
0x46: {  	_ =	shalt  }
0x47: {  	_ =	shalt  }
0x48: {  	_ =	shalt  }
0x49: {  	_ =	shalt  }
0x4a: {  	_ =	shalt  }
0x4b: {  	_ =	shalt  }
0x4c: {  	_ =	shalt  }
0x4d: {  	_ =	shalt  }
0x4e: {  	_ =	shalt  }
0x4f: {  	_ =	shalt  }
0x50: {  	_ =	shalt  }
0x51: {  	_ =	shalt  }
0x52: {  	_ =	shalt  }
0x53: {  	_ =	shalt  }
0x54: {  	_ =	shalt  }
0x55: {  	_ =	shalt  }
0x56: {  	_ =	shalt  }
0x57: {  	_ =	shalt  }
0x58: {  	_ =	shalt  }
0x59: {  	_ =	shalt  }
0x5a: {  	_ =	shalt  }
0x5b: {  	_ =	shalt  }
0x5c: {  	_ =	shalt  }
0x5d: {  	_ =	shalt  }
0x5e: {  	_ =	shalt  }
0x5f: {  	_ =	shalt  }
0x60: {  	_ =	shalt  }
0x61: {  	_ =	shalt  }
0x62: {  	_ =	shalt  }
0x63: {  	_ =	shalt  }
0x64: {  	_ =	shalt  }
0x65: {  	_ =	shalt  }
0x66: {  	_ =	shalt  }
0x67: {  	_ =	shalt  }
0x68: {  	_ =	shalt  }
0x69: {  	_ =	shalt  }
0x6a: {  	_ =	shalt  }
0x6b: {  	_ =	shalt  }
0x6c: {  	_ =	shalt  }
0x6d: {  	_ =	shalt  }
0x6e: {  	_ =	shalt  }
0x6f: {  	_ =	shalt  }
0x70: {  	_ =	shalt  }
0x71: {  	_ =	shalt  }
0x72: {  	_ =	shalt  }
0x73: {  	_ =	shalt  }
0x74: {  	_ =	shalt  }
0x75: {  	_ =	shalt  }
0x76: {  	_ =	shalt  }
0x77: {  	_ =	shalt  }
0x78: {  	_ =	shalt  }
0x79: {  	_ =	shalt  }
0x7a: {  	_ =	shalt  }
0x7b: {  	_ =	shalt  }
0x7c: {  	_ =	shalt  }
0x7d: {  	_ =	shalt  }
0x7e: {  	_ =	shalt  }
0x7f: {  	_ =	shalt  }
0x80: {  	_ =	shalt  }
0x81: {  	_ =	shalt  }
0x82: {  	_ =	shalt  }
0x83: {  	_ =	shalt  }
0x84: {  	_ =	shalt  }
0x85: {  	_ =	shalt  }
0x86: {  	_ =	shalt  }
0x87: {  	_ =	shalt  }
.Lfunc_end0:
.L_simem_size_0:
called_computation.2_lowered:
.L_overlay_start_0:
0x88: {  	s2 =	sld [smem:$0x3FD9]  }
0x89: {  	s3 =	sld [smem:$0x3FFE];
	_ =	sdelay $0x1  }
0x8a: {  	s1 =	srdreg.scid  }
0x8b: {  	s0 =	sand.u32 $0x1, s1  }
0x8c: {  	s14 =	sshll.u32 s0, $0xA;
	s2 =	sadd.s32 s3, s2  }
0x8d: {  	s2 =	sadd.s32 s2, s14  }
0x8e: {  	[smem:$0x3FBE] =	sst s2  }
0x8f: {  	_ = 	snop  }
0x90: {  	s2 =	sld [smem:$0x3FD0];
	_ =	sdelay $0x2  }
0x91: {  	s15 =	simm.s32 $0xA;
	s4 =	simm.s32 $0x10  }
0x92: {  	[smem:s4], [sflag:s15] =	dma.local [hbm:s2], $0x1  }
0x93: {  	_ =	swait.eq [sflag:s15], $0x1  }
0x94: {  	[sflag:s15] =	ssyncset.done $0x0  }
0x95: {  	s16 =	sld [smem:$0x10];
	[sflag:s15] =	ssyncadd.s32 $0xFFFFFFFF  }
0x96: {  	s17 =	sld [smem:$0x11];
	(tm) =	ssettm $0x1  }
0x97: {  	s18 =	sld [smem:$0x3FFB];
	_ =	sdelay $0x3  }
0x98: {  	_ =	strace s18  }
0x99: {  	s4 =	sld [smem:$0x3FFC];
	_ =	sdelay $0x3  }
0x9a: {  	_ =	strace s4  }
0x9b: {  	s4 =	sld [smem:$0x3FFD];
	_ =	sdelay $0x3  }
0x9c: {  	_ =	strace s4  }
0x9d: {  	_ =	strace $0x8FFFFFFF  }
0x9e: {  	s19 =	sld [smem:$0x3FDB];
	_ =	sdelay $0x1  }
0x9f: {  	s5 =	simm.s32 $_scs_section_size  }
0xa0: {  	s6 =	simm.s32 $_size__tile_overlayer_lowered;
	s7 =	simm.s32 $_tile_overlayer_lowered  }
0xa1: {  	s22 =	simm.s32 $0x1BFF;
	s21 =	sshll.u32 s7, $0x1;
	s4 =	sadd.s32 s5, s19  }
0xa2: {  	s8 =	simm.s32 $0x0;
	s20 =	sshll.u32 s6, $0x1;
	s6 =	sadd.s32 s21, s4  }
0xa3: {  	[timem:s8], [sflag:s22] =	dma.local [hbm:s6], s20  }
0xa4: {  	_ =	swait.ge [sflag:s22], s20  }
0xa5: {  	s5 =	ssub.s32 $0x0, s20;
	[sflag:s22] =	ssyncset.done $0x0  }
0xa6: {  	[sflag:s22] =	ssyncadd.s32 s5;
	_ =	sdelay $0x1  }
0xa7: {  	s23 =	simm.s32 $0x1B8B  }
0xa8: {  	_ =	swait.ge [sflag:s23], $0x1  }
0xa9: {  	[sflag:s23] =	ssyncset.done $0x0  }
0xaa: {  	s25 =	simm.s32 $0x1B8E;
	s24 =	sld [smem:$0x3FFE];
	[sflag:s23] =	ssyncadd.s32 $0xFFFFFFFF  }
0xab: {  	s26 =	simm.s32 $execute0_lowered;
	[smem:$0x3FD2] =	sst s25  }
0xac: {  	s6 =	sshll.u32 s26, $0x1;
	_ =	strace $0x8000004C;
	[dreg:$0x1] =	wrdreg $0xFFFFFFFF  }
0xad: {  	s28 =	simm.s32 $_size_execute0_lowered;
	s4 =	sadd.s32 s4, s6;
	[dreg:$0x0] =	wrdreg $0x0  }
0xae: {  	s6 =	sshll.u32 s28, $0x1;
	[dreg:$0x2] =	wrdreg s4  }
0xaf: {  	[dreg:$0x3] =	wrdreg s6  }
0xb0: {  	[dreg:$0x4] =	wrdreg $0xC0  }
0xb1: {  	_ =	task [dreg:s8], $0x5FFFF  }
0xb2: {  	[dreg:$0x1] =	wrdreg $0xFFFFFFFF  }
0xb3: {  	[dreg:$0x0] =	wrdreg $0x60  }
0xb4: {  	[dreg:$0x2] =	wrdreg s24  }
0xb5: {  	[dreg:$0x3] =	wrdreg s16  }
0xb6: {  	[dreg:$0x4] =	wrdreg s17  }
0xb7: {  	[dreg:$0x5] =	wrdreg $0x0  }
0xb8: {  	[dreg:$0x6] =	wrdreg $0x9  }
0xb9: {  	_ =	task.clear_ibuf [dreg:s8], $0x7FFFF;
	_ =	strace $0x9000004C  }
0xba: {  	s29 =	simm.s32 $0x9;
	_ =	strace $0x8000004E  }
0xbb: {  	_ =	swait.ge [sflag:s29], $0x1  }
0xbc: {  	[sflag:s29] =	ssyncadd.s32 $0xFFFFFFFF  }
0xbd: {  	_ =	strace $0x9000004E  }
0xbe: {  	_ =	sfence  }
0xbf: {  	s30 =	sld [smem:$0x0];
	_ =	sdelay $0x2  }
0xc0: {  	s31 =	sshll.u32 s1, $0xD;
	s1 =	sshrl.u32 s1, $0x2  }
0xc1: {  	s3 =	sand.u32 $0x4000, s31;
	s1 =	sadd.s32 s1, s30  }
0xc2: {  	s0 =	sor.u32 s3, s0;
	s1 =	sshll.u32 s1, $0x11  }
0xc3: {  	s0 =	sor.u32 s1, s0  }
0xc4: {  	s0 =	sadd.s32 $0x8F2B, s0  }
0xc5: {  	[sflag:s0] =	ssyncadd.remote.s32 $0x1  }
0xc6: {  	_ =	sfence.sel $0xFFFF  }
0xc7: {  	[dreg:$0x0] =	wrdreg $0xFFFFFFFF;
	(pc) =	sbr.abs _section_cstart, $3  }
0xc8: {  	[dreg:$0x1] =	wrdreg $0xFFFFFFFF  }
0xc9: {  	_ =	task.clear_ibuf [dreg:s8], $0x2FFFF;
	_ =	strace $0x9FFFFFFF  }
0xca: {  	(tm) =	ssettm $0x7FFFFFFF  }
0xcb: {  	_ =	shalt  }
tec
execute0_lowered:
.L_overlay_start_1:
0x0: {  	(tag) =	ssettag $0x1  }
0x1: {  	s0 =	rddreg [dreg:$0x0]  }
0x2: {  	s2 =	rddreg [dreg:$0x1]  }
0x3: {  	s3 =	rddreg [dreg:$0x2]  }
0x4: {  	s1 =	rddreg [dreg:$0x3];
	s4 =	srdreg.scid  }
0x5: {  	s15 =	simm.s32 $0x0;
	s10 =	stileid.u32;
	s19 =	simm.s32 $0xEE20  }
0x6: {  	s20 =	simm.s32 $0xD;
	s21 =	simm.s32 $0xB;
	s22 =	simm.s32 $0xC  }
0x7: {  	s23 =	simm.s32 $0x50;
	s28 =	simm.s32 $0x1;
	s30 =	simm.s32 $0x11620  }
0x8: {  	s31 =	simm.s32 $0x2;
	s29 =	simm.s32 $0x3;
	s11 =	simm.s32 $0x0  }
0x9: {  	s5 =	sand.u32 $0x1, s4;
	[smem:$0x7FF] =	sst s15;
	s7 =	smul.u32 $0xA000, s10  }
0xa: {  	s8 =	sshll.u32 s10, $0x1;
	s4 =	sadd.s32 $0x2400, s0;
	s10 =	smul.u32 $0x28000, s10  }
0xb: {  	s6 =	smul.u32 $0xA0000, s5;
	s8 =	sor.u32 s5, s8;
	s5 =	ssub.s32 $0x2, s5  }
0xc: {  	_ =	strace $0x8000004D;
	s8 =	smul.u32 $0x4E2, s8;
	s9 =	sshrl.u32 s5, $0x1  }
0xd: {  	s17 =	sshrl.u32 s10, $0x2;
	s18 =	sadd.s32 s7, s1;
	s10 =	simm.s32 $0xA  }
0xe: {  	s6 =	sadd.s32 s7, s6;
	s5 =	ssub.s32 s5, s9;
	s9 =	sadd.s32 s17, s1  }
0xf: {  	s7 =	simm.s32 $0x8;
	s6 =	sshrl.u32 s6, $0x3;
	s2 =	sadd.s32 s2, s8  }
0x10: {  	s16 =	sadd.s32 s3, s8;
	s24 =	smax.u32 s5, $0x1;
	s25 =	sadd.s32 $0x2800, s9  }
0x11: {  	s26 =	sadd.s32 $0x3C00, s9;
	s13 =	sadd.s32 $0x5000, s9;
	[dreg:$0x5] =	wrdreg s2  }
0x12: {  	s14 =	sadd.s32 $0x6400, s9;
	s15 =	sadd.s32 $0x7800, s9;
	[dreg:$0x6] =	wrdreg s16  }
0x13: {  	s3 =	simm.s32 $0x6;
	s5 =	simm.s32 $0x5;
	[dreg:$0x8] =	wrdreg s24  }
0x14: {  	s8 =	simm.s32 $0x9;
	s0 =	sadd.s32 s6, s0;
	[dreg:$0xa] =	wrdreg s25  }
0x15: {  	[dreg:$0xb] =	wrdreg s26;
	s16 =	sadd.s32 $0x8C00, s9;
	s25 =	sshrl.u32 s18, $0x3  }
0x16: {  	s26 =	simm.s32 $0x10220;
	s2 =	simm.s32 $0x12A20;
	s0 =	sadd.s32 $0x16400, s0  }
0x17: {  	s24 =	simm.s32 $0x4;
	[dreg:$0x7] =	wrdreg s0;
	s0 =	sadd.s32 $0x1400, s9  }
0x18: {  	v0 =	vimm.f32 $0.0e+00;
	s6 =	simm.s32 $0x7;
	[dreg:$0x9] =	wrdreg s0;
	s0 =	simm.s32 $0x13E20  }
.LBB2_1:
0x19: {  	s12 =	simm.s32 $0x0;
	s17 =	rddreg [dreg:$0x5];
	s18 =	simm.s32 $0xA000  }
0x1a: {  	[tilespmem:s18], [sflag:$0xB] =	stream.linear.gather [hbm4b:s17+s12], $0x2710, $0x38;
	[tilespmem:$0x15220] =	vst v63  }
0x1b: {  	s17 =	rddreg [dreg:$0x6];
	s18 =	simm.s32 $0xC710  }
0x1c: {  	[tilespmem:s18], [sflag:$0xC] =	stream.linear.gather [hbm4b:s17+s12], $0x2710, $0x38;
	[tilespmem:$0x15220] =	vst v63  }
0x1d: {  	s17 =	simm.s32 $0x100;
	s12 =	simm.s32 $0x0  }
.LBB2_2:
0x1e: {  	p0 =	sne.s32 s17, $0x4F00;
	[tilespmem:s12+$0xEE50] =	vst v0;
	s18 =	smov.u32 s17;
	s17 =	sadd.s32 $0x100, s17  }
.Ltmp0:
0x1f: {  	[tilespmem:s12+$0xEE40] =	vst v0;
	(pc) =	sbr.rel @p0 .LBB2_2-.Ltmp0, $3  }
0x20: {  	[tilespmem:s12+$0xEE20] =	vst v0  }
0x21: {  	[tilespmem:s12+$0xEE30] =	vst v0;
	_ =	sdelay $0x1  }
0x22: {  	s12 =	sshra.s32 s18, $0x2  }
0x23: {  	[tilespmem:s12+$0xEE50] =	vst v0  }
0x24: {  	[tilespmem:s12+$0xEE40] =	vst v0  }
0x25: {  	[tilespmem:s12+$0xEE20] =	vst v0  }
0x26: {  	[tilespmem:s12+$0xEE30] =	vst v0  }
0x27: {  	[spmem:s9] =	stream.linear.scatter [tilespmem:s19], [sflag:$0xD], $0x1400, $0x38;
	[tilespmem:$0x15220] =	vst v63  }
0x28: {  	_ =	swait.ge [sflag:s20], $0x1400  }
0x29: {  	[sflag:s20] =	ssyncset.done $0x0  }
0x2a: {  	s17 =	rddreg [dreg:$0x9];
	[sflag:s20] =	ssyncadd.s32 $0xFFFFEC00  }
0x2b: {  	[spmem:s17] =	stream.linear.scatter [tilespmem:s19], [sflag:$0xD], $0x1400, $0x38;
	[tilespmem:$0x15220] =	vst v63  }
0x2c: {  	_ =	swait.ge [sflag:s20], $0x1400  }
0x2d: {  	[sflag:s20] =	ssyncset.done $0x0  }
0x2e: {  	s18 =	rddreg [dreg:$0xa];
	[sflag:s20] =	ssyncadd.s32 $0xFFFFEC00  }
0x2f: {  	[spmem:s18] =	stream.linear.scatter [tilespmem:s19], [sflag:$0xD], $0x1400, $0x38;
	[tilespmem:$0x15220] =	vst v63  }
0x30: {  	_ =	swait.ge [sflag:s20], $0x1400  }
0x31: {  	[sflag:s20] =	ssyncset.done $0x0  }
0x32: {  	s17 =	rddreg [dreg:$0xb];
	[sflag:s20] =	ssyncadd.s32 $0xFFFFEC00  }
0x33: {  	[spmem:s17] =	stream.linear.scatter [tilespmem:s19], [sflag:$0xD], $0x1400, $0x38;
	[tilespmem:$0x15220] =	vst v63  }
0x34: {  	_ =	swait.ge [sflag:s20], $0x1400  }
0x35: {  	[sflag:s20] =	ssyncset.done $0x0  }
0x36: {  	[sflag:s20] =	ssyncadd.s32 $0xFFFFEC00  }
0x37: {  	[spmem:s13] =	stream.linear.scatter [tilespmem:s19], [sflag:$0xD], $0x1400, $0x38;
	[tilespmem:$0x15220] =	vst v63  }
0x38: {  	_ =	swait.ge [sflag:s20], $0x1400  }
0x39: {  	[sflag:s20] =	ssyncset.done $0x0  }
0x3a: {  	[sflag:s20] =	ssyncadd.s32 $0xFFFFEC00  }
0x3b: {  	[spmem:s14] =	stream.linear.scatter [tilespmem:s19], [sflag:$0xD], $0x1400, $0x38;
	[tilespmem:$0x15220] =	vst v63  }
0x3c: {  	_ =	swait.ge [sflag:s20], $0x1400  }
0x3d: {  	[sflag:s20] =	ssyncset.done $0x0  }
0x3e: {  	[sflag:s20] =	ssyncadd.s32 $0xFFFFEC00  }
0x3f: {  	[spmem:s15] =	stream.linear.scatter [tilespmem:s19], [sflag:$0xD], $0x1400, $0x38;
	[tilespmem:$0x15220] =	vst v63  }
0x40: {  	_ =	swait.ge [sflag:s20], $0x1400  }
0x41: {  	[sflag:s20] =	ssyncset.done $0x0  }
0x42: {  	[sflag:s20] =	ssyncadd.s32 $0xFFFFEC00  }
0x43: {  	[spmem:s16] =	stream.linear.scatter [tilespmem:s19], [sflag:$0xD], $0x1400, $0x38;
	[tilespmem:$0x15220] =	vst v63  }
0x44: {  	_ =	swait.ge [sflag:s20], $0x1400  }
0x45: {  	[sflag:s20] =	ssyncset.done $0x0  }
0x46: {  	[sflag:s20] =	ssyncadd.s32 $0xFFFFEC00  }
0x47: {  	_ =	swait.ge [sflag:s21], $0x2710  }
0x48: {  	[sflag:s21] =	ssyncset.done $0x0  }
0x49: {  	[sflag:s21] =	ssyncadd.s32 $0xFFFFD8F0  }
0x4a: {  	_ =	swait.ge [sflag:s22], $0x2710  }
0x4b: {  	[sflag:s22] =	ssyncset.done $0x0  }
0x4c: {  	s18 =	simm.s32 $0xA000;
	[sflag:s22] =	ssyncadd.s32 $0xFFFFD8F0  }
0x4d: {  	[tilespmem:s19], [sflag:$0x1] =	stream.indirect.gather [hbm4b:s4+s23], $0x40, s18, s23, $0xb8;
	[tilespmem:$0x15220] =	vst v63  }
0x4e: {  	s17 =	simm.s32 $0xA050  }
0x4f: {  	[tilespmem:s26], [sflag:$0x2] =	stream.indirect.gather [hbm4b:s4+s23], $0x40, s17, s23, $0xb8;
	[tilespmem:$0x15220] =	vst v63  }
0x50: {  	[bflag:$0x0] =	sbarrier.arrive $0xFFFF  }
0x51: {  	_ =	swait.ge [sflag:s28], $0x1400  }
0x52: {  	[sflag:s28] =	ssyncset.done $0x0  }
0x53: {  	s18 =	simm.s32 $0xC710;
	[sflag:s28] =	ssyncadd.s32 $0xFFFFEC00  }
0x54: {  	[spmem:s1] =	stream.indirect.scatter.add.f32 [tilespmem:s19], [sflag:$0x6], $0x40, s18, s23, $0xb8;
	[tilespmem:$0x15220] =	vst v63  }
0x55: {  	s17 =	simm.s32 $0xA0A0  }
0x56: {  	[tilespmem:s30], [sflag:$0x3] =	stream.indirect.gather [hbm4b:s4+s23], $0x40, s17, s23, $0xb8;
	[tilespmem:$0x15220] =	vst v63  }
0x57: {  	_ =	swait.ge [sflag:s31], $0x1400  }
0x58: {  	[sflag:s31] =	ssyncset.done $0x0  }
0x59: {  	s18 =	simm.s32 $0xC760;
	[sflag:s31] =	ssyncadd.s32 $0xFFFFEC00  }
0x5a: {  	[spmem:s1] =	stream.indirect.scatter.add.f32 [tilespmem:s26], [sflag:$0x7], $0x40, s18, s23, $0xb8;
	[tilespmem:$0x15220] =	vst v63  }
0x5b: {  	s17 =	simm.s32 $0xA0F0  }
0x5c: {  	[tilespmem:s2], [sflag:$0x4] =	stream.indirect.gather [hbm4b:s4+s23], $0x40, s17, s23, $0xb8;
	[tilespmem:$0x15220] =	vst v63  }
0x5d: {  	_ =	swait.ge [sflag:s29], $0x1400  }
0x5e: {  	[sflag:s29] =	ssyncset.done $0x0  }
0x5f: {  	s18 =	simm.s32 $0xC7B0;
	[sflag:s29] =	ssyncadd.s32 $0xFFFFEC00  }
0x60: {  	[spmem:s1] =	stream.indirect.scatter.add.f32 [tilespmem:s30], [sflag:$0x8], $0x40, s18, s23, $0xb8;
	[tilespmem:$0x15220] =	vst v63  }
0x61: {  	s17 =	simm.s32 $0xA140  }
0x62: {  	[tilespmem:s0], [sflag:$0x5] =	stream.indirect.gather [hbm4b:s4+s23], $0x40, s17, s23, $0xb8;
	[tilespmem:$0x15220] =	vst v63  }
0x63: {  	_ =	swait.ge [sflag:s24], $0x1400  }
0x64: {  	[sflag:s24] =	ssyncset.done $0x0  }
0x65: {  	s18 =	simm.s32 $0xC800;
	[sflag:s24] =	ssyncadd.s32 $0xFFFFEC00  }
0x66: {  	[spmem:s1] =	stream.indirect.scatter.add.f32 [tilespmem:s2], [sflag:$0x9], $0x40, s18, s23, $0xb8;
	[tilespmem:$0x15220] =	vst v63  }
0x67: {  	_ =	swait.ge [sflag:s3], $0x1400  }
0x68: {  	[sflag:s3] =	ssyncset.done $0x0  }
0x69: {  	s17 =	simm.s32 $0xA190;
	[sflag:s3] =	ssyncadd.s32 $0xFFFFEC00  }
0x6a: {  	[tilespmem:s19], [sflag:$0x1] =	stream.indirect.gather [hbm4b:s4+s23], $0x40, s17, s23, $0xb8;
	[tilespmem:$0x15220] =	vst v63  }
0x6b: {  	_ =	swait.ge [sflag:s5], $0x1400  }
0x6c: {  	[sflag:s5] =	ssyncset.done $0x0  }
0x6d: {  	s18 =	simm.s32 $0xC850;
	[sflag:s5] =	ssyncadd.s32 $0xFFFFEC00  }
0x6e: {  	[spmem:s1] =	stream.indirect.scatter.add.f32 [tilespmem:s0], [sflag:$0xA], $0x40, s18, s23, $0xb8;
	[tilespmem:$0x15220] =	vst v63  }
0x6f: {  	_ =	swait.ge [sflag:s6], $0x1400  }
0x70: {  	[sflag:s6] =	ssyncset.done $0x0  }
0x71: {  	s17 =	simm.s32 $0xA1E0;
	[sflag:s6] =	ssyncadd.s32 $0xFFFFEC00  }
0x72: {  	[tilespmem:s26], [sflag:$0x2] =	stream.indirect.gather [hbm4b:s4+s23], $0x40, s17, s23, $0xb8;
	[tilespmem:$0x15220] =	vst v63  }
0x73: {  	_ =	swait.ge [sflag:s28], $0x1400  }
0x74: {  	[sflag:s28] =	ssyncset.done $0x0  }
0x75: {  	s18 =	simm.s32 $0xC8A0;
	[sflag:s28] =	ssyncadd.s32 $0xFFFFEC00  }
0x76: {  	[spmem:s1] =	stream.indirect.scatter.add.f32 [tilespmem:s19], [sflag:$0x6], $0x40, s18, s23, $0xb8;
	[tilespmem:$0x15220] =	vst v63  }
0x77: {  	_ =	swait.ge [sflag:s7], $0x1400  }
0x78: {  	[sflag:s7] =	ssyncset.done $0x0  }
0x79: {  	s17 =	simm.s32 $0xA230;
	[sflag:s7] =	ssyncadd.s32 $0xFFFFEC00  }
0x7a: {  	[tilespmem:s30], [sflag:$0x3] =	stream.indirect.gather [hbm4b:s4+s23], $0x40, s17, s23, $0xb8;
	[tilespmem:$0x15220] =	vst v63  }
0x7b: {  	_ =	swait.ge [sflag:s31], $0x1400  }
0x7c: {  	[sflag:s31] =	ssyncset.done $0x0  }
0x7d: {  	s18 =	simm.s32 $0xC8F0;
	[sflag:s31] =	ssyncadd.s32 $0xFFFFEC00  }
0x7e: {  	[spmem:s1] =	stream.indirect.scatter.add.f32 [tilespmem:s26], [sflag:$0x7], $0x40, s18, s23, $0xb8;
	[tilespmem:$0x15220] =	vst v63  }
0x7f: {  	_ =	swait.ge [sflag:s8], $0x1400  }
0x80: {  	[sflag:s8] =	ssyncset.done $0x0  }
0x81: {  	s17 =	simm.s32 $0xA280;
	[sflag:s8] =	ssyncadd.s32 $0xFFFFEC00  }
0x82: {  	[tilespmem:s2], [sflag:$0x4] =	stream.indirect.gather [hbm4b:s4+s23], $0x40, s17, s23, $0xb8;
	[tilespmem:$0x15220] =	vst v63  }
0x83: {  	_ =	swait.ge [sflag:s29], $0x1400  }
0x84: {  	[sflag:s29] =	ssyncset.done $0x0  }
0x85: {  	s18 =	simm.s32 $0xC940;
	[sflag:s29] =	ssyncadd.s32 $0xFFFFEC00  }
0x86: {  	[spmem:s1] =	stream.indirect.scatter.add.f32 [tilespmem:s30], [sflag:$0x8], $0x40, s18, s23, $0xb8;
	[tilespmem:$0x15220] =	vst v63  }
0x87: {  	_ =	swait.ge [sflag:s10], $0x1400  }
0x88: {  	[sflag:s10] =	ssyncset.done $0x0  }
0x89: {  	s17 =	simm.s32 $0xA2D0;
	[sflag:s10] =	ssyncadd.s32 $0xFFFFEC00  }
0x8a: {  	[tilespmem:s0], [sflag:$0x5] =	stream.indirect.gather [hbm4b:s4+s23], $0x40, s17, s23, $0xb8;
	[tilespmem:$0x15220] =	vst v63  }
0x8b: {  	_ =	swait.ge [sflag:s24], $0x1400  }
0x8c: {  	[sflag:s24] =	ssyncset.done $0x0  }
0x8d: {  	s18 =	simm.s32 $0xC990;
	[sflag:s24] =	ssyncadd.s32 $0xFFFFEC00  }
0x8e: {  	[spmem:s1] =	stream.indirect.scatter.add.f32 [tilespmem:s2], [sflag:$0x9], $0x40, s18, s23, $0xb8;
	[tilespmem:$0x15220] =	vst v63  }
0x8f: {  	_ =	swait.ge [sflag:s3], $0x1400  }
0x90: {  	[sflag:s3] =	ssyncset.done $0x0  }
0x91: {  	s17 =	simm.s32 $0xA320;
	[sflag:s3] =	ssyncadd.s32 $0xFFFFEC00  }
0x92: {  	[tilespmem:s19], [sflag:$0x1] =	stream.indirect.gather [hbm4b:s4+s23], $0x40, s17, s23, $0xb8;
	[tilespmem:$0x15220] =	vst v63  }
0x93: {  	_ =	swait.ge [sflag:s5], $0x1400  }
0x94: {  	[sflag:s5] =	ssyncset.done $0x0  }
0x95: {  	s18 =	simm.s32 $0xC9E0;
	[sflag:s5] =	ssyncadd.s32 $0xFFFFEC00  }
0x96: {  	[spmem:s1] =	stream.indirect.scatter.add.f32 [tilespmem:s0], [sflag:$0xA], $0x40, s18, s23, $0xb8;
	[tilespmem:$0x15220] =	vst v63  }
0x97: {  	_ =	swait.ge [sflag:s6], $0x1400  }
0x98: {  	[sflag:s6] =	ssyncset.done $0x0  }
0x99: {  	s12 =	simm.s32 $0xA370;
	s17 =	simm.s32 $0x640;
	[sflag:s6] =	ssyncadd.s32 $0xFFFFEC00  }
.LBB2_4:
0x9a: {  	[tilespmem:s26], [sflag:$0x2] =	stream.indirect.gather [hbm4b:s4+s23], $0x40, s12, s23, $0xb8;
	[tilespmem:$0x15220] =	vst v63  }
0x9b: {  	s12 =	smov.u32 s17  }
0x9c: {  	p0 =	sne.s32 s17, $0x8980;
	s17 =	sadd.s32 $0x640, s17;
	_ =	swait.ge [sflag:s28], $0x1400  }
0x9d: {  	s12 =	sshra.s32 s12, $0x2;
	[sflag:s28] =	ssyncset.done $0x0  }
0x9e: {  	s18 =	sadd.s32 $0xC8A0, s12;
	[sflag:s28] =	ssyncadd.s32 $0xFFFFEC00  }
0x9f: {  	[spmem:s1] =	stream.indirect.scatter.add.f32 [tilespmem:s19], [sflag:$0x6], $0x40, s18, s23, $0xb8;
	[tilespmem:$0x15220] =	vst v63  }
0xa0: {  	_ =	swait.ge [sflag:s7], $0x1400  }
0xa1: {  	[sflag:s7] =	ssyncset.done $0x0  }
0xa2: {  	s18 =	sadd.s32 $0xA230, s12;
	[sflag:s7] =	ssyncadd.s32 $0xFFFFEC00  }
0xa3: {  	[tilespmem:s30], [sflag:$0x3] =	stream.indirect.gather [hbm4b:s4+s23], $0x40, s18, s23, $0xb8;
	[tilespmem:$0x15220] =	vst v63  }
0xa4: {  	_ =	swait.ge [sflag:s31], $0x1400  }
0xa5: {  	[sflag:s31] =	ssyncset.done $0x0  }
0xa6: {  	s18 =	sadd.s32 $0xC8F0, s12;
	[sflag:s31] =	ssyncadd.s32 $0xFFFFEC00  }
0xa7: {  	[spmem:s1] =	stream.indirect.scatter.add.f32 [tilespmem:s26], [sflag:$0x7], $0x40, s18, s23, $0xb8;
	[tilespmem:$0x15220] =	vst v63  }
0xa8: {  	_ =	swait.ge [sflag:s8], $0x1400  }
0xa9: {  	[sflag:s8] =	ssyncset.done $0x0  }
0xaa: {  	s18 =	sadd.s32 $0xA280, s12;
	[sflag:s8] =	ssyncadd.s32 $0xFFFFEC00  }
0xab: {  	[tilespmem:s2], [sflag:$0x4] =	stream.indirect.gather [hbm4b:s4+s23], $0x40, s18, s23, $0xb8;
	[tilespmem:$0x15220] =	vst v63  }
0xac: {  	_ =	swait.ge [sflag:s29], $0x1400  }
0xad: {  	[sflag:s29] =	ssyncset.done $0x0  }
0xae: {  	s18 =	sadd.s32 $0xC940, s12;
	[sflag:s29] =	ssyncadd.s32 $0xFFFFEC00  }
0xaf: {  	[spmem:s1] =	stream.indirect.scatter.add.f32 [tilespmem:s30], [sflag:$0x8], $0x40, s18, s23, $0xb8;
	[tilespmem:$0x15220] =	vst v63  }
0xb0: {  	_ =	swait.ge [sflag:s10], $0x1400  }
0xb1: {  	[sflag:s10] =	ssyncset.done $0x0  }
0xb2: {  	s18 =	sadd.s32 $0xA2D0, s12;
	[sflag:s10] =	ssyncadd.s32 $0xFFFFEC00  }
0xb3: {  	[tilespmem:s0], [sflag:$0x5] =	stream.indirect.gather [hbm4b:s4+s23], $0x40, s18, s23, $0xb8;
	[tilespmem:$0x15220] =	vst v63  }
0xb4: {  	_ =	swait.ge [sflag:s24], $0x1400  }
0xb5: {  	[sflag:s24] =	ssyncset.done $0x0  }
0xb6: {  	s18 =	sadd.s32 $0xC990, s12;
	[sflag:s24] =	ssyncadd.s32 $0xFFFFEC00  }
0xb7: {  	[spmem:s1] =	stream.indirect.scatter.add.f32 [tilespmem:s2], [sflag:$0x9], $0x40, s18, s23, $0xb8;
	[tilespmem:$0x15220] =	vst v63  }
0xb8: {  	_ =	swait.ge [sflag:s3], $0x1400  }
0xb9: {  	[sflag:s3] =	ssyncset.done $0x0  }
0xba: {  	s18 =	sadd.s32 $0xA320, s12;
	[sflag:s3] =	ssyncadd.s32 $0xFFFFEC00  }
0xbb: {  	[tilespmem:s19], [sflag:$0x1] =	stream.indirect.gather [hbm4b:s4+s23], $0x40, s18, s23, $0xb8;
	[tilespmem:$0x15220] =	vst v63  }
0xbc: {  	_ =	swait.ge [sflag:s5], $0x1400  }
0xbd: {  	[sflag:s5] =	ssyncset.done $0x0  }
.Ltmp1:
0xbe: {  	s18 =	sadd.s32 $0xC9E0, s12;
	[sflag:s5] =	ssyncadd.s32 $0xFFFFEC00;
	(pc) =	sbr.rel @p0 .LBB2_4-.Ltmp1, $4  }
0xbf: {  	[spmem:s1] =	stream.indirect.scatter.add.f32 [tilespmem:s0], [sflag:$0xA], $0x40, s18, s23, $0xb8;
	[tilespmem:$0x15220] =	vst v63  }
0xc0: {  	_ =	swait.ge [sflag:s6], $0x1400  }
0xc1: {  	[sflag:s6] =	ssyncset.done $0x0  }
0xc2: {  	s12 =	sadd.s32 $0xA370, s12;
	[sflag:s6] =	ssyncadd.s32 $0xFFFFEC00  }
0xc3: {  	[tilespmem:s26], [sflag:$0x2] =	stream.indirect.gather [hbm4b:s4+s23], $0x40, s12, s23, $0xb8;
	[tilespmem:$0x15220] =	vst v63  }
0xc4: {  	_ =	swait.ge [sflag:s28], $0x1400  }
0xc5: {  	[sflag:s28] =	ssyncset.done $0x0  }
0xc6: {  	s17 =	simm.s32 $0xEC90;
	[sflag:s28] =	ssyncadd.s32 $0xFFFFEC00  }
0xc7: {  	[spmem:s1] =	stream.indirect.scatter.add.f32 [tilespmem:s19], [sflag:$0x6], $0x40, s17, s23, $0xb8;
	[tilespmem:$0x15220] =	vst v63  }
0xc8: {  	_ =	swait.ge [sflag:s7], $0x1400  }
0xc9: {  	[sflag:s7] =	ssyncset.done $0x0  }
0xca: {  	s18 =	simm.s32 $0xC620;
	[sflag:s7] =	ssyncadd.s32 $0xFFFFEC00  }
0xcb: {  	[tilespmem:s30], [sflag:$0x3] =	stream.indirect.gather [hbm4b:s4+s23], $0x40, s18, s23, $0xb8;
	[tilespmem:$0x15220] =	vst v63  }
0xcc: {  	_ =	swait.ge [sflag:s31], $0x1400  }
0xcd: {  	[sflag:s31] =	ssyncset.done $0x0  }
0xce: {  	s17 =	simm.s32 $0xECE0;
	[sflag:s31] =	ssyncadd.s32 $0xFFFFEC00  }
0xcf: {  	[spmem:s1] =	stream.indirect.scatter.add.f32 [tilespmem:s26], [sflag:$0x7], $0x40, s17, s23, $0xb8;
	[tilespmem:$0x15220] =	vst v63  }
0xd0: {  	_ =	swait.ge [sflag:s8], $0x1400  }
0xd1: {  	[sflag:s8] =	ssyncset.done $0x0  }
0xd2: {  	s18 =	simm.s32 $0xC670;
	[sflag:s8] =	ssyncadd.s32 $0xFFFFEC00  }
0xd3: {  	[tilespmem:s2], [sflag:$0x4] =	stream.indirect.gather [hbm4b:s4+s23], $0x40, s18, s23, $0xb8;
	[tilespmem:$0x15220] =	vst v63  }
0xd4: {  	_ =	swait.ge [sflag:s29], $0x1400  }
0xd5: {  	[sflag:s29] =	ssyncset.done $0x0  }
0xd6: {  	s17 =	simm.s32 $0xED30;
	[sflag:s29] =	ssyncadd.s32 $0xFFFFEC00  }
0xd7: {  	[spmem:s1] =	stream.indirect.scatter.add.f32 [tilespmem:s30], [sflag:$0x8], $0x40, s17, s23, $0xb8;
	[tilespmem:$0x15220] =	vst v63  }
0xd8: {  	_ =	swait.ge [sflag:s10], $0x1400  }
0xd9: {  	[sflag:s10] =	ssyncset.done $0x0  }
0xda: {  	s18 =	simm.s32 $0xC6C0;
	[sflag:s10] =	ssyncadd.s32 $0xFFFFEC00  }
0xdb: {  	[tilespmem:s0], [sflag:$0x5] =	stream.indirect.gather [hbm4b:s4+s23], $0x40, s18, s23, $0xb8;
	[tilespmem:$0x15220] =	vst v63  }
0xdc: {  	_ =	swait.ge [sflag:s24], $0x1400  }
0xdd: {  	[sflag:s24] =	ssyncset.done $0x0  }
0xde: {  	s17 =	simm.s32 $0xED80;
	[sflag:s24] =	ssyncadd.s32 $0xFFFFEC00  }
0xdf: {  	[spmem:s1] =	stream.indirect.scatter.add.f32 [tilespmem:s2], [sflag:$0x9], $0x40, s17, s23, $0xb8;
	[tilespmem:$0x15220] =	vst v63  }
0xe0: {  	_ =	swait.ge [sflag:s3], $0x1400  }
0xe1: {  	[sflag:s3] =	ssyncset.done $0x0  }
0xe2: {  	[sflag:s3] =	ssyncadd.s32 $0xFFFFEC00  }
0xe3: {  	_ =	swait.ge [sflag:s5], $0x1400  }
0xe4: {  	[sflag:s5] =	ssyncset.done $0x0  }
0xe5: {  	s18 =	simm.s32 $0xEDD0;
	[sflag:s5] =	ssyncadd.s32 $0xFFFFEC00  }
0xe6: {  	[spmem:s1] =	stream.indirect.scatter.add.f32 [tilespmem:s0], [sflag:$0xA], $0x40, s18, s23, $0xb8;
	[tilespmem:$0x15220] =	vst v63  }
0xe7: {  	_ =	swait.ge [sflag:s6], $0x1400  }
0xe8: {  	[sflag:s6] =	ssyncset.done $0x0  }
0xe9: {  	[sflag:s6] =	ssyncadd.s32 $0xFFFFEC00  }
0xea: {  	_ =	swait.ge [sflag:s7], $0x1400  }
0xeb: {  	[sflag:s7] =	ssyncset.done $0x0  }
0xec: {  	[sflag:s7] =	ssyncadd.s32 $0xFFFFEC00  }
0xed: {  	_ =	swait.ge [sflag:s8], $0x1400  }
0xee: {  	[sflag:s8] =	ssyncset.done $0x0  }
0xef: {  	[sflag:s8] =	ssyncadd.s32 $0xFFFFEC00  }
0xf0: {  	_ =	swait.ge [sflag:s10], $0x1400  }
0xf1: {  	[sflag:s10] =	ssyncset.done $0x0  }
0xf2: {  	s17 =	stileid.u32;
	[sflag:s10] =	ssyncadd.s32 $0xFFFFEC00  }
0xf3: {  	s12 =	sshll.u32 s17, $0x6;
	[bflag:$0x0] =	sbarrier.arrive $0xFFFF  }
0xf4: {  	s12 =	sor.u32 $0x1C0D, s12;
	s17 =	rddreg [dreg:$0x7]  }
0xf5: {  	[hbm:s17], [sflag:s12] =	dma.local [spmem:s25], $0x1400  }
0xf6: {  	_ =	swait.ge [sflag:s20], $0x1400  }
0xf7: {  	s11 =	sadd.s32 $0x1, s11;
	s18 =	rddreg [dreg:$0x8]  }
0xf8: {  	p0 =	sne.s32 s11, s18  }
.Ltmp2:
0xf9: {  	_ = 	snop;
	(pc) =	sbr.rel @p0 .LBB2_1-.Ltmp2, $3  }
0xfa: {  	_ =	sdelay $0x1  }
0xfb: {  	[sflag:s20] =	ssyncset.done $0x0  }
0xfc: {  	[sflag:s20] =	ssyncadd.s32 $0xFFFFEC00  }
0xfd: {  	_ =	sfence.sel $0x180000  }
0xfe: {  	[bflag:$0x0] =	sbarrier.arrive $0xFFFF  }
0xff: {  	_ =	strace $0x9000004D  }
0x100: {  	s0 =	stileid.u32;
	[bflag:$0x2] =	sbarrier.arrive $0xFFFF  }
0x101: {  	p0 =	sne.s32 s0, $0x0;
	s0 =	rddreg [dreg:$0x4]  }
0x102: {  	s0 =	sadd.s32 @!p0 $0x100000, s0  }
0x103: {  	[sflag:s0] =	ssyncadd.tile.s32 @!p0 $0x1;
	_ =	shalt  }
.Lfunc_end2:
_tile_overlayer_lowered:
.L_overlay_start_2:
0x104: {  	(tag) =	ssettag $0x2  }
0x105: {  	s0 =	rddreg [dreg:$0x0];
	s2 =	stileid.u32  }
0x106: {  	s1 =	rddreg [dreg:$0x1];
	p0 =	sne.s32 s2, $0x0  }
0x107: {  	s3 =	rddreg [dreg:$0x2];
	[bflag:$0x3] =	sbarrier.arrive $0xFFFF;
	s2 =	simm.s32 @!p0 $0x1C0D  }
0x108: {  	[timem:s3], [sflag:s2] =	dma.local @!p0 [hbm:s0], s1  }
0x109: {  	s0 =	simm.s32 @!p0 $0xD  }
0x10a: {  	_ =	swait.ge @!p0 [sflag:s0], s1  }
0x10b: {  	s1 =	ssub.s32 @!p0 $0x0, s1;
	[sflag:s0] =	ssyncset.done @!p0 $0x0  }
0x10c: {  	[sflag:s0] =	ssyncadd.s32 @!p0 s1  }
0x10d: {  	[bflag:$0x3] =	sbarrier.arrive $0xFFFF  }
0x10e: {  	_ =	shalt  }

// kernel: kernel.8.cloned.1.call-start
scs
__scs_entry_jumppad:
0x0: {  	(pc) =	sbr.rel $0x88, $3  }
0x1: {  	(tag) =	ssettag $0x0;
	lr =	simm.s32 $0x1  }
0x2: {  	[smem:$0x3F97] =	sst lr;
	_ =	strace $0xD0000000  }
0x3: {  	_ = 	snop  }
0x4: {  	_ = 	snop  }
0x5: {  	_ = 	snop  }
0x6: {  	_ = 	snop  }
0x7: {  	_ = 	snop  }
__scs_overlays_trampoline_lowered:
0x8: {  	[smem:$0x3FA6] =	sst s0  }
0x9: {  	[smem:$0x3FA7] =	sst s1  }
0xa: {  	[smem:$0x3FA8] =	sst s2  }
0xb: {  	[smem:$0x3FA9] =	sst s3  }
0xc: {  	[smem:$0x3FAA] =	sst s4  }
0xd: {  	[smem:$0x3FAB] =	sst s5  }
0xe: {  	[smem:$0x3FAC] =	sst s6  }
0xf: {  	[smem:$0x3FAD] =	sst s7  }
0x10: {  	[smem:$0x3FAE] =	sst s8  }
0x11: {  	[smem:$0x3FAF] =	sst s9;
	s0 =	simm.s32 @!p0 $0x0  }
0x12: {  	s1 =	sld [smem:$0x3F95];
	s0 =	simm.s32 @p0 $0x1  }
0x13: {  	[smem:$0x3FB0] =	sst s0;
	s0 =	simm.s32 @!p1 $0x0  }
0x14: {  	s2 =	sld [smem:$0x3F94];
	s0 =	simm.s32 @p1 $0x1  }
0x15: {  	[smem:$0x3FB1] =	sst s0;
	s0 =	simm.s32 @!p2 $0x0  }
0x16: {  	s3 =	sld [smem:$0x3FDB];
	s0 =	simm.s32 @p2 $0x1  }
0x17: {  	s4 =	simm.s32 $0x1BF5;
	[smem:$0x3FB3] =	sst s0  }
0x18: {  	s0 =	sld [smem:$0x3F96];
	_ =	swait.ge [sflag:s4], $0x0  }
0x19: {  	s7 =	sld [smem:$0x3F97]  }
0x1a: {  	s8 =	sadd.s32 $0xFFFFE003, lr  }
0x1b: {  	s9 =	sadd.s32 $0xFFFFFEF7, lr;
	s5 =	simm.s32 $0xFFFFFFFF;
	p2 =	slt.u32 s8, $0xFFFFF086  }
0x1c: {  	p1 =	slt.u32 s9, $0xF7A;
	s5 =	simm.s32 @!p2 $0x0  }
0x1d: {  	s5 =	simm.s32 @p1 $0x1;
	p0 =	seq.s32 s7, s2  }
0x1e: {  	s7 =	smul.u32 @!p0 $0xF7A, s2;
	p2 =	seq.s32 @!p0 s5, $0x0  }
0x1f: {  	s9 =	smul.u32 $0xF7A, s1;
	s8 =	simm.s32 @!p0 $0x1BF5;
	p2 =	por !p2, p0  }
0x20: {  	[sflag:s8] =	ssyncset.s32 @!p0 $0xFFFFF086;
	s6 =	sadd.s32 @!p0 s3, s7;
	s7 =	simm.s32 @!p0 $0x108  }
0x21: {  	s3 =	sadd.s32 s3, s9;
	s6 =	sadd.s32 @!p0 $0x88, s6;
	s7 =	simm.s32 @p2 $0x1082  }
0x22: {  	[simem:s7], [sflag:s8] =	dma.local @!p0 [hbm:s6], $0xF7A  }
0x23: {  	s9 =	sor.u32 $0xD0000000, s2;
	s6 =	simm.s32 $0x108;
	_ =	swait.ge @!p0 [sflag:s8], $0x0  }
0x24: {  	s3 =	sadd.s32 $0x88, s3;
	s6 =	simm.s32 @!p1 $0x1082;
	[sflag:s4] =	ssyncset.s32 $0xFFFFF086  }
0x25: {  	[simem:s6], [sflag:s4] =	dma.local [hbm:s3], $0xF7A  }
0x26: {  	[smem:$0x3F97] =	sst s1;
	(tag) =	ssettag s2;
	_ =	strace s9  }
0x27: {  	s1 =	sld [smem:$0x3FA7]  }
0x28: {  	s2 =	sld [smem:$0x3FA8]  }
0x29: {  	s4 =	sld [smem:$0x3FAA]  }
0x2a: {  	p0 =	seq.s32 s5, $0x0;
	s5 =	sld [smem:$0x3FAB]  }
0x2b: {  	s6 =	sld [smem:$0x3FAC]  }
0x2c: {  	s7 =	sld [smem:$0x3FAD]  }
0x2d: {  	s3 =	simm.s32 $0x108;
	s8 =	sld [smem:$0x3FAE]  }
0x2e: {  	s3 =	simm.s32 @!p0 $0x1082;
	s9 =	sld [smem:$0x3FAF]  }
0x2f: {  	lr =	sadd.s32 s0, s3;
	s0 =	sld [smem:$0x3FA6]  }
0x30: {  	s3 =	sld [smem:$0x3FA9]  }
0x31: {  	[smem:$0x3FB2] =	sst s10  }
0x32: {  	s10 =	sld [smem:$0x3FB0];
	_ =	sdelay $0x3  }
0x33: {  	p0 =	seq.s32 s10, $0x1;
	s10 =	sld [smem:$0x3FB2];
	_ =	sdelay $0x3  }
0x34: {  	[smem:$0x3FB2] =	sst s10  }
0x35: {  	s10 =	sld [smem:$0x3FB1];
	_ =	sdelay $0x3  }
0x36: {  	p1 =	seq.s32 s10, $0x1;
	s10 =	sld [smem:$0x3FB2];
	_ =	sdelay $0x3  }
0x37: {  	[smem:$0x3FB2] =	sst s10  }
0x38: {  	s10 =	sld [smem:$0x3FB3]  }
0x39: {  	_ = 	snop;
	(pc) =	sbr.ind lr, $3  }
0x3a: {  	_ = 	snop  }
0x3b: {  	_ = 	snop  }
0x3c: {  	p2 =	seq.s32 s10, $0x1;
	s10 =	sld [smem:$0x3FB2]  }
0x3d: {  	_ =	shalt  }
0x3e: {  	_ =	shalt  }
0x3f: {  	_ =	shalt  }
0x40: {  	_ =	shalt  }
0x41: {  	_ =	shalt  }
0x42: {  	_ =	shalt  }
0x43: {  	_ =	shalt  }
0x44: {  	_ =	shalt  }
0x45: {  	_ =	shalt  }
0x46: {  	_ =	shalt  }
0x47: {  	_ =	shalt  }
0x48: {  	_ =	shalt  }
0x49: {  	_ =	shalt  }
0x4a: {  	_ =	shalt  }
0x4b: {  	_ =	shalt  }
0x4c: {  	_ =	shalt  }
0x4d: {  	_ =	shalt  }
0x4e: {  	_ =	shalt  }
0x4f: {  	_ =	shalt  }
0x50: {  	_ =	shalt  }
0x51: {  	_ =	shalt  }
0x52: {  	_ =	shalt  }
0x53: {  	_ =	shalt  }
0x54: {  	_ =	shalt  }
0x55: {  	_ =	shalt  }
0x56: {  	_ =	shalt  }
0x57: {  	_ =	shalt  }
0x58: {  	_ =	shalt  }
0x59: {  	_ =	shalt  }
0x5a: {  	_ =	shalt  }
0x5b: {  	_ =	shalt  }
0x5c: {  	_ =	shalt  }
0x5d: {  	_ =	shalt  }
0x5e: {  	_ =	shalt  }
0x5f: {  	_ =	shalt  }
0x60: {  	_ =	shalt  }
0x61: {  	_ =	shalt  }
0x62: {  	_ =	shalt  }
0x63: {  	_ =	shalt  }
0x64: {  	_ =	shalt  }
0x65: {  	_ =	shalt  }
0x66: {  	_ =	shalt  }
0x67: {  	_ =	shalt  }
0x68: {  	_ =	shalt  }
0x69: {  	_ =	shalt  }
0x6a: {  	_ =	shalt  }
0x6b: {  	_ =	shalt  }
0x6c: {  	_ =	shalt  }
0x6d: {  	_ =	shalt  }
0x6e: {  	_ =	shalt  }
0x6f: {  	_ =	shalt  }
0x70: {  	_ =	shalt  }
0x71: {  	_ =	shalt  }
0x72: {  	_ =	shalt  }
0x73: {  	_ =	shalt  }
0x74: {  	_ =	shalt  }
0x75: {  	_ =	shalt  }
0x76: {  	_ =	shalt  }
0x77: {  	_ =	shalt  }
0x78: {  	_ =	shalt  }
0x79: {  	_ =	shalt  }
0x7a: {  	_ =	shalt  }
0x7b: {  	_ =	shalt  }
0x7c: {  	_ =	shalt  }
0x7d: {  	_ =	shalt  }
0x7e: {  	_ =	shalt  }
0x7f: {  	_ =	shalt  }
0x80: {  	_ =	shalt  }
0x81: {  	_ =	shalt  }
0x82: {  	_ =	shalt  }
0x83: {  	_ =	shalt  }
0x84: {  	_ =	shalt  }
0x85: {  	_ =	shalt  }
0x86: {  	_ =	shalt  }
0x87: {  	_ =	shalt  }
.Lfunc_end0:
.L_simem_size_0:
called_computation_lowered:
.L_overlay_start_0:
0x88: {  	s2 =	sld [smem:$0x3FD9]  }
0x89: {  	s3 =	sld [smem:$0x3FFE];
	_ =	sdelay $0x1  }
0x8a: {  	s1 =	srdreg.scid  }
0x8b: {  	s0 =	sand.u32 $0x1, s1  }
0x8c: {  	s14 =	sshll.u32 s0, $0xA;
	s2 =	sadd.s32 s3, s2  }
0x8d: {  	s2 =	sadd.s32 s2, s14  }
0x8e: {  	[smem:$0x3FBE] =	sst s2  }
0x8f: {  	_ = 	snop  }
0x90: {  	s2 =	sld [smem:$0x3FD0];
	_ =	sdelay $0x2  }
0x91: {  	s15 =	simm.s32 $0xA;
	s4 =	simm.s32 $0x10  }
0x92: {  	[smem:s4], [sflag:s15] =	dma.local [hbm:s2], $0x1  }
0x93: {  	_ =	swait.eq [sflag:s15], $0x1  }
0x94: {  	[sflag:s15] =	ssyncset.done $0x0  }
0x95: {  	s16 =	sld [smem:$0x10];
	[sflag:s15] =	ssyncadd.s32 $0xFFFFFFFF  }
0x96: {  	s17 =	sld [smem:$0x11];
	(tm) =	ssettm $0x1  }
0x97: {  	s18 =	sld [smem:$0x3FFB];
	_ =	sdelay $0x3  }
0x98: {  	_ =	strace s18  }
0x99: {  	s4 =	sld [smem:$0x3FFC];
	_ =	sdelay $0x3  }
0x9a: {  	_ =	strace s4  }
0x9b: {  	s4 =	sld [smem:$0x3FFD];
	_ =	sdelay $0x3  }
0x9c: {  	_ =	strace s4  }
0x9d: {  	_ =	strace $0x8FFFFFFF  }
0x9e: {  	s19 =	sld [smem:$0x3FDB];
	_ =	sdelay $0x1  }
0x9f: {  	s5 =	simm.s32 $_scs_section_size  }
0xa0: {  	s6 =	simm.s32 $_size__tile_overlayer_lowered;
	s7 =	simm.s32 $_tile_overlayer_lowered  }
0xa1: {  	s22 =	simm.s32 $0x1BFF;
	s21 =	sshll.u32 s7, $0x1;
	s4 =	sadd.s32 s5, s19  }
0xa2: {  	s8 =	simm.s32 $0x0;
	s20 =	sshll.u32 s6, $0x1;
	s6 =	sadd.s32 s21, s4  }
0xa3: {  	[timem:s8], [sflag:s22] =	dma.local [hbm:s6], s20  }
0xa4: {  	_ =	swait.ge [sflag:s22], s20  }
0xa5: {  	s5 =	ssub.s32 $0x0, s20;
	[sflag:s22] =	ssyncset.done $0x0  }
0xa6: {  	[sflag:s22] =	ssyncadd.s32 s5;
	_ =	sdelay $0x1  }
0xa7: {  	s23 =	simm.s32 $0x1B8B  }
0xa8: {  	_ =	swait.ge [sflag:s23], $0x1  }
0xa9: {  	[sflag:s23] =	ssyncset.done $0x0  }
0xaa: {  	s25 =	simm.s32 $0x1B8E;
	s24 =	sld [smem:$0x3FFE];
	[sflag:s23] =	ssyncadd.s32 $0xFFFFFFFF  }
0xab: {  	s26 =	simm.s32 $execute0_lowered;
	[smem:$0x3FD2] =	sst s25  }
0xac: {  	s6 =	sshll.u32 s26, $0x1;
	_ =	strace $0x80000046;
	[dreg:$0x1] =	wrdreg $0xFFFFFFFF  }
0xad: {  	s28 =	simm.s32 $_size_execute0_lowered;
	s4 =	sadd.s32 s4, s6;
	[dreg:$0x0] =	wrdreg $0x0  }
0xae: {  	s6 =	sshll.u32 s28, $0x1;
	[dreg:$0x2] =	wrdreg s4  }
0xaf: {  	[dreg:$0x3] =	wrdreg s6  }
0xb0: {  	[dreg:$0x4] =	wrdreg $0xC0  }
0xb1: {  	_ =	task [dreg:s8], $0x5FFFF  }
0xb2: {  	[dreg:$0x1] =	wrdreg $0xFFFFFFFF  }
0xb3: {  	[dreg:$0x0] =	wrdreg $0x60  }
0xb4: {  	[dreg:$0x2] =	wrdreg s16  }
0xb5: {  	[dreg:$0x3] =	wrdreg s17  }
0xb6: {  	[dreg:$0x4] =	wrdreg s24  }
0xb7: {  	[dreg:$0x5] =	wrdreg $0x9  }
0xb8: {  	_ =	task.clear_ibuf [dreg:s8], $0x6FFFF;
	_ =	strace $0x90000046  }
0xb9: {  	s29 =	simm.s32 $0x9;
	_ =	strace $0x80000048  }
0xba: {  	_ =	swait.ge [sflag:s29], $0x1  }
0xbb: {  	[sflag:s29] =	ssyncadd.s32 $0xFFFFFFFF  }
0xbc: {  	_ =	strace $0x90000048  }
0xbd: {  	_ =	sfence  }
0xbe: {  	s30 =	sld [smem:$0x0];
	_ =	sdelay $0x2  }
0xbf: {  	s31 =	sshll.u32 s1, $0xD;
	s1 =	sshrl.u32 s1, $0x2  }
0xc0: {  	s3 =	sand.u32 $0x4000, s31;
	s1 =	sadd.s32 s1, s30  }
0xc1: {  	s0 =	sor.u32 s3, s0;
	s1 =	sshll.u32 s1, $0x11  }
0xc2: {  	s0 =	sor.u32 s1, s0  }
0xc3: {  	s0 =	sadd.s32 $0x8F2B, s0  }
0xc4: {  	[sflag:s0] =	ssyncadd.remote.s32 $0x1  }
0xc5: {  	_ =	sfence.sel $0xFFFF  }
0xc6: {  	[dreg:$0x0] =	wrdreg $0xFFFFFFFF;
	(pc) =	sbr.abs _section_cstart, $3  }
0xc7: {  	[dreg:$0x1] =	wrdreg $0xFFFFFFFF  }
0xc8: {  	_ =	task.clear_ibuf [dreg:s8], $0x2FFFF;
	_ =	strace $0x9FFFFFFF  }
0xc9: {  	(tm) =	ssettm $0x7FFFFFFF  }
tec
execute0_lowered:
.L_overlay_start_1:
0x0: {  	(tag) =	ssettag $0x1  }
0x1: {  	s10 =	rddreg [dreg:$0x0]  }
0x2: {  	s15 =	rddreg [dreg:$0x1];
	s1 =	srdreg.scid  }
0x3: {  	s0 =	stileid.u32;
	s3 =	rddreg [dreg:$0x2];
	s17 =	simm.s32 $0x1  }
0x4: {  	s18 =	simm.s32 $0x2800;
	s4 =	sand.u32 $0x1, s1;
	s2 =	sshll.u32 s0, $0x1  }
0x5: {  	s19 =	simm.s32 $0x80;
	s20 =	simm.s32 $0x100;
	s5 =	sor.u32 s4, s2  }
0x6: {  	s21 =	simm.s32 $0x0;
	s2 =	simm.s32 $0x0;
	s6 =	smul.u32 $0xA00, s5  }
0x7: {  	s4 =	ssub.s32 $0x2, s4;
	[smem:$0x7FF] =	sst s2;
	s5 =	smul.u32 $0x2710, s5  }
0x8: {  	s1 =	rddreg [dreg:$0x3];
	s7 =	sshrl.u32 s4, $0x1;
	_ =	strace $0x80000047  }
0x9: {  	s7 =	ssub.s32 s4, s7;
	s6 =	sadd.s32 s6, s3;
	s11 =	sshrl.u32 s5, $0x3  }
0xa: {  	s5 =	smax.u32 s7, $0x1;
	s3 =	sadd.s32 $0x2400, s6;
	s4 =	sadd.s32 $0x2410, s6  }
0xb: {  	s6 =	sadd.s32 s10, s11;
	s12 =	sadd.s32 $0xFA, s11;
	s13 =	sadd.s32 $0x1F4, s11  }
0xc: {  	s14 =	sadd.s32 $0x2EE, s11;
	s16 =	sadd.s32 $0x3E8, s11;
	s11 =	sadd.s32 s15, s11  }
0xd: {  	s7 =	sadd.s32 s10, s12;
	s8 =	sadd.s32 s10, s13;
	s9 =	sadd.s32 s10, s14  }
0xe: {  	s10 =	sadd.s32 s10, s16;
	s12 =	sadd.s32 s15, s12;
	s13 =	sadd.s32 s15, s13  }
0xf: {  	v0 =	vimm.f32 $0.0e+00;
	v1 =	vimm.f32 $1.000000000e+00;
	s14 =	sadd.s32 s15, s14;
	s15 =	sadd.s32 s15, s16;
	s16 =	simm.s32 $0x5000  }
.LBB2_1:
0x10: {  	s22 =	simm.s32 $0x40;
	s23 =	simm.s32 $0x0  }
.LBB2_2:
0x11: {  	p0 =	sne.s32 s22, $0x9FC0;
	[tilespmem:s23+$0x0] =	vst v0;
	s24 =	smov.u32 s22;
	s22 =	sadd.s32 $0x40, s22  }
.Ltmp0:
0x12: {  	[tilespmem:s23+$0x2800] =	vst v0;
	(pc) =	sbr.rel @p0 .LBB2_2-.Ltmp0, $2  }
0x13: {  	_ =	sdelay $0x2  }
0x14: {  	s23 =	sshra.s32 s24, $0x2  }
0x15: {  	[tilespmem:s23+$0x0] =	vst v0  }
0x16: {  	[tilespmem:s23+$0x2800] =	vst v0;
	s22 =	simm.s32 $0x0  }
0x17: {  	[tilespmem:s16], [sflag:$0x1] =	stream.linear.gather [hbm4b:s6+s22], $0x7D0, $0x38;
	[tilespmem:$0x5800] =	vst v63  }
0x18: {  	_ =	swait.ge [sflag:s17], $0x7D0  }
0x19: {  	[sflag:s17] =	ssyncset.done $0x0  }
0x1a: {  	s23 =	simm.s32 $0x0;
	s22 =	simm.s32 $0x40;
	[sflag:s17] =	ssyncadd.s32 $0xFFFFF830  }
.LBB2_4:
0x1b: {  	p0 =	sne.s32 s22, $0x1F00;
	v2 =	vld [tilespmem:s23+$0x5000];
	_ =	sdelay $0x3  }
.Ltmp1:
0x1c: {  	(pc) =	sbr.rel @p0 .LBB2_4-.Ltmp1, $2  }
0x1d: {  	_ =	sdelay $0x2  }
0x1e: {  	s23 =	sshra.s32 s22, $0x2;
	s22 =	sadd.s32 $0x40, s22;
	[tilespmem:v2+s2+$0x0] =	vst.idx.add.f32.msk $0xffff, v1  }
0x1f: {  	v2 =	vld [tilespmem:s23+$0x5000];
	_ =	sdelay $0x7  }
0x20: {  	s22 =	simm.s32 $0x0;
	[tilespmem:v2+s2+$0x0] =	vst.idx.add.f32.msk $0xffff, v1  }
0x21: {  	[tilespmem:s16], [sflag:$0x1] =	stream.linear.gather [hbm4b:s7+s22], $0x7D0, $0x38;
	[tilespmem:$0x5800] =	vst v63  }
0x22: {  	_ =	swait.ge [sflag:s17], $0x7D0  }
0x23: {  	[sflag:s17] =	ssyncset.done $0x0  }
0x24: {  	s23 =	simm.s32 $0x0;
	s22 =	simm.s32 $0x40;
	[sflag:s17] =	ssyncadd.s32 $0xFFFFF830  }
.LBB2_6:
0x25: {  	p0 =	sne.s32 s22, $0x1F00;
	v2 =	vld [tilespmem:s23+$0x5000];
	_ =	sdelay $0x3  }
.Ltmp2:
0x26: {  	(pc) =	sbr.rel @p0 .LBB2_6-.Ltmp2, $2  }
0x27: {  	_ =	sdelay $0x2  }
0x28: {  	s23 =	sshra.s32 s22, $0x2;
	s22 =	sadd.s32 $0x40, s22;
	[tilespmem:v2+s2+$0x0] =	vst.idx.add.f32.msk $0xffff, v1  }
0x29: {  	v2 =	vld [tilespmem:s23+$0x5000];
	_ =	sdelay $0x7  }
0x2a: {  	s22 =	simm.s32 $0x0;
	[tilespmem:v2+s2+$0x0] =	vst.idx.add.f32.msk $0xffff, v1  }
0x2b: {  	[tilespmem:s16], [sflag:$0x1] =	stream.linear.gather [hbm4b:s8+s22], $0x7D0, $0x38;
	[tilespmem:$0x5800] =	vst v63  }
0x2c: {  	_ =	swait.ge [sflag:s17], $0x7D0  }
0x2d: {  	[sflag:s17] =	ssyncset.done $0x0  }
0x2e: {  	s23 =	simm.s32 $0x0;
	s22 =	simm.s32 $0x40;
	[sflag:s17] =	ssyncadd.s32 $0xFFFFF830  }
.LBB2_8:
0x2f: {  	p0 =	sne.s32 s22, $0x1F00;
	v2 =	vld [tilespmem:s23+$0x5000];
	_ =	sdelay $0x3  }
.Ltmp3:
0x30: {  	(pc) =	sbr.rel @p0 .LBB2_8-.Ltmp3, $2  }
0x31: {  	_ =	sdelay $0x2  }
0x32: {  	s23 =	sshra.s32 s22, $0x2;
	s22 =	sadd.s32 $0x40, s22;
	[tilespmem:v2+s2+$0x0] =	vst.idx.add.f32.msk $0xffff, v1  }
0x33: {  	v2 =	vld [tilespmem:s23+$0x5000];
	_ =	sdelay $0x7  }
0x34: {  	s22 =	simm.s32 $0x0;
	[tilespmem:v2+s2+$0x0] =	vst.idx.add.f32.msk $0xffff, v1  }
0x35: {  	[tilespmem:s16], [sflag:$0x1] =	stream.linear.gather [hbm4b:s9+s22], $0x7D0, $0x38;
	[tilespmem:$0x5800] =	vst v63  }
0x36: {  	_ =	swait.ge [sflag:s17], $0x7D0  }
0x37: {  	[sflag:s17] =	ssyncset.done $0x0  }
0x38: {  	s23 =	simm.s32 $0x0;
	s22 =	simm.s32 $0x40;
	[sflag:s17] =	ssyncadd.s32 $0xFFFFF830  }
.LBB2_10:
0x39: {  	p0 =	sne.s32 s22, $0x1F00;
	v2 =	vld [tilespmem:s23+$0x5000];
	_ =	sdelay $0x3  }
.Ltmp4:
0x3a: {  	(pc) =	sbr.rel @p0 .LBB2_10-.Ltmp4, $2  }
0x3b: {  	_ =	sdelay $0x2  }
0x3c: {  	s23 =	sshra.s32 s22, $0x2;
	s22 =	sadd.s32 $0x40, s22;
	[tilespmem:v2+s2+$0x0] =	vst.idx.add.f32.msk $0xffff, v1  }
0x3d: {  	v2 =	vld [tilespmem:s23+$0x5000];
	_ =	sdelay $0x7  }
0x3e: {  	s22 =	simm.s32 $0x0;
	[tilespmem:v2+s2+$0x0] =	vst.idx.add.f32.msk $0xffff, v1  }
0x3f: {  	[tilespmem:s16], [sflag:$0x1] =	stream.linear.gather [hbm4b:s10+s22], $0x7D0, $0x38;
	[tilespmem:$0x5800] =	vst v63  }
0x40: {  	_ =	swait.ge [sflag:s17], $0x7D0  }
0x41: {  	[sflag:s17] =	ssyncset.done $0x0  }
0x42: {  	s23 =	simm.s32 $0x0;
	s22 =	simm.s32 $0x40;
	[sflag:s17] =	ssyncadd.s32 $0xFFFFF830  }
.LBB2_12:
0x43: {  	p0 =	sne.s32 s22, $0x1F00;
	v2 =	vld [tilespmem:s23+$0x5000];
	_ =	sdelay $0x3  }
.Ltmp5:
0x44: {  	(pc) =	sbr.rel @p0 .LBB2_12-.Ltmp5, $2  }
0x45: {  	_ =	sdelay $0x2  }
0x46: {  	s23 =	sshra.s32 s22, $0x2;
	s22 =	sadd.s32 $0x40, s22;
	[tilespmem:v2+s2+$0x0] =	vst.idx.add.f32.msk $0xffff, v1  }
0x47: {  	v2 =	vld [tilespmem:s23+$0x5000];
	_ =	sdelay $0x7  }
0x48: {  	s22 =	simm.s32 $0x0;
	[tilespmem:v2+s2+$0x0] =	vst.idx.add.f32.msk $0xffff, v1  }
0x49: {  	[tilespmem:s16], [sflag:$0x1] =	stream.linear.gather [hbm4b:s11+s22], $0x7D0, $0x38;
	[tilespmem:$0x5800] =	vst v63  }
0x4a: {  	_ =	swait.ge [sflag:s17], $0x7D0  }
0x4b: {  	[sflag:s17] =	ssyncset.done $0x0  }
0x4c: {  	s23 =	simm.s32 $0x0;
	s22 =	simm.s32 $0x40;
	[sflag:s17] =	ssyncadd.s32 $0xFFFFF830  }
.LBB2_14:
0x4d: {  	p0 =	sne.s32 s22, $0x1F00;
	v2 =	vld [tilespmem:s23+$0x5000];
	_ =	sdelay $0x3  }
.Ltmp6:
0x4e: {  	(pc) =	sbr.rel @p0 .LBB2_14-.Ltmp6, $2  }
0x4f: {  	_ =	sdelay $0x2  }
0x50: {  	s23 =	sshra.s32 s22, $0x2;
	s22 =	sadd.s32 $0x40, s22;
	[tilespmem:v2+s18+$0x0] =	vst.idx.add.f32.msk $0xffff, v1  }
0x51: {  	v2 =	vld [tilespmem:s23+$0x5000];
	_ =	sdelay $0x7  }
0x52: {  	s22 =	simm.s32 $0x0;
	[tilespmem:v2+s18+$0x0] =	vst.idx.add.f32.msk $0xffff, v1  }
0x53: {  	[tilespmem:s16], [sflag:$0x1] =	stream.linear.gather [hbm4b:s12+s22], $0x7D0, $0x38;
	[tilespmem:$0x5800] =	vst v63  }
0x54: {  	_ =	swait.ge [sflag:s17], $0x7D0  }
0x55: {  	[sflag:s17] =	ssyncset.done $0x0  }
0x56: {  	s23 =	simm.s32 $0x0;
	s22 =	simm.s32 $0x40;
	[sflag:s17] =	ssyncadd.s32 $0xFFFFF830  }
.LBB2_16:
0x57: {  	p0 =	sne.s32 s22, $0x1F00;
	v2 =	vld [tilespmem:s23+$0x5000];
	_ =	sdelay $0x3  }
.Ltmp7:
0x58: {  	(pc) =	sbr.rel @p0 .LBB2_16-.Ltmp7, $2  }
0x59: {  	_ =	sdelay $0x2  }
0x5a: {  	s23 =	sshra.s32 s22, $0x2;
	s22 =	sadd.s32 $0x40, s22;
	[tilespmem:v2+s18+$0x0] =	vst.idx.add.f32.msk $0xffff, v1  }
0x5b: {  	v2 =	vld [tilespmem:s23+$0x5000];
	_ =	sdelay $0x7  }
0x5c: {  	s22 =	simm.s32 $0x0;
	[tilespmem:v2+s18+$0x0] =	vst.idx.add.f32.msk $0xffff, v1  }
0x5d: {  	[tilespmem:s16], [sflag:$0x1] =	stream.linear.gather [hbm4b:s13+s22], $0x7D0, $0x38;
	[tilespmem:$0x5800] =	vst v63  }
0x5e: {  	_ =	swait.ge [sflag:s17], $0x7D0  }
0x5f: {  	[sflag:s17] =	ssyncset.done $0x0  }
0x60: {  	s23 =	simm.s32 $0x0;
	s22 =	simm.s32 $0x40;
	[sflag:s17] =	ssyncadd.s32 $0xFFFFF830  }
.LBB2_18:
0x61: {  	p0 =	sne.s32 s22, $0x1F00;
	v2 =	vld [tilespmem:s23+$0x5000];
	_ =	sdelay $0x3  }
.Ltmp8:
0x62: {  	(pc) =	sbr.rel @p0 .LBB2_18-.Ltmp8, $2  }
0x63: {  	_ =	sdelay $0x2  }
0x64: {  	s23 =	sshra.s32 s22, $0x2;
	s22 =	sadd.s32 $0x40, s22;
	[tilespmem:v2+s18+$0x0] =	vst.idx.add.f32.msk $0xffff, v1  }
0x65: {  	v2 =	vld [tilespmem:s23+$0x5000];
	_ =	sdelay $0x7  }
0x66: {  	s22 =	simm.s32 $0x0;
	[tilespmem:v2+s18+$0x0] =	vst.idx.add.f32.msk $0xffff, v1  }
0x67: {  	[tilespmem:s16], [sflag:$0x1] =	stream.linear.gather [hbm4b:s14+s22], $0x7D0, $0x38;
	[tilespmem:$0x5800] =	vst v63  }
0x68: {  	_ =	swait.ge [sflag:s17], $0x7D0  }
0x69: {  	[sflag:s17] =	ssyncset.done $0x0  }
0x6a: {  	s23 =	simm.s32 $0x0;
	s22 =	simm.s32 $0x40;
	[sflag:s17] =	ssyncadd.s32 $0xFFFFF830  }
.LBB2_20:
0x6b: {  	p0 =	sne.s32 s22, $0x1F00;
	v2 =	vld [tilespmem:s23+$0x5000];
	_ =	sdelay $0x3  }
.Ltmp9:
0x6c: {  	(pc) =	sbr.rel @p0 .LBB2_20-.Ltmp9, $2  }
0x6d: {  	_ =	sdelay $0x2  }
0x6e: {  	s23 =	sshra.s32 s22, $0x2;
	s22 =	sadd.s32 $0x40, s22;
	[tilespmem:v2+s18+$0x0] =	vst.idx.add.f32.msk $0xffff, v1  }
0x6f: {  	v2 =	vld [tilespmem:s23+$0x5000];
	_ =	sdelay $0x7  }
0x70: {  	s22 =	simm.s32 $0x0;
	[tilespmem:v2+s18+$0x0] =	vst.idx.add.f32.msk $0xffff, v1  }
0x71: {  	[tilespmem:s16], [sflag:$0x1] =	stream.linear.gather [hbm4b:s15+s22], $0x7D0, $0x38;
	[tilespmem:$0x5800] =	vst v63  }
0x72: {  	_ =	swait.ge [sflag:s17], $0x7D0  }
0x73: {  	[sflag:s17] =	ssyncset.done $0x0  }
0x74: {  	s23 =	simm.s32 $0x0;
	s22 =	simm.s32 $0x40;
	[sflag:s17] =	ssyncadd.s32 $0xFFFFF830  }
.LBB2_22:
0x75: {  	p0 =	sne.s32 s22, $0x1F00;
	v2 =	vld [tilespmem:s23+$0x5000];
	_ =	sdelay $0x3  }
.Ltmp10:
0x76: {  	(pc) =	sbr.rel @p0 .LBB2_22-.Ltmp10, $2  }
0x77: {  	_ =	sdelay $0x2  }
0x78: {  	s23 =	sshra.s32 s22, $0x2;
	s22 =	sadd.s32 $0x40, s22;
	[tilespmem:v2+s18+$0x0] =	vst.idx.add.f32.msk $0xffff, v1  }
0x79: {  	v2 =	vld [tilespmem:s23+$0x5000];
	_ =	sdelay $0x7  }
0x7a: {  	[tilespmem:v2+s18+$0x0] =	vst.idx.add.f32.msk $0xffff, v1  }
0x7b: {  	[hbm4b:s3+s19] =	stream.strided.scatter [tilespmem:s2], [sflag:$0x1], $0x2800, s20, s19, $0x38;
	[tilespmem:$0x5800] =	vst v63  }
0x7c: {  	s21 =	sadd.s32 $0x1, s21;
	_ =	swait.ge [sflag:s17], $0x2800  }
0x7d: {  	p0 =	sne.s32 s21, s5;
	[sflag:s17] =	ssyncset.done $0x0  }
.Ltmp11:
0x7e: {  	[sflag:s17] =	ssyncadd.s32 $0xFFFFD800;
	(pc) =	sbr.rel @p0 .LBB2_1-.Ltmp11, $4  }
0x7f: {  	[hbm4b:s4+s19] =	stream.strided.scatter [tilespmem:s18], [sflag:$0x1], $0x2800, s20, s19, $0x38;
	[tilespmem:$0x5800] =	vst v63  }
0x80: {  	_ =	swait.ge [sflag:s17], $0x2800  }
0x81: {  	[sflag:s17] =	ssyncset.done $0x0  }
0x82: {  	[sflag:s17] =	ssyncadd.s32 $0xFFFFD800  }
0x83: {  	_ =	sfence.sel $0x180000  }
0x84: {  	[bflag:$0x0] =	sbarrier.arrive $0xFFFF  }
0x85: {  	p0 =	sne.s32 s0, $0x0;
	_ =	strace $0x90000047  }
0x86: {  	s0 =	sadd.s32 @!p0 $0x100000, s1;
	[bflag:$0x2] =	sbarrier.arrive $0xFFFF  }
0x87: {  	[sflag:s0] =	ssyncadd.tile.s32 @!p0 $0x1;
	_ =	shalt  }
.Lfunc_end2:
_tile_overlayer_lowered:
.L_overlay_start_2:
0x88: {  	(tag) =	ssettag $0x2  }
0x89: {  	s0 =	rddreg [dreg:$0x0];
	s2 =	stileid.u32  }
0x8a: {  	s1 =	rddreg [dreg:$0x1];
	p0 =	sne.s32 s2, $0x0  }
0x8b: {  	s3 =	rddreg [dreg:$0x2];
	[bflag:$0x3] =	sbarrier.arrive $0xFFFF;
	s2 =	simm.s32 @!p0 $0x1C01  }
0x8c: {  	[timem:s3], [sflag:s2] =	dma.local @!p0 [hbm:s0], s1  }
0x8d: {  	s0 =	simm.s32 @!p0 $0x1  }
0x8e: {  	_ =	swait.ge @!p0 [sflag:s0], s1  }
0x8f: {  	s1 =	ssub.s32 @!p0 $0x0, s1;
	[sflag:s0] =	ssyncset.done @!p0 $0x0  }
0x90: {  	[sflag:s0] =	ssyncadd.s32 @!p0 s1  }
0x91: {  	[bflag:$0x3] =	sbarrier.arrive $0xFFFF  }
0x92: {  	_ =	shalt  }

</sc_bundles>
